<compile_context>
chip_gen: v7x
topology: tpu7x:2x2x1
jax: 0.10.2.dev20260603
libtpu: 0.0.44.dev20260713+nightly
codegen_flags: <defaults>
</compile_context>

<pallas_src>
import functools

import jax
import jax.numpy as jnp
from jax import lax
from jax.experimental import pallas as pl
from jax.experimental.pallas import tpu as pltpu
from jax.experimental.pallas import tpu_sc as plsc

N = 10000
E = 320000
IN_DIM = 128
D = 128

NC = 2
NS = 16
CHUNK = 125
PHASES = 4
CPP = 20
CPW = PHASES * CPP
NBUF = 2
NP = 10240
ZR = NP // NS

_MM_BLK = 5000


def _mm_body(h_ref, w_ref, b_ref, n_ref, o_ref):
    acc = jnp.dot(h_ref[...], w_ref[...], preferred_element_type=jnp.float32)
    o_ref[...] = (acc + b_ref[...]) * n_ref[...]


def _matmul(h, wcat, bcat, norm):
    return pl.pallas_call(
        _mm_body,
        grid=(N // _MM_BLK,),
        in_specs=[
            pl.BlockSpec((_MM_BLK, IN_DIM), lambda i: (i, 0)),
            pl.BlockSpec((IN_DIM, D), lambda i: (0, 0)),
            pl.BlockSpec((1, D), lambda i: (0, 0)),
            pl.BlockSpec((_MM_BLK, 1), lambda i: (i, 0)),
        ],
        out_specs=pl.BlockSpec((_MM_BLK, D), lambda i: (i, 0)),
        out_shape=jax.ShapeDtypeStruct((N, D), jnp.float32),
    )(h, wcat, bcat, norm)


def _fin_body(p_ref, n_ref, o_ref):
    o_ref[...] = (p_ref[0] + p_ref[1]) * n_ref[...]


def _combine(parts, norm):
    return pl.pallas_call(
        _fin_body,
        grid=(N // _MM_BLK,),
        in_specs=[
            pl.BlockSpec((2, _MM_BLK, D), lambda i: (0, i, 0)),
            pl.BlockSpec((_MM_BLK, 1), lambda i: (i, 0)),
        ],
        out_specs=pl.BlockSpec((_MM_BLK, D), lambda i: (i, 0)),
        out_shape=jax.ShapeDtypeStruct((N, D), jnp.float32),
    )(parts, norm)


_SC_MESH = plsc.VectorSubcoreMesh(
    core_axis_name="c", subcore_axis_name="s", num_cores=NC, num_subcores=NS)


@functools.partial(
    pl.kernel,
    out_type=jax.ShapeDtypeStruct((NC, NP, D), jnp.float32),
    mesh=_SC_MESH,
    scratch_types=[
        pltpu.VMEM((CPP, CHUNK), jnp.int32),
        pltpu.VMEM((CPP, CHUNK), jnp.int32),
        [pltpu.VMEM((CHUNK, D), jnp.float32) for _ in range(NBUF)],
        pltpu.VMEM_SHARED((NP, D), jnp.float32),
        [pltpu.SemaphoreType.DMA for _ in range(NBUF)],
    ],
)
def _sc_scatter(hi_hbm, edges_hbm, zero_hbm, out_hbm,
                src_v, dst_v, rows_v, acc, sems):
    cid = lax.axis_index("c")
    sid = lax.axis_index("s")
    pltpu.sync_copy(zero_hbm, acc.at[pl.ds(sid * ZR, ZR)])
    plsc.subcore_barrier()

    for p in range(PHASES):
        pltpu.sync_copy(edges_hbm.at[0, cid, sid, p], src_v)
        pltpu.sync_copy(edges_hbm.at[1, cid, sid, p], dst_v)
        for b in range(NBUF):
            pltpu.async_copy(hi_hbm.at[src_v.at[b]], rows_v[b], sems[b])

        def body(g, carry):
            for b in range(NBUF):
                j = g * NBUF + b
                pltpu.make_async_copy(
                    hi_hbm.at[src_v.at[j]], rows_v[b], sems[b]).wait()
                pltpu.sync_copy(rows_v[b], acc.at[dst_v.at[j]], add=True)

                @pl.when(j + NBUF < CPP)
                def _():
                    pltpu.async_copy(
                        hi_hbm.at[src_v.at[j + NBUF]], rows_v[b], sems[b])
            return carry

        lax.fori_loop(0, CPP // NBUF, body, 0)
    plsc.subcore_barrier()
    pltpu.sync_copy(acc.at[pl.ds(sid * ZR, ZR)],
                    out_hbm.at[cid, pl.ds(sid * ZR, ZR)])


def kernel(t, h, edge_index, norm, W, b):
    del t
    wcat = W.transpose(1, 0, 2).reshape(IN_DIM, D)
    bcat = b.reshape(1, D)
    hi = _matmul(h, wcat, bcat, norm)

    edges = edge_index.reshape(2, NC, NS, PHASES, CPP, CHUNK)
    zero = jnp.zeros((ZR, D), jnp.float32)

    parts = _sc_scatter(hi, edges, zero)
    return _combine(parts, norm)

# --- scband reference (transcript-rebuilt; emitter-appended) ---
"""Pipeline reference for scband-multi-head-gatode-57655640981627 (READ-ONLY COPY).

The authoritative reference and input builder live on the scoring server;
editing this copy changes nothing except your own understanding.
"""

import jax, jax.numpy as jnp
import numpy as np
import math

N = 10000
E = 320000
IN_DIM = 128
OUT_DIM = 32
NUM_HEADS = 4


def setup_inputs(seed: int = 0) -> dict:
    key = jax.random.key(seed)
    k1, k2, k3, k4 = jax.random.split(key, 4)
    h = jax.random.normal(k1, (N, IN_DIM), dtype=jnp.float32)
    edge_index = jax.random.randint(k2, (2, E), 0, N, dtype=jnp.int32)
    # symmetric GCN norm term per node: deg(dst)^{-1/2}, stored as 'norm' node data
    deg = jnp.bincount(edge_index[1], length=N).astype(jnp.float32)
    norm = jnp.power(jnp.clip(deg, 1.0, None), -0.5)[:, None]
    # per-head Linear(in_feats, out_feats) params with the module's uniform init
    stdv = 1.0 / math.sqrt(IN_DIM)
    W = jax.random.uniform(k3, (NUM_HEADS, IN_DIM, OUT_DIM), minval=-stdv, maxval=stdv, dtype=jnp.float32)
    b = jax.random.uniform(k4, (NUM_HEADS, OUT_DIM), minval=-stdv, maxval=stdv, dtype=jnp.float32)
    t = jnp.zeros((), dtype=jnp.float32)
    return {"t": t, "h": h, "edge_index": edge_index, "norm": norm, "W": W, "b": b}


def reference(t, h, edge_index, norm, W, b):
    # MultiHeadGATODE.forward(t, h) with odetype='gcn', merge='cat',
    # activation=None, dropout=0 (identity). t is unused by GCNODE heads.
    src = edge_index[0]
    dst = edge_index[1]
    head_outs = []
    for i in range(NUM_HEADS):
        hi = h @ W[i] + b[i]          # self.weight(h)
        hi = hi * norm                # h * norm
        msgs = jnp.take(hi, src, axis=0)  # copy_u: message = h[src]
        agg = jnp.zeros_like(hi).at[dst].add(msgs)  # fn.sum scatter-add to dst
        hi = agg * norm               # h * norm again
        head_outs.append(hi)
    return jnp.concatenate(head_outs, axis=1)

if __name__ == "__main__":
    import jax
    _d = setup_inputs()
    print(jax.jit(kernel)(*tuple(_d.values())))

</pallas_src>

<mosaic_0001>
#map = affine_map<(d0, d1) -> (0, 0)>
#map1 = affine_map<(d0, d1) -> (0, 0, 0, 0, 0, 0)>
#map2 = affine_map<(d0, d1) -> (0, 0, 0)>
module attributes {stable_mosaic.version = 14 : i64} {
  func.func @_sc_scatter(%arg0: i32, %arg1: i32, %arg2: memref<10000x128xf32, #tpu.memory_space<hbm>>, %arg3: memref<2x2x16x4x20x125xi32, #tpu.memory_space<hbm>>, %arg4: memref<640x128xf32, #tpu.memory_space<hbm>>, %arg5: memref<2x10240x128xf32, #tpu.memory_space<hbm>>, %arg6: memref<20x125xi32, #tpu.memory_space<vmem>>, %arg7: memref<20x125xi32, #tpu.memory_space<vmem>>, %arg8: memref<125x128xf32, #tpu.memory_space<vmem>>, %arg9: memref<125x128xf32, #tpu.memory_space<vmem>>, %arg10: memref<10240x128xf32, #tpu.memory_space<vmem_shared>>, %arg11: memref<!tpu.dma_semaphore, #tpu.memory_space<semaphore_mem>>, %arg12: memref<!tpu.dma_semaphore, #tpu.memory_space<semaphore_mem>>) attributes {dimension_semantics = [#tpu.dimension_semantics<core_parallel>, #tpu.dimension_semantics<subcore_parallel>], iteration_bounds = array<i64: 2, 16>, scalar_prefetch = 0 : i64, scratch_operands = 7 : i64, tpu.core_type = #tpu.core_type<sc_vector_subcore>, window_params = [{transform_indices = #map}, {transform_indices = #map1}, {transform_indices = #map}, {transform_indices = #map2}]} {
    %mul3A = arith.constant 640 : i32
    %mul3A_0 = arith.muli %arg1, %mul3A : i32
    "tpu.region"() ({
      %run_scoped3A_99 = tpu.sem_alloc : memref<!tpu.dma_semaphore, #tpu.memory_space<semaphore_mem>>
      %dma_start3A_100 = arith.constant 0 : i32
      %dma_start3A_101 = tpu.memref_slice %arg10[%mul3A_0, %dma_start3A_100] : memref<10240x128xf32, #tpu.memory_space<vmem_shared>> -> memref<640x128xf32, #tpu.memory_space<vmem_shared>>
      tpu.enqueue_dma source(%arg4 : memref<640x128xf32, #tpu.memory_space<hbm>>) target(%dma_start3A_101 : memref<640x128xf32, #tpu.memory_space<vmem_shared>>) target_semaphore(%run_scoped3A_99 : memref<!tpu.dma_semaphore, #tpu.memory_space<semaphore_mem>>)
      %dma_wait3A = arith.constant 0 : i32
      %dma_wait3A_102 = tpu.memref_slice %arg10[%mul3A_0, %dma_wait3A] : memref<10240x128xf32, #tpu.memory_space<vmem_shared>> -> memref<640x128xf32, #tpu.memory_space<vmem_shared>>
      tpu.wait_dma2 semaphore(%run_scoped3A_99 : memref<!tpu.dma_semaphore, #tpu.memory_space<semaphore_mem>>) src(%arg4 : memref<640x128xf32, #tpu.memory_space<hbm>>) dst(%dma_wait3A_102 : memref<640x128xf32, #tpu.memory_space<vmem_shared>>)
      tpu.yield
    }) : () -> ()
    %barrier3A = arith.constant 0 : index
    tpu.barrier barrier_id(%barrier3A)
    %run_scoped3A = arith.constant 0 : i32
    %run_scoped3A_1 = arith.constant 0 : i32
    "tpu.region"() ({
      %run_scoped3A_99 = tpu.sem_alloc : memref<!tpu.dma_semaphore, #tpu.memory_space<semaphore_mem>>
      %dma_start3A_100 = arith.constant 0 : i32
      %dma_start3A_101 = arith.constant 0 : i32
      %dma_start3A_102 = tpu.memref_slice %arg3[%run_scoped3A, %arg0, %arg1, %run_scoped3A_1, %dma_start3A_100, %dma_start3A_101] : memref<2x2x16x4x20x125xi32, #tpu.memory_space<hbm>> -> memref<1x1x1x1x20x125xi32, #tpu.memory_space<hbm>>
      %dma_start3A_103 = tpu.memref_squeeze %dma_start3A_102 : memref<1x1x1x1x20x125xi32, #tpu.memory_space<hbm>> -> memref<20x125xi32, #tpu.memory_space<hbm>>
      %dma_start3A_104 = arith.constant 0 : i32
      %dma_start3A_105 = arith.constant 0 : i32
      %dma_start3A_106 = tpu.memref_slice %arg3[%run_scoped3A, %arg0, %arg1, %run_scoped3A_1, %dma_start3A_104, %dma_start3A_105] : memref<2x2x16x4x20x125xi32, #tpu.memory_space<hbm>> -> memref<1x1x1x1x20x125xi32, #tpu.memory_space<hbm>>
      %dma_start3A_107 = tpu.memref_squeeze %dma_start3A_106 : memref<1x1x1x1x20x125xi32, #tpu.memory_space<hbm>> -> memref<20x125xi32, #tpu.memory_space<hbm>>
      tpu.enqueue_dma source(%dma_start3A_107 : memref<20x125xi32, #tpu.memory_space<hbm>>) target(%arg6 : memref<20x125xi32, #tpu.memory_space<vmem>>) target_semaphore(%run_scoped3A_99 : memref<!tpu.dma_semaphore, #tpu.memory_space<semaphore_mem>>)
      %dma_wait3A = arith.constant 0 : i32
      %dma_wait3A_108 = arith.constant 0 : i32
      %dma_wait3A_109 = tpu.memref_slice %arg3[%run_scoped3A, %arg0, %arg1, %run_scoped3A_1, %dma_wait3A, %dma_wait3A_108] : memref<2x2x16x4x20x125xi32, #tpu.memory_space<hbm>> -> memref<1x1x1x1x20x125xi32, #tpu.memory_space<hbm>>
      %dma_wait3A_110 = tpu.memref_squeeze %dma_wait3A_109 : memref<1x1x1x1x20x125xi32, #tpu.memory_space<hbm>> -> memref<20x125xi32, #tpu.memory_space<hbm>>
      %dma_wait3A_111 = arith.constant 0 : i32
      %dma_wait3A_112 = arith.constant 0 : i32
      %dma_wait3A_113 = tpu.memref_slice %arg3[%run_scoped3A, %arg0, %arg1, %run_scoped3A_1, %dma_wait3A_111, %dma_wait3A_112] : memref<2x2x16x4x20x125xi32, #tpu.memory_space<hbm>> -> memref<1x1x1x1x20x125xi32, #tpu.memory_space<hbm>>
      %dma_wait3A_114 = tpu.memref_squeeze %dma_wait3A_113 : memref<1x1x1x1x20x125xi32, #tpu.memory_space<hbm>> -> memref<20x125xi32, #tpu.memory_space<hbm>>
      tpu.wait_dma2 semaphore(%run_scoped3A_99 : memref<!tpu.dma_semaphore, #tpu.memory_space<semaphore_mem>>) src(%dma_wait3A_114 : memref<20x125xi32, #tpu.memory_space<hbm>>) dst(%arg6 : memref<20x125xi32, #tpu.memory_space<vmem>>)
      tpu.yield
    }) : () -> ()
    %run_scoped3A_2 = arith.constant 1 : i32
    %run_scoped3A_3 = arith.constant 0 : i32
    "tpu.region"() ({
      %run_scoped3A_99 = tpu.sem_alloc : memref<!tpu.dma_semaphore, #tpu.memory_space<semaphore_mem>>
      %dma_start3A_100 = arith.constant 0 : i32
      %dma_start3A_101 = arith.constant 0 : i32
      %dma_start3A_102 = tpu.memref_slice %arg3[%run_scoped3A_2, %arg0, %arg1, %run_scoped3A_3, %dma_start3A_100, %dma_start3A_101] : memref<2x2x16x4x20x125xi32, #tpu.memory_space<hbm>> -> memref<1x1x1x1x20x125xi32, #tpu.memory_space<hbm>>
      %dma_start3A_103 = tpu.memref_squeeze %dma_start3A_102 : memref<1x1x1x1x20x125xi32, #tpu.memory_space<hbm>> -> memref<20x125xi32, #tpu.memory_space<hbm>>
      %dma_start3A_104 = arith.constant 0 : i32
      %dma_start3A_105 = arith.constant 0 : i32
      %dma_start3A_106 = tpu.memref_slice %arg3[%run_scoped3A_2, %arg0, %arg1, %run_scoped3A_3, %dma_start3A_104, %dma_start3A_105] : memref<2x2x16x4x20x125xi32, #tpu.memory_space<hbm>> -> memref<1x1x1x1x20x125xi32, #tpu.memory_space<hbm>>
      %dma_start3A_107 = tpu.memref_squeeze %dma_start3A_106 : memref<1x1x1x1x20x125xi32, #tpu.memory_space<hbm>> -> memref<20x125xi32, #tpu.memory_space<hbm>>
      tpu.enqueue_dma source(%dma_start3A_107 : memref<20x125xi32, #tpu.memory_space<hbm>>) target(%arg7 : memref<20x125xi32, #tpu.memory_space<vmem>>) target_semaphore(%run_scoped3A_99 : memref<!tpu.dma_semaphore, #tpu.memory_space<semaphore_mem>>)
      %dma_wait3A = arith.constant 0 : i32
      %dma_wait3A_108 = arith.constant 0 : i32
      %dma_wait3A_109 = tpu.memref_slice %arg3[%run_scoped3A_2, %arg0, %arg1, %run_scoped3A_3, %dma_wait3A, %dma_wait3A_108] : memref<2x2x16x4x20x125xi32, #tpu.memory_space<hbm>> -> memref<1x1x1x1x20x125xi32, #tpu.memory_space<hbm>>
      %dma_wait3A_110 = tpu.memref_squeeze %dma_wait3A_109 : memref<1x1x1x1x20x125xi32, #tpu.memory_space<hbm>> -> memref<20x125xi32, #tpu.memory_space<hbm>>
      %dma_wait3A_111 = arith.constant 0 : i32
      %dma_wait3A_112 = arith.constant 0 : i32
      %dma_wait3A_113 = tpu.memref_slice %arg3[%run_scoped3A_2, %arg0, %arg1, %run_scoped3A_3, %dma_wait3A_111, %dma_wait3A_112] : memref<2x2x16x4x20x125xi32, #tpu.memory_space<hbm>> -> memref<1x1x1x1x20x125xi32, #tpu.memory_space<hbm>>
      %dma_wait3A_114 = tpu.memref_squeeze %dma_wait3A_113 : memref<1x1x1x1x20x125xi32, #tpu.memory_space<hbm>> -> memref<20x125xi32, #tpu.memory_space<hbm>>
      tpu.wait_dma2 semaphore(%run_scoped3A_99 : memref<!tpu.dma_semaphore, #tpu.memory_space<semaphore_mem>>) src(%dma_wait3A_114 : memref<20x125xi32, #tpu.memory_space<hbm>>) dst(%arg7 : memref<20x125xi32, #tpu.memory_space<vmem>>)
      tpu.yield
    }) : () -> ()
    %dma_start3A = arith.constant 0 : i32
    %dma_start3A_4 = arith.constant 0 : i32
    %dma_start3A_5 = tpu.memref_slice %arg6[%dma_start3A, %dma_start3A_4] : memref<20x125xi32, #tpu.memory_space<vmem>> -> memref<1x125xi32, #tpu.memory_space<vmem>>
    %dma_start3A_6 = tpu.memref_squeeze %dma_start3A_5 : memref<1x125xi32, #tpu.memory_space<vmem>> -> memref<125xi32, #tpu.memory_space<vmem>>
    %dma_start3A_7 = arith.constant 0 : i32
    %dma_start3A_8 = arith.constant 0 : i32
    %dma_start3A_9 = tpu.memref_slice %arg2[%dma_start3A_7, %dma_start3A_8] : memref<10000x128xf32, #tpu.memory_space<hbm>> -> memref<10000x128xf32, #tpu.memory_space<hbm>>
    tpu.enqueue_indirect_dma source(%dma_start3A_9 : memref<10000x128xf32, #tpu.memory_space<hbm>>) target(%arg8 : memref<125x128xf32, #tpu.memory_space<vmem>>) offsets(%dma_start3A_6 : memref<125xi32, #tpu.memory_space<vmem>>) semaphore(%arg11 : memref<!tpu.dma_semaphore, #tpu.memory_space<semaphore_mem>>)
    %dma_start3A_10 = arith.constant 1 : i32
    %dma_start3A_11 = arith.constant 0 : i32
    %dma_start3A_12 = tpu.memref_slice %arg6[%dma_start3A_10, %dma_start3A_11] : memref<20x125xi32, #tpu.memory_space<vmem>> -> memref<1x125xi32, #tpu.memory_space<vmem>>
    %dma_start3A_13 = tpu.memref_squeeze %dma_start3A_12 : memref<1x125xi32, #tpu.memory_space<vmem>> -> memref<125xi32, #tpu.memory_space<vmem>>
    %dma_start3A_14 = arith.constant 0 : i32
    %dma_start3A_15 = arith.constant 0 : i32
    %dma_start3A_16 = tpu.memref_slice %arg2[%dma_start3A_14, %dma_start3A_15] : memref<10000x128xf32, #tpu.memory_space<hbm>> -> memref<10000x128xf32, #tpu.memory_space<hbm>>
    tpu.enqueue_indirect_dma source(%dma_start3A_16 : memref<10000x128xf32, #tpu.memory_space<hbm>>) target(%arg9 : memref<125x128xf32, #tpu.memory_space<vmem>>) offsets(%dma_start3A_13 : memref<125xi32, #tpu.memory_space<vmem>>) semaphore(%arg12 : memref<!tpu.dma_semaphore, #tpu.memory_space<semaphore_mem>>)
    %scan3A = arith.constant 0 : i32
    %scan3A_17 = arith.constant 0 : i32
    %scan3A_18 = arith.constant 10 : i32
    %scan3A_19 = arith.addi %scan3A_17, %scan3A_18 : i32
    %scan3A_20 = arith.constant 1 : i32
    scf.for %scan3A_99 = %scan3A_17 to %scan3A_19 step %scan3A_20  : i32 {
      %mul3A_100 = arith.constant 2 : i32
      %mul3A_101 = arith.muli %scan3A_99, %mul3A_100 : i32
      %add3A = arith.constant 0 : i32
      %add3A_102 = arith.addi %mul3A_101, %add3A : i32
      %dma_wait3A = arith.constant 0 : i32
      %dma_wait3A_103 = tpu.memref_slice %arg6[%add3A_102, %dma_wait3A] : memref<20x125xi32, #tpu.memory_space<vmem>> -> memref<1x125xi32, #tpu.memory_space<vmem>>
      %dma_wait3A_104 = tpu.memref_squeeze %dma_wait3A_103 : memref<1x125xi32, #tpu.memory_space<vmem>> -> memref<125xi32, #tpu.memory_space<vmem>>
      %dma_wait3A_105 = arith.constant 0 : i32
      %dma_wait3A_106 = arith.constant 0 : i32
      %dma_wait3A_107 = tpu.memref_slice %arg2[%dma_wait3A_105, %dma_wait3A_106] : memref<10000x128xf32, #tpu.memory_space<hbm>> -> memref<10000x128xf32, #tpu.memory_space<hbm>>
      tpu.wait_indirect_dma semaphore(%arg11 : memref<!tpu.dma_semaphore, #tpu.memory_space<semaphore_mem>>) src(%dma_wait3A_107 : memref<10000x128xf32, #tpu.memory_space<hbm>>) dst(%arg8 : memref<125x128xf32, #tpu.memory_space<vmem>>)
      "tpu.region"() ({
        %run_scoped3A_129 = tpu.sem_alloc : memref<!tpu.dma_semaphore, #tpu.memory_space<semaphore_mem>>
        %dma_start3A_130 = arith.constant 0 : i32
        %dma_start3A_131 = tpu.memref_slice %arg7[%add3A_102, %dma_start3A_130] : memref<20x125xi32, #tpu.memory_space<vmem>> -> memref<1x125xi32, #tpu.memory_space<vmem>>
        %dma_start3A_132 = tpu.memref_squeeze %dma_start3A_131 : memref<1x125xi32, #tpu.memory_space<vmem>> -> memref<125xi32, #tpu.memory_space<vmem>>
        %dma_start3A_133 = arith.constant 0 : i32
        %dma_start3A_134 = arith.constant 0 : i32
        %dma_start3A_135 = tpu.memref_slice %arg10[%dma_start3A_133, %dma_start3A_134] : memref<10240x128xf32, #tpu.memory_space<vmem_shared>> -> memref<10240x128xf32, #tpu.memory_space<vmem_shared>>
        tpu.enqueue_indirect_dma source(%arg8 : memref<125x128xf32, #tpu.memory_space<vmem>>) target(%dma_start3A_135 : memref<10240x128xf32, #tpu.memory_space<vmem_shared>>) offsets(%dma_start3A_132 : memref<125xi32, #tpu.memory_space<vmem>>) semaphore(%run_scoped3A_129 : memref<!tpu.dma_semaphore, #tpu.memory_space<semaphore_mem>>) {add = true}
        %dma_wait3A_136 = arith.constant 0 : i32
        %dma_wait3A_137 = tpu.memref_slice %arg7[%add3A_102, %dma_wait3A_136] : memref<20x125xi32, #tpu.memory_space<vmem>> -> memref<1x125xi32, #tpu.memory_space<vmem>>
        %dma_wait3A_138 = tpu.memref_squeeze %dma_wait3A_137 : memref<1x125xi32, #tpu.memory_space<vmem>> -> memref<125xi32, #tpu.memory_space<vmem>>
        %dma_wait3A_139 = arith.constant 0 : i32
        %dma_wait3A_140 = arith.constant 0 : i32
        %dma_wait3A_141 = tpu.memref_slice %arg10[%dma_wait3A_139, %dma_wait3A_140] : memref<10240x128xf32, #tpu.memory_space<vmem_shared>> -> memref<10240x128xf32, #tpu.memory_space<vmem_shared>>
        tpu.wait_indirect_dma semaphore(%run_scoped3A_129 : memref<!tpu.dma_semaphore, #tpu.memory_space<semaphore_mem>>) src(%arg8 : memref<125x128xf32, #tpu.memory_space<vmem>>) dst(%dma_wait3A_141 : memref<10240x128xf32, #tpu.memory_space<vmem_shared>>)
        tpu.yield
      }) : () -> ()
      %add3A_108 = arith.constant 2 : i32
      %add3A_109 = arith.addi %add3A_102, %add3A_108 : i32
      %lt3A = arith.constant 20 : i32
      %lt3A_110 = arith.cmpi slt, %add3A_109, %lt3A : i32
      %convert_element_type3A = arith.extui %lt3A_110 : i1 to i32
      %cond3A = arith.constant 0 : i32
      %cond3A_111 = arith.cmpi ne, %convert_element_type3A, %cond3A : i32
      scf.if %cond3A_111 {
        %add3A_129 = arith.constant 2 : i32
        %add3A_130 = arith.addi %add3A_102, %add3A_129 : i32
        %dma_start3A_131 = arith.constant 0 : i32
        %dma_start3A_132 = tpu.memref_slice %arg6[%add3A_130, %dma_start3A_131] : memref<20x125xi32, #tpu.memory_space<vmem>> -> memref<1x125xi32, #tpu.memory_space<vmem>>
        %dma_start3A_133 = tpu.memref_squeeze %dma_start3A_132 : memref<1x125xi32, #tpu.memory_space<vmem>> -> memref<125xi32, #tpu.memory_space<vmem>>
        %dma_start3A_134 = arith.constant 0 : i32
        %dma_start3A_135 = arith.constant 0 : i32
        %dma_start3A_136 = tpu.memref_slice %arg2[%dma_start3A_134, %dma_start3A_135] : memref<10000x128xf32, #tpu.memory_space<hbm>> -> memref<10000x128xf32, #tpu.memory_space<hbm>>
        tpu.enqueue_indirect_dma source(%dma_start3A_136 : memref<10000x128xf32, #tpu.memory_space<hbm>>) target(%arg8 : memref<125x128xf32, #tpu.memory_space<vmem>>) offsets(%dma_start3A_133 : memref<125xi32, #tpu.memory_space<vmem>>) semaphore(%arg11 : memref<!tpu.dma_semaphore, #tpu.memory_space<semaphore_mem>>)
      } else {
      }
      %mul3A_112 = arith.constant 2 : i32
      %mul3A_113 = arith.muli %scan3A_99, %mul3A_112 : i32
      %add3A_114 = arith.constant 1 : i32
      %add3A_115 = arith.addi %mul3A_113, %add3A_114 : i32
      %dma_wait3A_116 = arith.constant 0 : i32
      %dma_wait3A_117 = tpu.memref_slice %arg6[%add3A_115, %dma_wait3A_116] : memref<20x125xi32, #tpu.memory_space<vmem>> -> memref<1x125xi32, #tpu.memory_space<vmem>>
      %dma_wait3A_118 = tpu.memref_squeeze %dma_wait3A_117 : memref<1x125xi32, #tpu.memory_space<vmem>> -> memref<125xi32, #tpu.memory_space<vmem>>
      %dma_wait3A_119 = arith.constant 0 : i32
      %dma_wait3A_120 = arith.constant 0 : i32
      %dma_wait3A_121 = tpu.memref_slice %arg2[%dma_wait3A_119, %dma_wait3A_120] : memref<10000x128xf32, #tpu.memory_space<hbm>> -> memref<10000x128xf32, #tpu.memory_space<hbm>>
      tpu.wait_indirect_dma semaphore(%arg12 : memref<!tpu.dma_semaphore, #tpu.memory_space<semaphore_mem>>) src(%dma_wait3A_121 : memref<10000x128xf32, #tpu.memory_space<hbm>>) dst(%arg9 : memref<125x128xf32, #tpu.memory_space<vmem>>)
      "tpu.region"() ({
        %run_scoped3A_129 = tpu.sem_alloc : memref<!tpu.dma_semaphore, #tpu.memory_space<semaphore_mem>>
        %dma_start3A_130 = arith.constant 0 : i32
        %dma_start3A_131 = tpu.memref_slice %arg7[%add3A_115, %dma_start3A_130] : memref<20x125xi32, #tpu.memory_space<vmem>> -> memref<1x125xi32, #tpu.memory_space<vmem>>
        %dma_start3A_132 = tpu.memref_squeeze %dma_start3A_131 : memref<1x125xi32, #tpu.memory_space<vmem>> -> memref<125xi32, #tpu.memory_space<vmem>>
        %dma_start3A_133 = arith.constant 0 : i32
        %dma_start3A_134 = arith.constant 0 : i32
        %dma_start3A_135 = tpu.memref_slice %arg10[%dma_start3A_133, %dma_start3A_134] : memref<10240x128xf32, #tpu.memory_space<vmem_shared>> -> memref<10240x128xf32, #tpu.memory_space<vmem_shared>>
        tpu.enqueue_indirect_dma source(%arg9 : memref<125x128xf32, #tpu.memory_space<vmem>>) target(%dma_start3A_135 : memref<10240x128xf32, #tpu.memory_space<vmem_shared>>) offsets(%dma_start3A_132 : memref<125xi32, #tpu.memory_space<vmem>>) semaphore(%run_scoped3A_129 : memref<!tpu.dma_semaphore, #tpu.memory_space<semaphore_mem>>) {add = true}
        %dma_wait3A_136 = arith.constant 0 : i32
        %dma_wait3A_137 = tpu.memref_slice %arg7[%add3A_115, %dma_wait3A_136] : memref<20x125xi32, #tpu.memory_space<vmem>> -> memref<1x125xi32, #tpu.memory_space<vmem>>
        %dma_wait3A_138 = tpu.memref_squeeze %dma_wait3A_137 : memref<1x125xi32, #tpu.memory_space<vmem>> -> memref<125xi32, #tpu.memory_space<vmem>>
        %dma_wait3A_139 = arith.constant 0 : i32
        %dma_wait3A_140 = arith.constant 0 : i32
        %dma_wait3A_141 = tpu.memref_slice %arg10[%dma_wait3A_139, %dma_wait3A_140] : memref<10240x128xf32, #tpu.memory_space<vmem_shared>> -> memref<10240x128xf32, #tpu.memory_space<vmem_shared>>
        tpu.wait_indirect_dma semaphore(%run_scoped3A_129 : memref<!tpu.dma_semaphore, #tpu.memory_space<semaphore_mem>>) src(%arg9 : memref<125x128xf32, #tpu.memory_space<vmem>>) dst(%dma_wait3A_141 : memref<10240x128xf32, #tpu.memory_space<vmem_shared>>)
        tpu.yield
      }) : () -> ()
      %add3A_122 = arith.constant 2 : i32
      %add3A_123 = arith.addi %add3A_115, %add3A_122 : i32
      %lt3A_124 = arith.constant 20 : i32
      %lt3A_125 = arith.cmpi slt, %add3A_123, %lt3A_124 : i32
      %convert_element_type3A_126 = arith.extui %lt3A_125 : i1 to i32
      %cond3A_127 = arith.constant 0 : i32
      %cond3A_128 = arith.cmpi ne, %convert_element_type3A_126, %cond3A_127 : i32
      scf.if %cond3A_128 {
        %add3A_129 = arith.constant 2 : i32
        %add3A_130 = arith.addi %add3A_115, %add3A_129 : i32
        %dma_start3A_131 = arith.constant 0 : i32
        %dma_start3A_132 = tpu.memref_slice %arg6[%add3A_130, %dma_start3A_131] : memref<20x125xi32, #tpu.memory_space<vmem>> -> memref<1x125xi32, #tpu.memory_space<vmem>>
        %dma_start3A_133 = tpu.memref_squeeze %dma_start3A_132 : memref<1x125xi32, #tpu.memory_space<vmem>> -> memref<125xi32, #tpu.memory_space<vmem>>
        %dma_start3A_134 = arith.constant 0 : i32
        %dma_start3A_135 = arith.constant 0 : i32
        %dma_start3A_136 = tpu.memref_slice %arg2[%dma_start3A_134, %dma_start3A_135] : memref<10000x128xf32, #tpu.memory_space<hbm>> -> memref<10000x128xf32, #tpu.memory_space<hbm>>
        tpu.enqueue_indirect_dma source(%dma_start3A_136 : memref<10000x128xf32, #tpu.memory_space<hbm>>) target(%arg9 : memref<125x128xf32, #tpu.memory_space<vmem>>) offsets(%dma_start3A_133 : memref<125xi32, #tpu.memory_space<vmem>>) semaphore(%arg12 : memref<!tpu.dma_semaphore, #tpu.memory_space<semaphore_mem>>)
      } else {
      }
    }
    %scan3A_21 = arith.constant 10 : i32
    %run_scoped3A_22 = arith.constant 0 : i32
    %run_scoped3A_23 = arith.constant 1 : i32
    "tpu.region"() ({
      %run_scoped3A_99 = tpu.sem_alloc : memref<!tpu.dma_semaphore, #tpu.memory_space<semaphore_mem>>
      %dma_start3A_100 = arith.constant 0 : i32
      %dma_start3A_101 = arith.constant 0 : i32
      %dma_start3A_102 = tpu.memref_slice %arg3[%run_scoped3A_22, %arg0, %arg1, %run_scoped3A_23, %dma_start3A_100, %dma_start3A_101] : memref<2x2x16x4x20x125xi32, #tpu.memory_space<hbm>> -> memref<1x1x1x1x20x125xi32, #tpu.memory_space<hbm>>
      %dma_start3A_103 = tpu.memref_squeeze %dma_start3A_102 : memref<1x1x1x1x20x125xi32, #tpu.memory_space<hbm>> -> memref<20x125xi32, #tpu.memory_space<hbm>>
      %dma_start3A_104 = arith.constant 0 : i32
      %dma_start3A_105 = arith.constant 0 : i32
      %dma_start3A_106 = tpu.memref_slice %arg3[%run_scoped3A_22, %arg0, %arg1, %run_scoped3A_23, %dma_start3A_104, %dma_start3A_105] : memref<2x2x16x4x20x125xi32, #tpu.memory_space<hbm>> -> memref<1x1x1x1x20x125xi32, #tpu.memory_space<hbm>>
      %dma_start3A_107 = tpu.memref_squeeze %dma_start3A_106 : memref<1x1x1x1x20x125xi32, #tpu.memory_space<hbm>> -> memref<20x125xi32, #tpu.memory_space<hbm>>
      tpu.enqueue_dma source(%dma_start3A_107 : memref<20x125xi32, #tpu.memory_space<hbm>>) target(%arg6 : memref<20x125xi32, #tpu.memory_space<vmem>>) target_semaphore(%run_scoped3A_99 : memref<!tpu.dma_semaphore, #tpu.memory_space<semaphore_mem>>)
      %dma_wait3A = arith.constant 0 : i32
      %dma_wait3A_108 = arith.constant 0 : i32
      %dma_wait3A_109 = tpu.memref_slice %arg3[%run_scoped3A_22, %arg0, %arg1, %run_scoped3A_23, %dma_wait3A, %dma_wait3A_108] : memref<2x2x16x4x20x125xi32, #tpu.memory_space<hbm>> -> memref<1x1x1x1x20x125xi32, #tpu.memory_space<hbm>>
      %dma_wait3A_110 = tpu.memref_squeeze %dma_wait3A_109 : memref<1x1x1x1x20x125xi32, #tpu.memory_space<hbm>> -> memref<20x125xi32, #tpu.memory_space<hbm>>
      %dma_wait3A_111 = arith.constant 0 : i32
      %dma_wait3A_112 = arith.constant 0 : i32
      %dma_wait3A_113 = tpu.memref_slice %arg3[%run_scoped3A_22, %arg0, %arg1, %run_scoped3A_23, %dma_wait3A_111, %dma_wait3A_112] : memref<2x2x16x4x20x125xi32, #tpu.memory_space<hbm>> -> memref<1x1x1x1x20x125xi32, #tpu.memory_space<hbm>>
      %dma_wait3A_114 = tpu.memref_squeeze %dma_wait3A_113 : memref<1x1x1x1x20x125xi32, #tpu.memory_space<hbm>> -> memref<20x125xi32, #tpu.memory_space<hbm>>
      tpu.wait_dma2 semaphore(%run_scoped3A_99 : memref<!tpu.dma_semaphore, #tpu.memory_space<semaphore_mem>>) src(%dma_wait3A_114 : memref<20x125xi32, #tpu.memory_space<hbm>>) dst(%arg6 : memref<20x125xi32, #tpu.memory_space<vmem>>)
      tpu.yield
    }) : () -> ()
    %run_scoped3A_24 = arith.constant 1 : i32
    %run_scoped3A_25 = arith.constant 1 : i32
    "tpu.region"() ({
      %run_scoped3A_99 = tpu.sem_alloc : memref<!tpu.dma_semaphore, #tpu.memory_space<semaphore_mem>>
      %dma_start3A_100 = arith.constant 0 : i32
      %dma_start3A_101 = arith.constant 0 : i32
      %dma_start3A_102 = tpu.memref_slice %arg3[%run_scoped3A_24, %arg0, %arg1, %run_scoped3A_25, %dma_start3A_100, %dma_start3A_101] : memref<2x2x16x4x20x125xi32, #tpu.memory_space<hbm>> -> memref<1x1x1x1x20x125xi32, #tpu.memory_space<hbm>>
      %dma_start3A_103 = tpu.memref_squeeze %dma_start3A_102 : memref<1x1x1x1x20x125xi32, #tpu.memory_space<hbm>> -> memref<20x125xi32, #tpu.memory_space<hbm>>
      %dma_start3A_104 = arith.constant 0 : i32
      %dma_start3A_105 = arith.constant 0 : i32
      %dma_start3A_106 = tpu.memref_slice %arg3[%run_scoped3A_24, %arg0, %arg1, %run_scoped3A_25, %dma_start3A_104, %dma_start3A_105] : memref<2x2x16x4x20x125xi32, #tpu.memory_space<hbm>> -> memref<1x1x1x1x20x125xi32, #tpu.memory_space<hbm>>
      %dma_start3A_107 = tpu.memref_squeeze %dma_start3A_106 : memref<1x1x1x1x20x125xi32, #tpu.memory_space<hbm>> -> memref<20x125xi32, #tpu.memory_space<hbm>>
      tpu.enqueue_dma source(%dma_start3A_107 : memref<20x125xi32, #tpu.memory_space<hbm>>) target(%arg7 : memref<20x125xi32, #tpu.memory_space<vmem>>) target_semaphore(%run_scoped3A_99 : memref<!tpu.dma_semaphore, #tpu.memory_space<semaphore_mem>>)
      %dma_wait3A = arith.constant 0 : i32
      %dma_wait3A_108 = arith.constant 0 : i32
      %dma_wait3A_109 = tpu.memref_slice %arg3[%run_scoped3A_24, %arg0, %arg1, %run_scoped3A_25, %dma_wait3A, %dma_wait3A_108] : memref<2x2x16x4x20x125xi32, #tpu.memory_space<hbm>> -> memref<1x1x1x1x20x125xi32, #tpu.memory_space<hbm>>
      %dma_wait3A_110 = tpu.memref_squeeze %dma_wait3A_109 : memref<1x1x1x1x20x125xi32, #tpu.memory_space<hbm>> -> memref<20x125xi32, #tpu.memory_space<hbm>>
      %dma_wait3A_111 = arith.constant 0 : i32
      %dma_wait3A_112 = arith.constant 0 : i32
      %dma_wait3A_113 = tpu.memref_slice %arg3[%run_scoped3A_24, %arg0, %arg1, %run_scoped3A_25, %dma_wait3A_111, %dma_wait3A_112] : memref<2x2x16x4x20x125xi32, #tpu.memory_space<hbm>> -> memref<1x1x1x1x20x125xi32, #tpu.memory_space<hbm>>
      %dma_wait3A_114 = tpu.memref_squeeze %dma_wait3A_113 : memref<1x1x1x1x20x125xi32, #tpu.memory_space<hbm>> -> memref<20x125xi32, #tpu.memory_space<hbm>>
      tpu.wait_dma2 semaphore(%run_scoped3A_99 : memref<!tpu.dma_semaphore, #tpu.memory_space<semaphore_mem>>) src(%dma_wait3A_114 : memref<20x125xi32, #tpu.memory_space<hbm>>) dst(%arg7 : memref<20x125xi32, #tpu.memory_space<vmem>>)
      tpu.yield
    }) : () -> ()
    %dma_start3A_26 = arith.constant 0 : i32
    %dma_start3A_27 = arith.constant 0 : i32
    %dma_start3A_28 = tpu.memref_slice %arg6[%dma_start3A_26, %dma_start3A_27] : memref<20x125xi32, #tpu.memory_space<vmem>> -> memref<1x125xi32, #tpu.memory_space<vmem>>
    %dma_start3A_29 = tpu.memref_squeeze %dma_start3A_28 : memref<1x125xi32, #tpu.memory_space<vmem>> -> memref<125xi32, #tpu.memory_space<vmem>>
    %dma_start3A_30 = arith.constant 0 : i32
    %dma_start3A_31 = arith.constant 0 : i32
    %dma_start3A_32 = tpu.memref_slice %arg2[%dma_start3A_30, %dma_start3A_31] : memref<10000x128xf32, #tpu.memory_space<hbm>> -> memref<10000x128xf32, #tpu.memory_space<hbm>>
    tpu.enqueue_indirect_dma source(%dma_start3A_32 : memref<10000x128xf32, #tpu.memory_space<hbm>>) target(%arg8 : memref<125x128xf32, #tpu.memory_space<vmem>>) offsets(%dma_start3A_29 : memref<125xi32, #tpu.memory_space<vmem>>) semaphore(%arg11 : memref<!tpu.dma_semaphore, #tpu.memory_space<semaphore_mem>>)
    %dma_start3A_33 = arith.constant 1 : i32
    %dma_start3A_34 = arith.constant 0 : i32
    %dma_start3A_35 = tpu.memref_slice %arg6[%dma_start3A_33, %dma_start3A_34] : memref<20x125xi32, #tpu.memory_space<vmem>> -> memref<1x125xi32, #tpu.memory_space<vmem>>
    %dma_start3A_36 = tpu.memref_squeeze %dma_start3A_35 : memref<1x125xi32, #tpu.memory_space<vmem>> -> memref<125xi32, #tpu.memory_space<vmem>>
    %dma_start3A_37 = arith.constant 0 : i32
    %dma_start3A_38 = arith.constant 0 : i32
    %dma_start3A_39 = tpu.memref_slice %arg2[%dma_start3A_37, %dma_start3A_38] : memref<10000x128xf32, #tpu.memory_space<hbm>> -> memref<10000x128xf32, #tpu.memory_space<hbm>>
    tpu.enqueue_indirect_dma source(%dma_start3A_39 : memref<10000x128xf32, #tpu.memory_space<hbm>>) target(%arg9 : memref<125x128xf32, #tpu.memory_space<vmem>>) offsets(%dma_start3A_36 : memref<125xi32, #tpu.memory_space<vmem>>) semaphore(%arg12 : memref<!tpu.dma_semaphore, #tpu.memory_space<semaphore_mem>>)
    %scan3A_40 = arith.constant 0 : i32
    %scan3A_41 = arith.constant 0 : i32
    %scan3A_42 = arith.constant 10 : i32
    %scan3A_43 = arith.addi %scan3A_41, %scan3A_42 : i32
    %scan3A_44 = arith.constant 1 : i32
    scf.for %scan3A_99 = %scan3A_41 to %scan3A_43 step %scan3A_44  : i32 {
      %mul3A_100 = arith.constant 2 : i32
      %mul3A_101 = arith.muli %scan3A_99, %mul3A_100 : i32
      %add3A = arith.constant 0 : i32
      %add3A_102 = arith.addi %mul3A_101, %add3A : i32
      %dma_wait3A = arith.constant 0 : i32
      %dma_wait3A_103 = tpu.memref_slice %arg6[%add3A_102, %dma_wait3A] : memref<20x125xi32, #tpu.memory_space<vmem>> -> memref<1x125xi32, #tpu.memory_space<vmem>>
      %dma_wait3A_104 = tpu.memref_squeeze %dma_wait3A_103 : memref<1x125xi32, #tpu.memory_space<vmem>> -> memref<125xi32, #tpu.memory_space<vmem>>
      %dma_wait3A_105 = arith.constant 0 : i32
      %dma_wait3A_106 = arith.constant 0 : i32
      %dma_wait3A_107 = tpu.memref_slice %arg2[%dma_wait3A_105, %dma_wait3A_106] : memref<10000x128xf32, #tpu.memory_space<hbm>> -> memref<10000x128xf32, #tpu.memory_space<hbm>>
      tpu.wait_indirect_dma semaphore(%arg11 : memref<!tpu.dma_semaphore, #tpu.memory_space<semaphore_mem>>) src(%dma_wait3A_107 : memref<10000x128xf32, #tpu.memory_space<hbm>>) dst(%arg8 : memref<125x128xf32, #tpu.memory_space<vmem>>)
      "tpu.region"() ({
        %run_scoped3A_129 = tpu.sem_alloc : memref<!tpu.dma_semaphore, #tpu.memory_space<semaphore_mem>>
        %dma_start3A_130 = arith.constant 0 : i32
        %dma_start3A_131 = tpu.memref_slice %arg7[%add3A_102, %dma_start3A_130] : memref<20x125xi32, #tpu.memory_space<vmem>> -> memref<1x125xi32, #tpu.memory_space<vmem>>
        %dma_start3A_132 = tpu.memref_squeeze %dma_start3A_131 : memref<1x125xi32, #tpu.memory_space<vmem>> -> memref<125xi32, #tpu.memory_space<vmem>>
        %dma_start3A_133 = arith.constant 0 : i32
        %dma_start3A_134 = arith.constant 0 : i32
        %dma_start3A_135 = tpu.memref_slice %arg10[%dma_start3A_133, %dma_start3A_134] : memref<10240x128xf32, #tpu.memory_space<vmem_shared>> -> memref<10240x128xf32, #tpu.memory_space<vmem_shared>>
        tpu.enqueue_indirect_dma source(%arg8 : memref<125x128xf32, #tpu.memory_space<vmem>>) target(%dma_start3A_135 : memref<10240x128xf32, #tpu.memory_space<vmem_shared>>) offsets(%dma_start3A_132 : memref<125xi32, #tpu.memory_space<vmem>>) semaphore(%run_scoped3A_129 : memref<!tpu.dma_semaphore, #tpu.memory_space<semaphore_mem>>) {add = true}
        %dma_wait3A_136 = arith.constant 0 : i32
        %dma_wait3A_137 = tpu.memref_slice %arg7[%add3A_102, %dma_wait3A_136] : memref<20x125xi32, #tpu.memory_space<vmem>> -> memref<1x125xi32, #tpu.memory_space<vmem>>
        %dma_wait3A_138 = tpu.memref_squeeze %dma_wait3A_137 : memref<1x125xi32, #tpu.memory_space<vmem>> -> memref<125xi32, #tpu.memory_space<vmem>>
        %dma_wait3A_139 = arith.constant 0 : i32
        %dma_wait3A_140 = arith.constant 0 : i32
        %dma_wait3A_141 = tpu.memref_slice %arg10[%dma_wait3A_139, %dma_wait3A_140] : memref<10240x128xf32, #tpu.memory_space<vmem_shared>> -> memref<10240x128xf32, #tpu.memory_space<vmem_shared>>
        tpu.wait_indirect_dma semaphore(%run_scoped3A_129 : memref<!tpu.dma_semaphore, #tpu.memory_space<semaphore_mem>>) src(%arg8 : memref<125x128xf32, #tpu.memory_space<vmem>>) dst(%dma_wait3A_141 : memref<10240x128xf32, #tpu.memory_space<vmem_shared>>)
        tpu.yield
      }) : () -> ()
      %add3A_108 = arith.constant 2 : i32
      %add3A_109 = arith.addi %add3A_102, %add3A_108 : i32
      %lt3A = arith.constant 20 : i32
      %lt3A_110 = arith.cmpi slt, %add3A_109, %lt3A : i32
      %convert_element_type3A = arith.extui %lt3A_110 : i1 to i32
      %cond3A = arith.constant 0 : i32
      %cond3A_111 = arith.cmpi ne, %convert_element_type3A, %cond3A : i32
      scf.if %cond3A_111 {
        %add3A_129 = arith.constant 2 : i32
        %add3A_130 = arith.addi %add3A_102, %add3A_129 : i32
        %dma_start3A_131 = arith.constant 0 : i32
        %dma_start3A_132 = tpu.memref_slice %arg6[%add3A_130, %dma_start3A_131] : memref<20x125xi32, #tpu.memory_space<vmem>> -> memref<1x125xi32, #tpu.memory_space<vmem>>
        %dma_start3A_133 = tpu.memref_squeeze %dma_start3A_132 : memref<1x125xi32, #tpu.memory_space<vmem>> -> memref<125xi32, #tpu.memory_space<vmem>>
        %dma_start3A_134 = arith.constant 0 : i32
        %dma_start3A_135 = arith.constant 0 : i32
        %dma_start3A_136 = tpu.memref_slice %arg2[%dma_start3A_134, %dma_start3A_135] : memref<10000x128xf32, #tpu.memory_space<hbm>> -> memref<10000x128xf32, #tpu.memory_space<hbm>>
        tpu.enqueue_indirect_dma source(%dma_start3A_136 : memref<10000x128xf32, #tpu.memory_space<hbm>>) target(%arg8 : memref<125x128xf32, #tpu.memory_space<vmem>>) offsets(%dma_start3A_133 : memref<125xi32, #tpu.memory_space<vmem>>) semaphore(%arg11 : memref<!tpu.dma_semaphore, #tpu.memory_space<semaphore_mem>>)
      } else {
      }
      %mul3A_112 = arith.constant 2 : i32
      %mul3A_113 = arith.muli %scan3A_99, %mul3A_112 : i32
      %add3A_114 = arith.constant 1 : i32
      %add3A_115 = arith.addi %mul3A_113, %add3A_114 : i32
      %dma_wait3A_116 = arith.constant 0 : i32
      %dma_wait3A_117 = tpu.memref_slice %arg6[%add3A_115, %dma_wait3A_116] : memref<20x125xi32, #tpu.memory_space<vmem>> -> memref<1x125xi32, #tpu.memory_space<vmem>>
      %dma_wait3A_118 = tpu.memref_squeeze %dma_wait3A_117 : memref<1x125xi32, #tpu.memory_space<vmem>> -> memref<125xi32, #tpu.memory_space<vmem>>
      %dma_wait3A_119 = arith.constant 0 : i32
      %dma_wait3A_120 = arith.constant 0 : i32
      %dma_wait3A_121 = tpu.memref_slice %arg2[%dma_wait3A_119, %dma_wait3A_120] : memref<10000x128xf32, #tpu.memory_space<hbm>> -> memref<10000x128xf32, #tpu.memory_space<hbm>>
      tpu.wait_indirect_dma semaphore(%arg12 : memref<!tpu.dma_semaphore, #tpu.memory_space<semaphore_mem>>) src(%dma_wait3A_121 : memref<10000x128xf32, #tpu.memory_space<hbm>>) dst(%arg9 : memref<125x128xf32, #tpu.memory_space<vmem>>)
      "tpu.region"() ({
        %run_scoped3A_129 = tpu.sem_alloc : memref<!tpu.dma_semaphore, #tpu.memory_space<semaphore_mem>>
        %dma_start3A_130 = arith.constant 0 : i32
        %dma_start3A_131 = tpu.memref_slice %arg7[%add3A_115, %dma_start3A_130] : memref<20x125xi32, #tpu.memory_space<vmem>> -> memref<1x125xi32, #tpu.memory_space<vmem>>
        %dma_start3A_132 = tpu.memref_squeeze %dma_start3A_131 : memref<1x125xi32, #tpu.memory_space<vmem>> -> memref<125xi32, #tpu.memory_space<vmem>>
        %dma_start3A_133 = arith.constant 0 : i32
        %dma_start3A_134 = arith.constant 0 : i32
        %dma_start3A_135 = tpu.memref_slice %arg10[%dma_start3A_133, %dma_start3A_134] : memref<10240x128xf32, #tpu.memory_space<vmem_shared>> -> memref<10240x128xf32, #tpu.memory_space<vmem_shared>>
        tpu.enqueue_indirect_dma source(%arg9 : memref<125x128xf32, #tpu.memory_space<vmem>>) target(%dma_start3A_135 : memref<10240x128xf32, #tpu.memory_space<vmem_shared>>) offsets(%dma_start3A_132 : memref<125xi32, #tpu.memory_space<vmem>>) semaphore(%run_scoped3A_129 : memref<!tpu.dma_semaphore, #tpu.memory_space<semaphore_mem>>) {add = true}
        %dma_wait3A_136 = arith.constant 0 : i32
        %dma_wait3A_137 = tpu.memref_slice %arg7[%add3A_115, %dma_wait3A_136] : memref<20x125xi32, #tpu.memory_space<vmem>> -> memref<1x125xi32, #tpu.memory_space<vmem>>
        %dma_wait3A_138 = tpu.memref_squeeze %dma_wait3A_137 : memref<1x125xi32, #tpu.memory_space<vmem>> -> memref<125xi32, #tpu.memory_space<vmem>>
        %dma_wait3A_139 = arith.constant 0 : i32
        %dma_wait3A_140 = arith.constant 0 : i32
        %dma_wait3A_141 = tpu.memref_slice %arg10[%dma_wait3A_139, %dma_wait3A_140] : memref<10240x128xf32, #tpu.memory_space<vmem_shared>> -> memref<10240x128xf32, #tpu.memory_space<vmem_shared>>
        tpu.wait_indirect_dma semaphore(%run_scoped3A_129 : memref<!tpu.dma_semaphore, #tpu.memory_space<semaphore_mem>>) src(%arg9 : memref<125x128xf32, #tpu.memory_space<vmem>>) dst(%dma_wait3A_141 : memref<10240x128xf32, #tpu.memory_space<vmem_shared>>)
        tpu.yield
      }) : () -> ()
      %add3A_122 = arith.constant 2 : i32
      %add3A_123 = arith.addi %add3A_115, %add3A_122 : i32
      %lt3A_124 = arith.constant 20 : i32
      %lt3A_125 = arith.cmpi slt, %add3A_123, %lt3A_124 : i32
      %convert_element_type3A_126 = arith.extui %lt3A_125 : i1 to i32
      %cond3A_127 = arith.constant 0 : i32
      %cond3A_128 = arith.cmpi ne, %convert_element_type3A_126, %cond3A_127 : i32
      scf.if %cond3A_128 {
        %add3A_129 = arith.constant 2 : i32
        %add3A_130 = arith.addi %add3A_115, %add3A_129 : i32
        %dma_start3A_131 = arith.constant 0 : i32
        %dma_start3A_132 = tpu.memref_slice %arg6[%add3A_130, %dma_start3A_131] : memref<20x125xi32, #tpu.memory_space<vmem>> -> memref<1x125xi32, #tpu.memory_space<vmem>>
        %dma_start3A_133 = tpu.memref_squeeze %dma_start3A_132 : memref<1x125xi32, #tpu.memory_space<vmem>> -> memref<125xi32, #tpu.memory_space<vmem>>
        %dma_start3A_134 = arith.constant 0 : i32
        %dma_start3A_135 = arith.constant 0 : i32
        %dma_start3A_136 = tpu.memref_slice %arg2[%dma_start3A_134, %dma_start3A_135] : memref<10000x128xf32, #tpu.memory_space<hbm>> -> memref<10000x128xf32, #tpu.memory_space<hbm>>
        tpu.enqueue_indirect_dma source(%dma_start3A_136 : memref<10000x128xf32, #tpu.memory_space<hbm>>) target(%arg9 : memref<125x128xf32, #tpu.memory_space<vmem>>) offsets(%dma_start3A_133 : memref<125xi32, #tpu.memory_space<vmem>>) semaphore(%arg12 : memref<!tpu.dma_semaphore, #tpu.memory_space<semaphore_mem>>)
      } else {
      }
    }
    %scan3A_45 = arith.constant 10 : i32
    %run_scoped3A_46 = arith.constant 0 : i32
    %run_scoped3A_47 = arith.constant 2 : i32
    "tpu.region"() ({
      %run_scoped3A_99 = tpu.sem_alloc : memref<!tpu.dma_semaphore, #tpu.memory_space<semaphore_mem>>
      %dma_start3A_100 = arith.constant 0 : i32
      %dma_start3A_101 = arith.constant 0 : i32
      %dma_start3A_102 = tpu.memref_slice %arg3[%run_scoped3A_46, %arg0, %arg1, %run_scoped3A_47, %dma_start3A_100, %dma_start3A_101] : memref<2x2x16x4x20x125xi32, #tpu.memory_space<hbm>> -> memref<1x1x1x1x20x125xi32, #tpu.memory_space<hbm>>
      %dma_start3A_103 = tpu.memref_squeeze %dma_start3A_102 : memref<1x1x1x1x20x125xi32, #tpu.memory_space<hbm>> -> memref<20x125xi32, #tpu.memory_space<hbm>>
      %dma_start3A_104 = arith.constant 0 : i32
      %dma_start3A_105 = arith.constant 0 : i32
      %dma_start3A_106 = tpu.memref_slice %arg3[%run_scoped3A_46, %arg0, %arg1, %run_scoped3A_47, %dma_start3A_104, %dma_start3A_105] : memref<2x2x16x4x20x125xi32, #tpu.memory_space<hbm>> -> memref<1x1x1x1x20x125xi32, #tpu.memory_space<hbm>>
      %dma_start3A_107 = tpu.memref_squeeze %dma_start3A_106 : memref<1x1x1x1x20x125xi32, #tpu.memory_space<hbm>> -> memref<20x125xi32, #tpu.memory_space<hbm>>
      tpu.enqueue_dma source(%dma_start3A_107 : memref<20x125xi32, #tpu.memory_space<hbm>>) target(%arg6 : memref<20x125xi32, #tpu.memory_space<vmem>>) target_semaphore(%run_scoped3A_99 : memref<!tpu.dma_semaphore, #tpu.memory_space<semaphore_mem>>)
      %dma_wait3A = arith.constant 0 : i32
      %dma_wait3A_108 = arith.constant 0 : i32
      %dma_wait3A_109 = tpu.memref_slice %arg3[%run_scoped3A_46, %arg0, %arg1, %run_scoped3A_47, %dma_wait3A, %dma_wait3A_108] : memref<2x2x16x4x20x125xi32, #tpu.memory_space<hbm>> -> memref<1x1x1x1x20x125xi32, #tpu.memory_space<hbm>>
      %dma_wait3A_110 = tpu.memref_squeeze %dma_wait3A_109 : memref<1x1x1x1x20x125xi32, #tpu.memory_space<hbm>> -> memref<20x125xi32, #tpu.memory_space<hbm>>
      %dma_wait3A_111 = arith.constant 0 : i32
      %dma_wait3A_112 = arith.constant 0 : i32
      %dma_wait3A_113 = tpu.memref_slice %arg3[%run_scoped3A_46, %arg0, %arg1, %run_scoped3A_47, %dma_wait3A_111, %dma_wait3A_112] : memref<2x2x16x4x20x125xi32, #tpu.memory_space<hbm>> -> memref<1x1x1x1x20x125xi32, #tpu.memory_space<hbm>>
      %dma_wait3A_114 = tpu.memref_squeeze %dma_wait3A_113 : memref<1x1x1x1x20x125xi32, #tpu.memory_space<hbm>> -> memref<20x125xi32, #tpu.memory_space<hbm>>
      tpu.wait_dma2 semaphore(%run_scoped3A_99 : memref<!tpu.dma_semaphore, #tpu.memory_space<semaphore_mem>>) src(%dma_wait3A_114 : memref<20x125xi32, #tpu.memory_space<hbm>>) dst(%arg6 : memref<20x125xi32, #tpu.memory_space<vmem>>)
      tpu.yield
    }) : () -> ()
    %run_scoped3A_48 = arith.constant 1 : i32
    %run_scoped3A_49 = arith.constant 2 : i32
    "tpu.region"() ({
      %run_scoped3A_99 = tpu.sem_alloc : memref<!tpu.dma_semaphore, #tpu.memory_space<semaphore_mem>>
      %dma_start3A_100 = arith.constant 0 : i32
      %dma_start3A_101 = arith.constant 0 : i32
      %dma_start3A_102 = tpu.memref_slice %arg3[%run_scoped3A_48, %arg0, %arg1, %run_scoped3A_49, %dma_start3A_100, %dma_start3A_101] : memref<2x2x16x4x20x125xi32, #tpu.memory_space<hbm>> -> memref<1x1x1x1x20x125xi32, #tpu.memory_space<hbm>>
      %dma_start3A_103 = tpu.memref_squeeze %dma_start3A_102 : memref<1x1x1x1x20x125xi32, #tpu.memory_space<hbm>> -> memref<20x125xi32, #tpu.memory_space<hbm>>
      %dma_start3A_104 = arith.constant 0 : i32
      %dma_start3A_105 = arith.constant 0 : i32
      %dma_start3A_106 = tpu.memref_slice %arg3[%run_scoped3A_48, %arg0, %arg1, %run_scoped3A_49, %dma_start3A_104, %dma_start3A_105] : memref<2x2x16x4x20x125xi32, #tpu.memory_space<hbm>> -> memref<1x1x1x1x20x125xi32, #tpu.memory_space<hbm>>
      %dma_start3A_107 = tpu.memref_squeeze %dma_start3A_106 : memref<1x1x1x1x20x125xi32, #tpu.memory_space<hbm>> -> memref<20x125xi32, #tpu.memory_space<hbm>>
      tpu.enqueue_dma source(%dma_start3A_107 : memref<20x125xi32, #tpu.memory_space<hbm>>) target(%arg7 : memref<20x125xi32, #tpu.memory_space<vmem>>) target_semaphore(%run_scoped3A_99 : memref<!tpu.dma_semaphore, #tpu.memory_space<semaphore_mem>>)
      %dma_wait3A = arith.constant 0 : i32
      %dma_wait3A_108 = arith.constant 0 : i32
      %dma_wait3A_109 = tpu.memref_slice %arg3[%run_scoped3A_48, %arg0, %arg1, %run_scoped3A_49, %dma_wait3A, %dma_wait3A_108] : memref<2x2x16x4x20x125xi32, #tpu.memory_space<hbm>> -> memref<1x1x1x1x20x125xi32, #tpu.memory_space<hbm>>
      %dma_wait3A_110 = tpu.memref_squeeze %dma_wait3A_109 : memref<1x1x1x1x20x125xi32, #tpu.memory_space<hbm>> -> memref<20x125xi32, #tpu.memory_space<hbm>>
      %dma_wait3A_111 = arith.constant 0 : i32
      %dma_wait3A_112 = arith.constant 0 : i32
      %dma_wait3A_113 = tpu.memref_slice %arg3[%run_scoped3A_48, %arg0, %arg1, %run_scoped3A_49, %dma_wait3A_111, %dma_wait3A_112] : memref<2x2x16x4x20x125xi32, #tpu.memory_space<hbm>> -> memref<1x1x1x1x20x125xi32, #tpu.memory_space<hbm>>
      %dma_wait3A_114 = tpu.memref_squeeze %dma_wait3A_113 : memref<1x1x1x1x20x125xi32, #tpu.memory_space<hbm>> -> memref<20x125xi32, #tpu.memory_space<hbm>>
      tpu.wait_dma2 semaphore(%run_scoped3A_99 : memref<!tpu.dma_semaphore, #tpu.memory_space<semaphore_mem>>) src(%dma_wait3A_114 : memref<20x125xi32, #tpu.memory_space<hbm>>) dst(%arg7 : memref<20x125xi32, #tpu.memory_space<vmem>>)
      tpu.yield
    }) : () -> ()
    %dma_start3A_50 = arith.constant 0 : i32
    %dma_start3A_51 = arith.constant 0 : i32
    %dma_start3A_52 = tpu.memref_slice %arg6[%dma_start3A_50, %dma_start3A_51] : memref<20x125xi32, #tpu.memory_space<vmem>> -> memref<1x125xi32, #tpu.memory_space<vmem>>
    %dma_start3A_53 = tpu.memref_squeeze %dma_start3A_52 : memref<1x125xi32, #tpu.memory_space<vmem>> -> memref<125xi32, #tpu.memory_space<vmem>>
    %dma_start3A_54 = arith.constant 0 : i32
    %dma_start3A_55 = arith.constant 0 : i32
    %dma_start3A_56 = tpu.memref_slice %arg2[%dma_start3A_54, %dma_start3A_55] : memref<10000x128xf32, #tpu.memory_space<hbm>> -> memref<10000x128xf32, #tpu.memory_space<hbm>>
    tpu.enqueue_indirect_dma source(%dma_start3A_56 : memref<10000x128xf32, #tpu.memory_space<hbm>>) target(%arg8 : memref<125x128xf32, #tpu.memory_space<vmem>>) offsets(%dma_start3A_53 : memref<125xi32, #tpu.memory_space<vmem>>) semaphore(%arg11 : memref<!tpu.dma_semaphore, #tpu.memory_space<semaphore_mem>>)
    %dma_start3A_57 = arith.constant 1 : i32
    %dma_start3A_58 = arith.constant 0 : i32
    %dma_start3A_59 = tpu.memref_slice %arg6[%dma_start3A_57, %dma_start3A_58] : memref<20x125xi32, #tpu.memory_space<vmem>> -> memref<1x125xi32, #tpu.memory_space<vmem>>
    %dma_start3A_60 = tpu.memref_squeeze %dma_start3A_59 : memref<1x125xi32, #tpu.memory_space<vmem>> -> memref<125xi32, #tpu.memory_space<vmem>>
    %dma_start3A_61 = arith.constant 0 : i32
    %dma_start3A_62 = arith.constant 0 : i32
    %dma_start3A_63 = tpu.memref_slice %arg2[%dma_start3A_61, %dma_start3A_62] : memref<10000x128xf32, #tpu.memory_space<hbm>> -> memref<10000x128xf32, #tpu.memory_space<hbm>>
    tpu.enqueue_indirect_dma source(%dma_start3A_63 : memref<10000x128xf32, #tpu.memory_space<hbm>>) target(%arg9 : memref<125x128xf32, #tpu.memory_space<vmem>>) offsets(%dma_start3A_60 : memref<125xi32, #tpu.memory_space<vmem>>) semaphore(%arg12 : memref<!tpu.dma_semaphore, #tpu.memory_space<semaphore_mem>>)
    %scan3A_64 = arith.constant 0 : i32
    %scan3A_65 = arith.constant 0 : i32
    %scan3A_66 = arith.constant 10 : i32
    %scan3A_67 = arith.addi %scan3A_65, %scan3A_66 : i32
    %scan3A_68 = arith.constant 1 : i32
    scf.for %scan3A_99 = %scan3A_65 to %scan3A_67 step %scan3A_68  : i32 {
      %mul3A_100 = arith.constant 2 : i32
      %mul3A_101 = arith.muli %scan3A_99, %mul3A_100 : i32
      %add3A = arith.constant 0 : i32
      %add3A_102 = arith.addi %mul3A_101, %add3A : i32
      %dma_wait3A = arith.constant 0 : i32
      %dma_wait3A_103 = tpu.memref_slice %arg6[%add3A_102, %dma_wait3A] : memref<20x125xi32, #tpu.memory_space<vmem>> -> memref<1x125xi32, #tpu.memory_space<vmem>>
      %dma_wait3A_104 = tpu.memref_squeeze %dma_wait3A_103 : memref<1x125xi32, #tpu.memory_space<vmem>> -> memref<125xi32, #tpu.memory_space<vmem>>
      %dma_wait3A_105 = arith.constant 0 : i32
      %dma_wait3A_106 = arith.constant 0 : i32
      %dma_wait3A_107 = tpu.memref_slice %arg2[%dma_wait3A_105, %dma_wait3A_106] : memref<10000x128xf32, #tpu.memory_space<hbm>> -> memref<10000x128xf32, #tpu.memory_space<hbm>>
      tpu.wait_indirect_dma semaphore(%arg11 : memref<!tpu.dma_semaphore, #tpu.memory_space<semaphore_mem>>) src(%dma_wait3A_107 : memref<10000x128xf32, #tpu.memory_space<hbm>>) dst(%arg8 : memref<125x128xf32, #tpu.memory_space<vmem>>)
      "tpu.region"() ({
        %run_scoped3A_129 = tpu.sem_alloc : memref<!tpu.dma_semaphore, #tpu.memory_space<semaphore_mem>>
        %dma_start3A_130 = arith.constant 0 : i32
        %dma_start3A_131 = tpu.memref_slice %arg7[%add3A_102, %dma_start3A_130] : memref<20x125xi32, #tpu.memory_space<vmem>> -> memref<1x125xi32, #tpu.memory_space<vmem>>
        %dma_start3A_132 = tpu.memref_squeeze %dma_start3A_131 : memref<1x125xi32, #tpu.memory_space<vmem>> -> memref<125xi32, #tpu.memory_space<vmem>>
        %dma_start3A_133 = arith.constant 0 : i32
        %dma_start3A_134 = arith.constant 0 : i32
        %dma_start3A_135 = tpu.memref_slice %arg10[%dma_start3A_133, %dma_start3A_134] : memref<10240x128xf32, #tpu.memory_space<vmem_shared>> -> memref<10240x128xf32, #tpu.memory_space<vmem_shared>>
        tpu.enqueue_indirect_dma source(%arg8 : memref<125x128xf32, #tpu.memory_space<vmem>>) target(%dma_start3A_135 : memref<10240x128xf32, #tpu.memory_space<vmem_shared>>) offsets(%dma_start3A_132 : memref<125xi32, #tpu.memory_space<vmem>>) semaphore(%run_scoped3A_129 : memref<!tpu.dma_semaphore, #tpu.memory_space<semaphore_mem>>) {add = true}
        %dma_wait3A_136 = arith.constant 0 : i32
        %dma_wait3A_137 = tpu.memref_slice %arg7[%add3A_102, %dma_wait3A_136] : memref<20x125xi32, #tpu.memory_space<vmem>> -> memref<1x125xi32, #tpu.memory_space<vmem>>
        %dma_wait3A_138 = tpu.memref_squeeze %dma_wait3A_137 : memref<1x125xi32, #tpu.memory_space<vmem>> -> memref<125xi32, #tpu.memory_space<vmem>>
        %dma_wait3A_139 = arith.constant 0 : i32
        %dma_wait3A_140 = arith.constant 0 : i32
        %dma_wait3A_141 = tpu.memref_slice %arg10[%dma_wait3A_139, %dma_wait3A_140] : memref<10240x128xf32, #tpu.memory_space<vmem_shared>> -> memref<10240x128xf32, #tpu.memory_space<vmem_shared>>
        tpu.wait_indirect_dma semaphore(%run_scoped3A_129 : memref<!tpu.dma_semaphore, #tpu.memory_space<semaphore_mem>>) src(%arg8 : memref<125x128xf32, #tpu.memory_space<vmem>>) dst(%dma_wait3A_141 : memref<10240x128xf32, #tpu.memory_space<vmem_shared>>)
        tpu.yield
      }) : () -> ()
      %add3A_108 = arith.constant 2 : i32
      %add3A_109 = arith.addi %add3A_102, %add3A_108 : i32
      %lt3A = arith.constant 20 : i32
      %lt3A_110 = arith.cmpi slt, %add3A_109, %lt3A : i32
      %convert_element_type3A = arith.extui %lt3A_110 : i1 to i32
      %cond3A = arith.constant 0 : i32
      %cond3A_111 = arith.cmpi ne, %convert_element_type3A, %cond3A : i32
      scf.if %cond3A_111 {
        %add3A_129 = arith.constant 2 : i32
        %add3A_130 = arith.addi %add3A_102, %add3A_129 : i32
        %dma_start3A_131 = arith.constant 0 : i32
        %dma_start3A_132 = tpu.memref_slice %arg6[%add3A_130, %dma_start3A_131] : memref<20x125xi32, #tpu.memory_space<vmem>> -> memref<1x125xi32, #tpu.memory_space<vmem>>
        %dma_start3A_133 = tpu.memref_squeeze %dma_start3A_132 : memref<1x125xi32, #tpu.memory_space<vmem>> -> memref<125xi32, #tpu.memory_space<vmem>>
        %dma_start3A_134 = arith.constant 0 : i32
        %dma_start3A_135 = arith.constant 0 : i32
        %dma_start3A_136 = tpu.memref_slice %arg2[%dma_start3A_134, %dma_start3A_135] : memref<10000x128xf32, #tpu.memory_space<hbm>> -> memref<10000x128xf32, #tpu.memory_space<hbm>>
        tpu.enqueue_indirect_dma source(%dma_start3A_136 : memref<10000x128xf32, #tpu.memory_space<hbm>>) target(%arg8 : memref<125x128xf32, #tpu.memory_space<vmem>>) offsets(%dma_start3A_133 : memref<125xi32, #tpu.memory_space<vmem>>) semaphore(%arg11 : memref<!tpu.dma_semaphore, #tpu.memory_space<semaphore_mem>>)
      } else {
      }
      %mul3A_112 = arith.constant 2 : i32
      %mul3A_113 = arith.muli %scan3A_99, %mul3A_112 : i32
      %add3A_114 = arith.constant 1 : i32
      %add3A_115 = arith.addi %mul3A_113, %add3A_114 : i32
      %dma_wait3A_116 = arith.constant 0 : i32
      %dma_wait3A_117 = tpu.memref_slice %arg6[%add3A_115, %dma_wait3A_116] : memref<20x125xi32, #tpu.memory_space<vmem>> -> memref<1x125xi32, #tpu.memory_space<vmem>>
      %dma_wait3A_118 = tpu.memref_squeeze %dma_wait3A_117 : memref<1x125xi32, #tpu.memory_space<vmem>> -> memref<125xi32, #tpu.memory_space<vmem>>
      %dma_wait3A_119 = arith.constant 0 : i32
      %dma_wait3A_120 = arith.constant 0 : i32
      %dma_wait3A_121 = tpu.memref_slice %arg2[%dma_wait3A_119, %dma_wait3A_120] : memref<10000x128xf32, #tpu.memory_space<hbm>> -> memref<10000x128xf32, #tpu.memory_space<hbm>>
      tpu.wait_indirect_dma semaphore(%arg12 : memref<!tpu.dma_semaphore, #tpu.memory_space<semaphore_mem>>) src(%dma_wait3A_121 : memref<10000x128xf32, #tpu.memory_space<hbm>>) dst(%arg9 : memref<125x128xf32, #tpu.memory_space<vmem>>)
      "tpu.region"() ({
        %run_scoped3A_129 = tpu.sem_alloc : memref<!tpu.dma_semaphore, #tpu.memory_space<semaphore_mem>>
        %dma_start3A_130 = arith.constant 0 : i32
        %dma_start3A_131 = tpu.memref_slice %arg7[%add3A_115, %dma_start3A_130] : memref<20x125xi32, #tpu.memory_space<vmem>> -> memref<1x125xi32, #tpu.memory_space<vmem>>
        %dma_start3A_132 = tpu.memref_squeeze %dma_start3A_131 : memref<1x125xi32, #tpu.memory_space<vmem>> -> memref<125xi32, #tpu.memory_space<vmem>>
        %dma_start3A_133 = arith.constant 0 : i32
        %dma_start3A_134 = arith.constant 0 : i32
        %dma_start3A_135 = tpu.memref_slice %arg10[%dma_start3A_133, %dma_start3A_134] : memref<10240x128xf32, #tpu.memory_space<vmem_shared>> -> memref<10240x128xf32, #tpu.memory_space<vmem_shared>>
        tpu.enqueue_indirect_dma source(%arg9 : memref<125x128xf32, #tpu.memory_space<vmem>>) target(%dma_start3A_135 : memref<10240x128xf32, #tpu.memory_space<vmem_shared>>) offsets(%dma_start3A_132 : memref<125xi32, #tpu.memory_space<vmem>>) semaphore(%run_scoped3A_129 : memref<!tpu.dma_semaphore, #tpu.memory_space<semaphore_mem>>) {add = true}
        %dma_wait3A_136 = arith.constant 0 : i32
        %dma_wait3A_137 = tpu.memref_slice %arg7[%add3A_115, %dma_wait3A_136] : memref<20x125xi32, #tpu.memory_space<vmem>> -> memref<1x125xi32, #tpu.memory_space<vmem>>
        %dma_wait3A_138 = tpu.memref_squeeze %dma_wait3A_137 : memref<1x125xi32, #tpu.memory_space<vmem>> -> memref<125xi32, #tpu.memory_space<vmem>>
        %dma_wait3A_139 = arith.constant 0 : i32
        %dma_wait3A_140 = arith.constant 0 : i32
        %dma_wait3A_141 = tpu.memref_slice %arg10[%dma_wait3A_139, %dma_wait3A_140] : memref<10240x128xf32, #tpu.memory_space<vmem_shared>> -> memref<10240x128xf32, #tpu.memory_space<vmem_shared>>
        tpu.wait_indirect_dma semaphore(%run_scoped3A_129 : memref<!tpu.dma_semaphore, #tpu.memory_space<semaphore_mem>>) src(%arg9 : memref<125x128xf32, #tpu.memory_space<vmem>>) dst(%dma_wait3A_141 : memref<10240x128xf32, #tpu.memory_space<vmem_shared>>)
        tpu.yield
      }) : () -> ()
      %add3A_122 = arith.constant 2 : i32
      %add3A_123 = arith.addi %add3A_115, %add3A_122 : i32
      %lt3A_124 = arith.constant 20 : i32
      %lt3A_125 = arith.cmpi slt, %add3A_123, %lt3A_124 : i32
      %convert_element_type3A_126 = arith.extui %lt3A_125 : i1 to i32
      %cond3A_127 = arith.constant 0 : i32
      %cond3A_128 = arith.cmpi ne, %convert_element_type3A_126, %cond3A_127 : i32
      scf.if %cond3A_128 {
        %add3A_129 = arith.constant 2 : i32
        %add3A_130 = arith.addi %add3A_115, %add3A_129 : i32
        %dma_start3A_131 = arith.constant 0 : i32
        %dma_start3A_132 = tpu.memref_slice %arg6[%add3A_130, %dma_start3A_131] : memref<20x125xi32, #tpu.memory_space<vmem>> -> memref<1x125xi32, #tpu.memory_space<vmem>>
        %dma_start3A_133 = tpu.memref_squeeze %dma_start3A_132 : memref<1x125xi32, #tpu.memory_space<vmem>> -> memref<125xi32, #tpu.memory_space<vmem>>
        %dma_start3A_134 = arith.constant 0 : i32
        %dma_start3A_135 = arith.constant 0 : i32
        %dma_start3A_136 = tpu.memref_slice %arg2[%dma_start3A_134, %dma_start3A_135] : memref<10000x128xf32, #tpu.memory_space<hbm>> -> memref<10000x128xf32, #tpu.memory_space<hbm>>
        tpu.enqueue_indirect_dma source(%dma_start3A_136 : memref<10000x128xf32, #tpu.memory_space<hbm>>) target(%arg9 : memref<125x128xf32, #tpu.memory_space<vmem>>) offsets(%dma_start3A_133 : memref<125xi32, #tpu.memory_space<vmem>>) semaphore(%arg12 : memref<!tpu.dma_semaphore, #tpu.memory_space<semaphore_mem>>)
      } else {
      }
    }
    %scan3A_69 = arith.constant 10 : i32
    %run_scoped3A_70 = arith.constant 0 : i32
    %run_scoped3A_71 = arith.constant 3 : i32
    "tpu.region"() ({
      %run_scoped3A_99 = tpu.sem_alloc : memref<!tpu.dma_semaphore, #tpu.memory_space<semaphore_mem>>
      %dma_start3A_100 = arith.constant 0 : i32
      %dma_start3A_101 = arith.constant 0 : i32
      %dma_start3A_102 = tpu.memref_slice %arg3[%run_scoped3A_70, %arg0, %arg1, %run_scoped3A_71, %dma_start3A_100, %dma_start3A_101] : memref<2x2x16x4x20x125xi32, #tpu.memory_space<hbm>> -> memref<1x1x1x1x20x125xi32, #tpu.memory_space<hbm>>
      %dma_start3A_103 = tpu.memref_squeeze %dma_start3A_102 : memref<1x1x1x1x20x125xi32, #tpu.memory_space<hbm>> -> memref<20x125xi32, #tpu.memory_space<hbm>>
      %dma_start3A_104 = arith.constant 0 : i32
      %dma_start3A_105 = arith.constant 0 : i32
      %dma_start3A_106 = tpu.memref_slice %arg3[%run_scoped3A_70, %arg0, %arg1, %run_scoped3A_71, %dma_start3A_104, %dma_start3A_105] : memref<2x2x16x4x20x125xi32, #tpu.memory_space<hbm>> -> memref<1x1x1x1x20x125xi32, #tpu.memory_space<hbm>>
      %dma_start3A_107 = tpu.memref_squeeze %dma_start3A_106 : memref<1x1x1x1x20x125xi32, #tpu.memory_space<hbm>> -> memref<20x125xi32, #tpu.memory_space<hbm>>
      tpu.enqueue_dma source(%dma_start3A_107 : memref<20x125xi32, #tpu.memory_space<hbm>>) target(%arg6 : memref<20x125xi32, #tpu.memory_space<vmem>>) target_semaphore(%run_scoped3A_99 : memref<!tpu.dma_semaphore, #tpu.memory_space<semaphore_mem>>)
      %dma_wait3A = arith.constant 0 : i32
      %dma_wait3A_108 = arith.constant 0 : i32
      %dma_wait3A_109 = tpu.memref_slice %arg3[%run_scoped3A_70, %arg0, %arg1, %run_scoped3A_71, %dma_wait3A, %dma_wait3A_108] : memref<2x2x16x4x20x125xi32, #tpu.memory_space<hbm>> -> memref<1x1x1x1x20x125xi32, #tpu.memory_space<hbm>>
      %dma_wait3A_110 = tpu.memref_squeeze %dma_wait3A_109 : memref<1x1x1x1x20x125xi32, #tpu.memory_space<hbm>> -> memref<20x125xi32, #tpu.memory_space<hbm>>
      %dma_wait3A_111 = arith.constant 0 : i32
      %dma_wait3A_112 = arith.constant 0 : i32
      %dma_wait3A_113 = tpu.memref_slice %arg3[%run_scoped3A_70, %arg0, %arg1, %run_scoped3A_71, %dma_wait3A_111, %dma_wait3A_112] : memref<2x2x16x4x20x125xi32, #tpu.memory_space<hbm>> -> memref<1x1x1x1x20x125xi32, #tpu.memory_space<hbm>>
      %dma_wait3A_114 = tpu.memref_squeeze %dma_wait3A_113 : memref<1x1x1x1x20x125xi32, #tpu.memory_space<hbm>> -> memref<20x125xi32, #tpu.memory_space<hbm>>
      tpu.wait_dma2 semaphore(%run_scoped3A_99 : memref<!tpu.dma_semaphore, #tpu.memory_space<semaphore_mem>>) src(%dma_wait3A_114 : memref<20x125xi32, #tpu.memory_space<hbm>>) dst(%arg6 : memref<20x125xi32, #tpu.memory_space<vmem>>)
      tpu.yield
    }) : () -> ()
    %run_scoped3A_72 = arith.constant 1 : i32
    %run_scoped3A_73 = arith.constant 3 : i32
    "tpu.region"() ({
      %run_scoped3A_99 = tpu.sem_alloc : memref<!tpu.dma_semaphore, #tpu.memory_space<semaphore_mem>>
      %dma_start3A_100 = arith.constant 0 : i32
      %dma_start3A_101 = arith.constant 0 : i32
      %dma_start3A_102 = tpu.memref_slice %arg3[%run_scoped3A_72, %arg0, %arg1, %run_scoped3A_73, %dma_start3A_100, %dma_start3A_101] : memref<2x2x16x4x20x125xi32, #tpu.memory_space<hbm>> -> memref<1x1x1x1x20x125xi32, #tpu.memory_space<hbm>>
      %dma_start3A_103 = tpu.memref_squeeze %dma_start3A_102 : memref<1x1x1x1x20x125xi32, #tpu.memory_space<hbm>> -> memref<20x125xi32, #tpu.memory_space<hbm>>
      %dma_start3A_104 = arith.constant 0 : i32
      %dma_start3A_105 = arith.constant 0 : i32
      %dma_start3A_106 = tpu.memref_slice %arg3[%run_scoped3A_72, %arg0, %arg1, %run_scoped3A_73, %dma_start3A_104, %dma_start3A_105] : memref<2x2x16x4x20x125xi32, #tpu.memory_space<hbm>> -> memref<1x1x1x1x20x125xi32, #tpu.memory_space<hbm>>
      %dma_start3A_107 = tpu.memref_squeeze %dma_start3A_106 : memref<1x1x1x1x20x125xi32, #tpu.memory_space<hbm>> -> memref<20x125xi32, #tpu.memory_space<hbm>>
      tpu.enqueue_dma source(%dma_start3A_107 : memref<20x125xi32, #tpu.memory_space<hbm>>) target(%arg7 : memref<20x125xi32, #tpu.memory_space<vmem>>) target_semaphore(%run_scoped3A_99 : memref<!tpu.dma_semaphore, #tpu.memory_space<semaphore_mem>>)
      %dma_wait3A = arith.constant 0 : i32
      %dma_wait3A_108 = arith.constant 0 : i32
      %dma_wait3A_109 = tpu.memref_slice %arg3[%run_scoped3A_72, %arg0, %arg1, %run_scoped3A_73, %dma_wait3A, %dma_wait3A_108] : memref<2x2x16x4x20x125xi32, #tpu.memory_space<hbm>> -> memref<1x1x1x1x20x125xi32, #tpu.memory_space<hbm>>
      %dma_wait3A_110 = tpu.memref_squeeze %dma_wait3A_109 : memref<1x1x1x1x20x125xi32, #tpu.memory_space<hbm>> -> memref<20x125xi32, #tpu.memory_space<hbm>>
      %dma_wait3A_111 = arith.constant 0 : i32
      %dma_wait3A_112 = arith.constant 0 : i32
      %dma_wait3A_113 = tpu.memref_slice %arg3[%run_scoped3A_72, %arg0, %arg1, %run_scoped3A_73, %dma_wait3A_111, %dma_wait3A_112] : memref<2x2x16x4x20x125xi32, #tpu.memory_space<hbm>> -> memref<1x1x1x1x20x125xi32, #tpu.memory_space<hbm>>
      %dma_wait3A_114 = tpu.memref_squeeze %dma_wait3A_113 : memref<1x1x1x1x20x125xi32, #tpu.memory_space<hbm>> -> memref<20x125xi32, #tpu.memory_space<hbm>>
      tpu.wait_dma2 semaphore(%run_scoped3A_99 : memref<!tpu.dma_semaphore, #tpu.memory_space<semaphore_mem>>) src(%dma_wait3A_114 : memref<20x125xi32, #tpu.memory_space<hbm>>) dst(%arg7 : memref<20x125xi32, #tpu.memory_space<vmem>>)
      tpu.yield
    }) : () -> ()
    %dma_start3A_74 = arith.constant 0 : i32
    %dma_start3A_75 = arith.constant 0 : i32
    %dma_start3A_76 = tpu.memref_slice %arg6[%dma_start3A_74, %dma_start3A_75] : memref<20x125xi32, #tpu.memory_space<vmem>> -> memref<1x125xi32, #tpu.memory_space<vmem>>
    %dma_start3A_77 = tpu.memref_squeeze %dma_start3A_76 : memref<1x125xi32, #tpu.memory_space<vmem>> -> memref<125xi32, #tpu.memory_space<vmem>>
    %dma_start3A_78 = arith.constant 0 : i32
    %dma_start3A_79 = arith.constant 0 : i32
    %dma_start3A_80 = tpu.memref_slice %arg2[%dma_start3A_78, %dma_start3A_79] : memref<10000x128xf32, #tpu.memory_space<hbm>> -> memref<10000x128xf32, #tpu.memory_space<hbm>>
    tpu.enqueue_indirect_dma source(%dma_start3A_80 : memref<10000x128xf32, #tpu.memory_space<hbm>>) target(%arg8 : memref<125x128xf32, #tpu.memory_space<vmem>>) offsets(%dma_start3A_77 : memref<125xi32, #tpu.memory_space<vmem>>) semaphore(%arg11 : memref<!tpu.dma_semaphore, #tpu.memory_space<semaphore_mem>>)
    %dma_start3A_81 = arith.constant 1 : i32
    %dma_start3A_82 = arith.constant 0 : i32
    %dma_start3A_83 = tpu.memref_slice %arg6[%dma_start3A_81, %dma_start3A_82] : memref<20x125xi32, #tpu.memory_space<vmem>> -> memref<1x125xi32, #tpu.memory_space<vmem>>
    %dma_start3A_84 = tpu.memref_squeeze %dma_start3A_83 : memref<1x125xi32, #tpu.memory_space<vmem>> -> memref<125xi32, #tpu.memory_space<vmem>>
    %dma_start3A_85 = arith.constant 0 : i32
    %dma_start3A_86 = arith.constant 0 : i32
    %dma_start3A_87 = tpu.memref_slice %arg2[%dma_start3A_85, %dma_start3A_86] : memref<10000x128xf32, #tpu.memory_space<hbm>> -> memref<10000x128xf32, #tpu.memory_space<hbm>>
    tpu.enqueue_indirect_dma source(%dma_start3A_87 : memref<10000x128xf32, #tpu.memory_space<hbm>>) target(%arg9 : memref<125x128xf32, #tpu.memory_space<vmem>>) offsets(%dma_start3A_84 : memref<125xi32, #tpu.memory_space<vmem>>) semaphore(%arg12 : memref<!tpu.dma_semaphore, #tpu.memory_space<semaphore_mem>>)
    %scan3A_88 = arith.constant 0 : i32
    %scan3A_89 = arith.constant 0 : i32
    %scan3A_90 = arith.constant 10 : i32
    %scan3A_91 = arith.addi %scan3A_89, %scan3A_90 : i32
    %scan3A_92 = arith.constant 1 : i32
    scf.for %scan3A_99 = %scan3A_89 to %scan3A_91 step %scan3A_92  : i32 {
      %mul3A_100 = arith.constant 2 : i32
      %mul3A_101 = arith.muli %scan3A_99, %mul3A_100 : i32
      %add3A = arith.constant 0 : i32
      %add3A_102 = arith.addi %mul3A_101, %add3A : i32
      %dma_wait3A = arith.constant 0 : i32
      %dma_wait3A_103 = tpu.memref_slice %arg6[%add3A_102, %dma_wait3A] : memref<20x125xi32, #tpu.memory_space<vmem>> -> memref<1x125xi32, #tpu.memory_space<vmem>>
      %dma_wait3A_104 = tpu.memref_squeeze %dma_wait3A_103 : memref<1x125xi32, #tpu.memory_space<vmem>> -> memref<125xi32, #tpu.memory_space<vmem>>
      %dma_wait3A_105 = arith.constant 0 : i32
      %dma_wait3A_106 = arith.constant 0 : i32
      %dma_wait3A_107 = tpu.memref_slice %arg2[%dma_wait3A_105, %dma_wait3A_106] : memref<10000x128xf32, #tpu.memory_space<hbm>> -> memref<10000x128xf32, #tpu.memory_space<hbm>>
      tpu.wait_indirect_dma semaphore(%arg11 : memref<!tpu.dma_semaphore, #tpu.memory_space<semaphore_mem>>) src(%dma_wait3A_107 : memref<10000x128xf32, #tpu.memory_space<hbm>>) dst(%arg8 : memref<125x128xf32, #tpu.memory_space<vmem>>)
      "tpu.region"() ({
        %run_scoped3A_129 = tpu.sem_alloc : memref<!tpu.dma_semaphore, #tpu.memory_space<semaphore_mem>>
        %dma_start3A_130 = arith.constant 0 : i32
        %dma_start3A_131 = tpu.memref_slice %arg7[%add3A_102, %dma_start3A_130] : memref<20x125xi32, #tpu.memory_space<vmem>> -> memref<1x125xi32, #tpu.memory_space<vmem>>
        %dma_start3A_132 = tpu.memref_squeeze %dma_start3A_131 : memref<1x125xi32, #tpu.memory_space<vmem>> -> memref<125xi32, #tpu.memory_space<vmem>>
        %dma_start3A_133 = arith.constant 0 : i32
        %dma_start3A_134 = arith.constant 0 : i32
        %dma_start3A_135 = tpu.memref_slice %arg10[%dma_start3A_133, %dma_start3A_134] : memref<10240x128xf32, #tpu.memory_space<vmem_shared>> -> memref<10240x128xf32, #tpu.memory_space<vmem_shared>>
        tpu.enqueue_indirect_dma source(%arg8 : memref<125x128xf32, #tpu.memory_space<vmem>>) target(%dma_start3A_135 : memref<10240x128xf32, #tpu.memory_space<vmem_shared>>) offsets(%dma_start3A_132 : memref<125xi32, #tpu.memory_space<vmem>>) semaphore(%run_scoped3A_129 : memref<!tpu.dma_semaphore, #tpu.memory_space<semaphore_mem>>) {add = true}
        %dma_wait3A_136 = arith.constant 0 : i32
        %dma_wait3A_137 = tpu.memref_slice %arg7[%add3A_102, %dma_wait3A_136] : memref<20x125xi32, #tpu.memory_space<vmem>> -> memref<1x125xi32, #tpu.memory_space<vmem>>
        %dma_wait3A_138 = tpu.memref_squeeze %dma_wait3A_137 : memref<1x125xi32, #tpu.memory_space<vmem>> -> memref<125xi32, #tpu.memory_space<vmem>>
        %dma_wait3A_139 = arith.constant 0 : i32
        %dma_wait3A_140 = arith.constant 0 : i32
        %dma_wait3A_141 = tpu.memref_slice %arg10[%dma_wait3A_139, %dma_wait3A_140] : memref<10240x128xf32, #tpu.memory_space<vmem_shared>> -> memref<10240x128xf32, #tpu.memory_space<vmem_shared>>
        tpu.wait_indirect_dma semaphore(%run_scoped3A_129 : memref<!tpu.dma_semaphore, #tpu.memory_space<semaphore_mem>>) src(%arg8 : memref<125x128xf32, #tpu.memory_space<vmem>>) dst(%dma_wait3A_141 : memref<10240x128xf32, #tpu.memory_space<vmem_shared>>)
        tpu.yield
      }) : () -> ()
      %add3A_108 = arith.constant 2 : i32
      %add3A_109 = arith.addi %add3A_102, %add3A_108 : i32
      %lt3A = arith.constant 20 : i32
      %lt3A_110 = arith.cmpi slt, %add3A_109, %lt3A : i32
      %convert_element_type3A = arith.extui %lt3A_110 : i1 to i32
      %cond3A = arith.constant 0 : i32
      %cond3A_111 = arith.cmpi ne, %convert_element_type3A, %cond3A : i32
      scf.if %cond3A_111 {
        %add3A_129 = arith.constant 2 : i32
        %add3A_130 = arith.addi %add3A_102, %add3A_129 : i32
        %dma_start3A_131 = arith.constant 0 : i32
        %dma_start3A_132 = tpu.memref_slice %arg6[%add3A_130, %dma_start3A_131] : memref<20x125xi32, #tpu.memory_space<vmem>> -> memref<1x125xi32, #tpu.memory_space<vmem>>
        %dma_start3A_133 = tpu.memref_squeeze %dma_start3A_132 : memref<1x125xi32, #tpu.memory_space<vmem>> -> memref<125xi32, #tpu.memory_space<vmem>>
        %dma_start3A_134 = arith.constant 0 : i32
        %dma_start3A_135 = arith.constant 0 : i32
        %dma_start3A_136 = tpu.memref_slice %arg2[%dma_start3A_134, %dma_start3A_135] : memref<10000x128xf32, #tpu.memory_space<hbm>> -> memref<10000x128xf32, #tpu.memory_space<hbm>>
        tpu.enqueue_indirect_dma source(%dma_start3A_136 : memref<10000x128xf32, #tpu.memory_space<hbm>>) target(%arg8 : memref<125x128xf32, #tpu.memory_space<vmem>>) offsets(%dma_start3A_133 : memref<125xi32, #tpu.memory_space<vmem>>) semaphore(%arg11 : memref<!tpu.dma_semaphore, #tpu.memory_space<semaphore_mem>>)
      } else {
      }
      %mul3A_112 = arith.constant 2 : i32
      %mul3A_113 = arith.muli %scan3A_99, %mul3A_112 : i32
      %add3A_114 = arith.constant 1 : i32
      %add3A_115 = arith.addi %mul3A_113, %add3A_114 : i32
      %dma_wait3A_116 = arith.constant 0 : i32
      %dma_wait3A_117 = tpu.memref_slice %arg6[%add3A_115, %dma_wait3A_116] : memref<20x125xi32, #tpu.memory_space<vmem>> -> memref<1x125xi32, #tpu.memory_space<vmem>>
      %dma_wait3A_118 = tpu.memref_squeeze %dma_wait3A_117 : memref<1x125xi32, #tpu.memory_space<vmem>> -> memref<125xi32, #tpu.memory_space<vmem>>
      %dma_wait3A_119 = arith.constant 0 : i32
      %dma_wait3A_120 = arith.constant 0 : i32
      %dma_wait3A_121 = tpu.memref_slice %arg2[%dma_wait3A_119, %dma_wait3A_120] : memref<10000x128xf32, #tpu.memory_space<hbm>> -> memref<10000x128xf32, #tpu.memory_space<hbm>>
      tpu.wait_indirect_dma semaphore(%arg12 : memref<!tpu.dma_semaphore, #tpu.memory_space<semaphore_mem>>) src(%dma_wait3A_121 : memref<10000x128xf32, #tpu.memory_space<hbm>>) dst(%arg9 : memref<125x128xf32, #tpu.memory_space<vmem>>)
      "tpu.region"() ({
        %run_scoped3A_129 = tpu.sem_alloc : memref<!tpu.dma_semaphore, #tpu.memory_space<semaphore_mem>>
        %dma_start3A_130 = arith.constant 0 : i32
        %dma_start3A_131 = tpu.memref_slice %arg7[%add3A_115, %dma_start3A_130] : memref<20x125xi32, #tpu.memory_space<vmem>> -> memref<1x125xi32, #tpu.memory_space<vmem>>
        %dma_start3A_132 = tpu.memref_squeeze %dma_start3A_131 : memref<1x125xi32, #tpu.memory_space<vmem>> -> memref<125xi32, #tpu.memory_space<vmem>>
        %dma_start3A_133 = arith.constant 0 : i32
        %dma_start3A_134 = arith.constant 0 : i32
        %dma_start3A_135 = tpu.memref_slice %arg10[%dma_start3A_133, %dma_start3A_134] : memref<10240x128xf32, #tpu.memory_space<vmem_shared>> -> memref<10240x128xf32, #tpu.memory_space<vmem_shared>>
        tpu.enqueue_indirect_dma source(%arg9 : memref<125x128xf32, #tpu.memory_space<vmem>>) target(%dma_start3A_135 : memref<10240x128xf32, #tpu.memory_space<vmem_shared>>) offsets(%dma_start3A_132 : memref<125xi32, #tpu.memory_space<vmem>>) semaphore(%run_scoped3A_129 : memref<!tpu.dma_semaphore, #tpu.memory_space<semaphore_mem>>) {add = true}
        %dma_wait3A_136 = arith.constant 0 : i32
        %dma_wait3A_137 = tpu.memref_slice %arg7[%add3A_115, %dma_wait3A_136] : memref<20x125xi32, #tpu.memory_space<vmem>> -> memref<1x125xi32, #tpu.memory_space<vmem>>
        %dma_wait3A_138 = tpu.memref_squeeze %dma_wait3A_137 : memref<1x125xi32, #tpu.memory_space<vmem>> -> memref<125xi32, #tpu.memory_space<vmem>>
        %dma_wait3A_139 = arith.constant 0 : i32
        %dma_wait3A_140 = arith.constant 0 : i32
        %dma_wait3A_141 = tpu.memref_slice %arg10[%dma_wait3A_139, %dma_wait3A_140] : memref<10240x128xf32, #tpu.memory_space<vmem_shared>> -> memref<10240x128xf32, #tpu.memory_space<vmem_shared>>
        tpu.wait_indirect_dma semaphore(%run_scoped3A_129 : memref<!tpu.dma_semaphore, #tpu.memory_space<semaphore_mem>>) src(%arg9 : memref<125x128xf32, #tpu.memory_space<vmem>>) dst(%dma_wait3A_141 : memref<10240x128xf32, #tpu.memory_space<vmem_shared>>)
        tpu.yield
      }) : () -> ()
      %add3A_122 = arith.constant 2 : i32
      %add3A_123 = arith.addi %add3A_115, %add3A_122 : i32
      %lt3A_124 = arith.constant 20 : i32
      %lt3A_125 = arith.cmpi slt, %add3A_123, %lt3A_124 : i32
      %convert_element_type3A_126 = arith.extui %lt3A_125 : i1 to i32
      %cond3A_127 = arith.constant 0 : i32
      %cond3A_128 = arith.cmpi ne, %convert_element_type3A_126, %cond3A_127 : i32
      scf.if %cond3A_128 {
        %add3A_129 = arith.constant 2 : i32
        %add3A_130 = arith.addi %add3A_115, %add3A_129 : i32
        %dma_start3A_131 = arith.constant 0 : i32
        %dma_start3A_132 = tpu.memref_slice %arg6[%add3A_130, %dma_start3A_131] : memref<20x125xi32, #tpu.memory_space<vmem>> -> memref<1x125xi32, #tpu.memory_space<vmem>>
        %dma_start3A_133 = tpu.memref_squeeze %dma_start3A_132 : memref<1x125xi32, #tpu.memory_space<vmem>> -> memref<125xi32, #tpu.memory_space<vmem>>
        %dma_start3A_134 = arith.constant 0 : i32
        %dma_start3A_135 = arith.constant 0 : i32
        %dma_start3A_136 = tpu.memref_slice %arg2[%dma_start3A_134, %dma_start3A_135] : memref<10000x128xf32, #tpu.memory_space<hbm>> -> memref<10000x128xf32, #tpu.memory_space<hbm>>
        tpu.enqueue_indirect_dma source(%dma_start3A_136 : memref<10000x128xf32, #tpu.memory_space<hbm>>) target(%arg9 : memref<125x128xf32, #tpu.memory_space<vmem>>) offsets(%dma_start3A_133 : memref<125xi32, #tpu.memory_space<vmem>>) semaphore(%arg12 : memref<!tpu.dma_semaphore, #tpu.memory_space<semaphore_mem>>)
      } else {
      }
    }
    %scan3A_93 = arith.constant 10 : i32
    %barrier3A_94 = arith.constant 0 : index
    tpu.barrier barrier_id(%barrier3A_94)
    %mul3A_95 = arith.constant 640 : i32
    %mul3A_96 = arith.muli %arg1, %mul3A_95 : i32
    %mul3A_97 = arith.constant 640 : i32
    %mul3A_98 = arith.muli %arg1, %mul3A_97 : i32
    "tpu.region"() ({
      %run_scoped3A_99 = tpu.sem_alloc : memref<!tpu.dma_semaphore, #tpu.memory_space<semaphore_mem>>
      %dma_start3A_100 = arith.constant 0 : i32
      %dma_start3A_101 = tpu.memref_slice %arg5[%arg0, %mul3A_98, %dma_start3A_100] : memref<2x10240x128xf32, #tpu.memory_space<hbm>> -> memref<1x640x128xf32, #tpu.memory_space<hbm>>
      %dma_start3A_102 = tpu.memref_squeeze %dma_start3A_101 : memref<1x640x128xf32, #tpu.memory_space<hbm>> -> memref<640x128xf32, #tpu.memory_space<hbm>>
      %dma_start3A_103 = arith.constant 0 : i32
      %dma_start3A_104 = tpu.memref_slice %arg10[%mul3A_96, %dma_start3A_103] : memref<10240x128xf32, #tpu.memory_space<vmem_shared>> -> memref<640x128xf32, #tpu.memory_space<vmem_shared>>
      tpu.enqueue_dma source(%dma_start3A_104 : memref<640x128xf32, #tpu.memory_space<vmem_shared>>) target(%dma_start3A_102 : memref<640x128xf32, #tpu.memory_space<hbm>>) target_semaphore(%run_scoped3A_99 : memref<!tpu.dma_semaphore, #tpu.memory_space<semaphore_mem>>)
      %dma_wait3A = arith.constant 0 : i32
      %dma_wait3A_105 = tpu.memref_slice %arg5[%arg0, %mul3A_98, %dma_wait3A] : memref<2x10240x128xf32, #tpu.memory_space<hbm>> -> memref<1x640x128xf32, #tpu.memory_space<hbm>>
      %dma_wait3A_106 = tpu.memref_squeeze %dma_wait3A_105 : memref<1x640x128xf32, #tpu.memory_space<hbm>> -> memref<640x128xf32, #tpu.memory_space<hbm>>
      %dma_wait3A_107 = arith.constant 0 : i32
      %dma_wait3A_108 = tpu.memref_slice %arg10[%mul3A_96, %dma_wait3A_107] : memref<10240x128xf32, #tpu.memory_space<vmem_shared>> -> memref<640x128xf32, #tpu.memory_space<vmem_shared>>
      tpu.wait_dma2 semaphore(%run_scoped3A_99 : memref<!tpu.dma_semaphore, #tpu.memory_space<semaphore_mem>>) src(%dma_wait3A_108 : memref<640x128xf32, #tpu.memory_space<vmem_shared>>) dst(%dma_wait3A_106 : memref<640x128xf32, #tpu.memory_space<hbm>>)
      tpu.yield
    }) : () -> ()
    return
  }
}

module attributes {stable_mosaic.version = 14 : i64} {
  func.func @_mm_body(%arg0: i32, %arg1: memref<5000x128xf32, #tpu.memory_space<vmem>>, %arg2: memref<128x128xf32, #tpu.memory_space<vmem>>, %arg3: memref<1x128xf32, #tpu.memory_space<vmem>>, %arg4: memref<5000x1xf32, #tpu.memory_space<vmem>>, %arg5: memref<5000x128xf32, #tpu.memory_space<vmem>>) attributes {dimension_semantics = [#tpu.dimension_semantics<arbitrary>], iteration_bounds = array<i64: 2>, scalar_prefetch = 0 : i64, scratch_operands = 0 : i64, tpu.core_type = #tpu.core_type<tc>, window_params = [{transform_indices = @transform_0, window_bounds = array<i64: 5000, 128>}, {pipeline_mode = #tpu.pipeline_mode<synchronous>, transform_indices = @transform_1, window_bounds = array<i64: 128, 128>}, {pipeline_mode = #tpu.pipeline_mode<synchronous>, transform_indices = @transform_2, window_bounds = array<i64: 1, 128>}, {transform_indices = @transform_3, window_bounds = array<i64: 5000, 1>}, {transform_indices = @transform_4, window_bounds = array<i64: 5000, 128>}]} {
    %get3A = arith.constant 0 : index
    %get3A_0 = arith.constant 0 : index
    %get3A_1 = vector.load %arg1[%get3A, %get3A_0] : memref<5000x128xf32, #tpu.memory_space<vmem>>, vector<5000x128xf32>
    %get3A_2 = arith.constant 0 : index
    %get3A_3 = arith.constant 0 : index
    %get3A_4 = vector.load %arg2[%get3A_2, %get3A_3] : memref<128x128xf32, #tpu.memory_space<vmem>>, vector<128x128xf32>
    %dot_general3A = arith.constant dense<0.000000e+00> : vector<5000x128xf32>
    %dot_general3A_5 = tpu.matmul %get3A_1, %get3A_4, %dot_general3A {dimension_numbers = #tpu.dot_dimension_numbers<[1], [0], [0], [1], [0, 0, 1, 1], [], []>, transpose_lhs_hint = false} : vector<5000x128xf32>, vector<128x128xf32>, vector<5000x128xf32> -> vector<5000x128xf32>
    %get3A_6 = arith.constant 0 : index
    %get3A_7 = arith.constant 0 : index
    %get3A_8 = vector.load %arg3[%get3A_6, %get3A_7] : memref<1x128xf32, #tpu.memory_space<vmem>>, vector<1x128xf32>
    %add3A = vector.broadcast %get3A_8 : vector<1x128xf32> to vector<5000x128xf32>
    %add3A_9 = arith.addf %dot_general3A_5, %add3A : vector<5000x128xf32>
    %get3A_10 = arith.constant 0 : index
    %get3A_11 = arith.constant 0 : index
    %get3A_12 = vector.load %arg4[%get3A_10, %get3A_11] : memref<5000x1xf32, #tpu.memory_space<vmem>>, vector<5000x1xf32>
    %mul3A = vector.broadcast %get3A_12 : vector<5000x1xf32> to vector<5000x128xf32>
    %mul3A_13 = arith.mulf %add3A_9, %mul3A : vector<5000x128xf32>
    %swap3A = arith.constant 0 : index
    %swap3A_14 = arith.constant 0 : index
    %swap3A_15 = vector.load %arg5[%swap3A, %swap3A_14] : memref<5000x128xf32, #tpu.memory_space<vmem>>, vector<5000x128xf32>
    tpu.vector_store %arg5[%swap3A, %swap3A_14], %mul3A_13 {strides = array<i32>} : memref<5000x128xf32, #tpu.memory_space<vmem>>, vector<5000x128xf32>,
    return
  }
  func.func @transform_0(%arg0: i32) -> (i32, i32) {
    %c0_i32 = arith.constant 0 : i32
    %c0_i32_0 = arith.constant 0 : i32
    return %arg0, %c0_i32 : i32, i32
  }
  func.func @transform_1(%arg0: i32) -> (i32, i32) {
    %c0_i32 = arith.constant 0 : i32
    %c0_i32_0 = arith.constant 0 : i32
    %c0_i32_1 = arith.constant 0 : i32
    return %c0_i32, %c0_i32_0 : i32, i32
  }
  func.func @transform_2(%arg0: i32) -> (i32, i32) {
    %c0_i32 = arith.constant 0 : i32
    %c0_i32_0 = arith.constant 0 : i32
    %c0_i32_1 = arith.constant 0 : i32
    return %c0_i32, %c0_i32_0 : i32, i32
  }
  func.func @transform_3(%arg0: i32) -> (i32, i32) {
    %c0_i32 = arith.constant 0 : i32
    %c0_i32_0 = arith.constant 0 : i32
    return %arg0, %c0_i32 : i32, i32
  }
  func.func @transform_4(%arg0: i32) -> (i32, i32) {
    %c0_i32 = arith.constant 0 : i32
    %c0_i32_0 = arith.constant 0 : i32
    return %arg0, %c0_i32 : i32, i32
  }
}

module attributes {stable_mosaic.version = 14 : i64} {
  func.func @_fin_body(%arg0: i32, %arg1: memref<2x5000x128xf32, #tpu.memory_space<vmem>>, %arg2: memref<5000x1xf32, #tpu.memory_space<vmem>>, %arg3: memref<5000x128xf32, #tpu.memory_space<vmem>>) attributes {dimension_semantics = [#tpu.dimension_semantics<arbitrary>], iteration_bounds = array<i64: 2>, scalar_prefetch = 0 : i64, scratch_operands = 0 : i64, tpu.core_type = #tpu.core_type<tc>, window_params = [{transform_indices = @transform_0, window_bounds = array<i64: 2, 5000, 128>}, {transform_indices = @transform_1, window_bounds = array<i64: 5000, 1>}, {transform_indices = @transform_2, window_bounds = array<i64: 5000, 128>}]} {
    %get3A = arith.constant 0 : index
    %get3A_0 = arith.constant 0 : index
    %get3A_1 = arith.constant 0 : index
    %get3A_2 = vector.load %arg1[%get3A, %get3A_0, %get3A_1] : memref<2x5000x128xf32, #tpu.memory_space<vmem>>, vector<1x5000x128xf32>
    %get3A_3 = vector.shape_cast %get3A_2 : vector<1x5000x128xf32> to vector<5000x128xf32>
    %get3A_4 = arith.constant 1 : index
    %get3A_5 = arith.constant 0 : index
    %get3A_6 = arith.constant 0 : index
    %get3A_7 = vector.load %arg1[%get3A_4, %get3A_5, %get3A_6] : memref<2x5000x128xf32, #tpu.memory_space<vmem>>, vector<1x5000x128xf32>
    %get3A_8 = vector.shape_cast %get3A_7 : vector<1x5000x128xf32> to vector<5000x128xf32>
    %add3A = arith.addf %get3A_3, %get3A_8 : vector<5000x128xf32>
    %get3A_9 = arith.constant 0 : index
    %get3A_10 = arith.constant 0 : index
    %get3A_11 = vector.load %arg2[%get3A_9, %get3A_10] : memref<5000x1xf32, #tpu.memory_space<vmem>>, vector<5000x1xf32>
    %mul3A = vector.broadcast %get3A_11 : vector<5000x1xf32> to vector<5000x128xf32>
    %mul3A_12 = arith.mulf %add3A, %mul3A : vector<5000x128xf32>
    %swap3A = arith.constant 0 : index
    %swap3A_13 = arith.constant 0 : index
    %swap3A_14 = vector.load %arg3[%swap3A, %swap3A_13] : memref<5000x128xf32, #tpu.memory_space<vmem>>, vector<5000x128xf32>
    tpu.vector_store %arg3[%swap3A, %swap3A_13], %mul3A_12 {strides = array<i32>} : memref<5000x128xf32, #tpu.memory_space<vmem>>, vector<5000x128xf32>,
    return
  }
  func.func @transform_0(%arg0: i32) -> (i32, i32, i32) {
    %c0_i32 = arith.constant 0 : i32
    %c0_i32_0 = arith.constant 0 : i32
    %c0_i32_1 = arith.constant 0 : i32
    return %c0_i32, %arg0, %c0_i32_0 : i32, i32, i32
  }
  func.func @transform_1(%arg0: i32) -> (i32, i32) {
    %c0_i32 = arith.constant 0 : i32
    %c0_i32_0 = arith.constant 0 : i32
    return %arg0, %c0_i32 : i32, i32
  }
  func.func @transform_2(%arg0: i32) -> (i32, i32) {
    %c0_i32 = arith.constant 0 : i32
    %c0_i32_0 = arith.constant 0 : i32
    return %arg0, %c0_i32 : i32, i32
  }
}

</mosaic_0001>

<sc_bundles>
// kernel: kernel.5.cloned.1.call-start
scs
__scs_entry_jumppad:
0x0: {  	(pc) =	sbr.rel $0x88, $3  }
0x1: {  	(tag) =	ssettag $0x0;
	lr =	simm.s32 $0x1  }
0x2: {  	[smem:$0x3F9C] =	sst lr;
	_ =	strace $0xD0000000  }
0x3: {  	_ = 	snop  }
0x4: {  	_ = 	snop  }
0x5: {  	_ = 	snop  }
0x6: {  	_ = 	snop  }
0x7: {  	_ = 	snop  }
__scs_overlays_trampoline_lowered:
0x8: {  	[smem:$0x3FAB] =	sst s0  }
0x9: {  	[smem:$0x3FAC] =	sst s1  }
0xa: {  	[smem:$0x3FAD] =	sst s2  }
0xb: {  	[smem:$0x3FAE] =	sst s3  }
0xc: {  	[smem:$0x3FAF] =	sst s4  }
0xd: {  	[smem:$0x3FB0] =	sst s5  }
0xe: {  	[smem:$0x3FB1] =	sst s6  }
0xf: {  	[smem:$0x3FB2] =	sst s7  }
0x10: {  	[smem:$0x3FB3] =	sst s8  }
0x11: {  	[smem:$0x3FB4] =	sst s9;
	s0 =	simm.s32 @!p0 $0x0  }
0x12: {  	s1 =	sld [smem:$0x3F9A];
	s0 =	simm.s32 @p0 $0x1  }
0x13: {  	[smem:$0x3FB5] =	sst s0;
	s0 =	simm.s32 @!p1 $0x0  }
0x14: {  	s2 =	sld [smem:$0x3F99];
	s0 =	simm.s32 @p1 $0x1  }
0x15: {  	[smem:$0x3FB6] =	sst s0;
	s0 =	simm.s32 @!p2 $0x0  }
0x16: {  	s3 =	sld [smem:$0x3FDB];
	s0 =	simm.s32 @p2 $0x1  }
0x17: {  	s4 =	simm.s32 $0x1BF5;
	[smem:$0x3FB8] =	sst s0  }
0x18: {  	s0 =	sld [smem:$0x3F9B];
	_ =	swait.ge [sflag:s4], $0x0  }
0x19: {  	s7 =	sld [smem:$0x3F9C]  }
0x1a: {  	s8 =	sadd.s32 $0xFFFFE003, lr  }
0x1b: {  	s9 =	sadd.s32 $0xFFFFFEF7, lr;
	s5 =	simm.s32 $0xFFFFFFFF;
	p2 =	slt.u32 s8, $0xFFFFF086  }
0x1c: {  	p1 =	slt.u32 s9, $0xF7A;
	s5 =	simm.s32 @!p2 $0x0  }
0x1d: {  	s5 =	simm.s32 @p1 $0x1;
	p0 =	seq.s32 s7, s2  }
0x1e: {  	s7 =	smul.u32 @!p0 $0xF7A, s2;
	p2 =	seq.s32 @!p0 s5, $0x0  }
0x1f: {  	s9 =	smul.u32 $0xF7A, s1;
	s8 =	simm.s32 @!p0 $0x1BF5;
	p2 =	por !p2, p0  }
0x20: {  	[sflag:s8] =	ssyncset.s32 @!p0 $0xFFFFF086;
	s6 =	sadd.s32 @!p0 s3, s7;
	s7 =	simm.s32 @!p0 $0x108  }
0x21: {  	s3 =	sadd.s32 s3, s9;
	s6 =	sadd.s32 @!p0 $0x88, s6;
	s7 =	simm.s32 @p2 $0x1082  }
0x22: {  	[simem:s7], [sflag:s8] =	dma.local @!p0 [hbm:s6], $0xF7A  }
0x23: {  	s9 =	sor.u32 $0xD0000000, s2;
	s6 =	simm.s32 $0x108;
	_ =	swait.ge @!p0 [sflag:s8], $0x0  }
0x24: {  	s3 =	sadd.s32 $0x88, s3;
	s6 =	simm.s32 @!p1 $0x1082;
	[sflag:s4] =	ssyncset.s32 $0xFFFFF086  }
0x25: {  	[simem:s6], [sflag:s4] =	dma.local [hbm:s3], $0xF7A  }
0x26: {  	[smem:$0x3F9C] =	sst s1;
	(tag) =	ssettag s2;
	_ =	strace s9  }
0x27: {  	s1 =	sld [smem:$0x3FAC]  }
0x28: {  	s2 =	sld [smem:$0x3FAD]  }
0x29: {  	s4 =	sld [smem:$0x3FAF]  }
0x2a: {  	p0 =	seq.s32 s5, $0x0;
	s5 =	sld [smem:$0x3FB0]  }
0x2b: {  	s6 =	sld [smem:$0x3FB1]  }
0x2c: {  	s7 =	sld [smem:$0x3FB2]  }
0x2d: {  	s3 =	simm.s32 $0x108;
	s8 =	sld [smem:$0x3FB3]  }
0x2e: {  	s3 =	simm.s32 @!p0 $0x1082;
	s9 =	sld [smem:$0x3FB4]  }
0x2f: {  	lr =	sadd.s32 s0, s3;
	s0 =	sld [smem:$0x3FAB]  }
0x30: {  	s3 =	sld [smem:$0x3FAE]  }
0x31: {  	[smem:$0x3FB7] =	sst s10  }
0x32: {  	s10 =	sld [smem:$0x3FB5];
	_ =	sdelay $0x3  }
0x33: {  	p0 =	seq.s32 s10, $0x1;
	s10 =	sld [smem:$0x3FB7];
	_ =	sdelay $0x3  }
0x34: {  	[smem:$0x3FB7] =	sst s10  }
0x35: {  	s10 =	sld [smem:$0x3FB6];
	_ =	sdelay $0x3  }
0x36: {  	p1 =	seq.s32 s10, $0x1;
	s10 =	sld [smem:$0x3FB7];
	_ =	sdelay $0x3  }
0x37: {  	[smem:$0x3FB7] =	sst s10  }
0x38: {  	s10 =	sld [smem:$0x3FB8]  }
0x39: {  	_ = 	snop;
	(pc) =	sbr.ind lr, $3  }
0x3a: {  	_ = 	snop  }
0x3b: {  	_ = 	snop  }
0x3c: {  	p2 =	seq.s32 s10, $0x1;
	s10 =	sld [smem:$0x3FB7]  }
0x3d: {  	_ =	shalt  }
0x3e: {  	_ =	shalt  }
0x3f: {  	_ =	shalt  }
0x40: {  	_ =	shalt  }
0x41: {  	_ =	shalt  }
0x42: {  	_ =	shalt  }
0x43: {  	_ =	shalt  }
0x44: {  	_ =	shalt  }
0x45: {  	_ =	shalt  }
0x46: {  	_ =	shalt  }
0x47: {  	_ =	shalt  }
0x48: {  	_ =	shalt  }
0x49: {  	_ =	shalt  }
0x4a: {  	_ =	shalt  }
0x4b: {  	_ =	shalt  }
0x4c: {  	_ =	shalt  }
0x4d: {  	_ =	shalt  }
0x4e: {  	_ =	shalt  }
0x4f: {  	_ =	shalt  }
0x50: {  	_ =	shalt  }
0x51: {  	_ =	shalt  }
0x52: {  	_ =	shalt  }
0x53: {  	_ =	shalt  }
0x54: {  	_ =	shalt  }
0x55: {  	_ =	shalt  }
0x56: {  	_ =	shalt  }
0x57: {  	_ =	shalt  }
0x58: {  	_ =	shalt  }
0x59: {  	_ =	shalt  }
0x5a: {  	_ =	shalt  }
0x5b: {  	_ =	shalt  }
0x5c: {  	_ =	shalt  }
0x5d: {  	_ =	shalt  }
0x5e: {  	_ =	shalt  }
0x5f: {  	_ =	shalt  }
0x60: {  	_ =	shalt  }
0x61: {  	_ =	shalt  }
0x62: {  	_ =	shalt  }
0x63: {  	_ =	shalt  }
0x64: {  	_ =	shalt  }
0x65: {  	_ =	shalt  }
0x66: {  	_ =	shalt  }
0x67: {  	_ =	shalt  }
0x68: {  	_ =	shalt  }
0x69: {  	_ =	shalt  }
0x6a: {  	_ =	shalt  }
0x6b: {  	_ =	shalt  }
0x6c: {  	_ =	shalt  }
0x6d: {  	_ =	shalt  }
0x6e: {  	_ =	shalt  }
0x6f: {  	_ =	shalt  }
0x70: {  	_ =	shalt  }
0x71: {  	_ =	shalt  }
0x72: {  	_ =	shalt  }
0x73: {  	_ =	shalt  }
0x74: {  	_ =	shalt  }
0x75: {  	_ =	shalt  }
0x76: {  	_ =	shalt  }
0x77: {  	_ =	shalt  }
0x78: {  	_ =	shalt  }
0x79: {  	_ =	shalt  }
0x7a: {  	_ =	shalt  }
0x7b: {  	_ =	shalt  }
0x7c: {  	_ =	shalt  }
0x7d: {  	_ =	shalt  }
0x7e: {  	_ =	shalt  }
0x7f: {  	_ =	shalt  }
0x80: {  	_ =	shalt  }
0x81: {  	_ =	shalt  }
0x82: {  	_ =	shalt  }
0x83: {  	_ =	shalt  }
0x84: {  	_ =	shalt  }
0x85: {  	_ =	shalt  }
0x86: {  	_ =	shalt  }
0x87: {  	_ =	shalt  }
.Lfunc_end0:
.L_simem_size_0:
called_computation_lowered:
.L_overlay_start_0:
0x88: {  	s2 =	sld [smem:$0x3FD9]  }
0x89: {  	s3 =	sld [smem:$0x3FFE];
	_ =	sdelay $0x1  }
0x8a: {  	s1 =	srdreg.scid  }
0x8b: {  	s0 =	sand.u32 $0x1, s1  }
0x8c: {  	s17 =	sshll.u32 s0, $0xA;
	s2 =	sadd.s32 s3, s2  }
0x8d: {  	s2 =	sadd.s32 s2, s17  }
0x8e: {  	[smem:$0x3FC3] =	sst s2  }
0x8f: {  	_ = 	snop  }
0x90: {  	s2 =	sld [smem:$0x3FD0];
	(tm) =	ssettm $0x1  }
0x91: {  	s18 =	sld [smem:$0x3FFB];
	_ =	sdelay $0x3  }
0x92: {  	_ =	strace s18  }
0x93: {  	s3 =	sld [smem:$0x3FFC];
	_ =	sdelay $0x3  }
0x94: {  	_ =	strace s3  }
0x95: {  	s3 =	sld [smem:$0x3FFD];
	_ =	sdelay $0x3  }
0x96: {  	_ =	strace s3  }
0x97: {  	_ =	strace $0x8FFFFFFF  }
0x98: {  	s19 =	sld [smem:$0x3FDB];
	_ =	sdelay $0x1  }
0x99: {  	s4 =	simm.s32 $_scs_section_size  }
0x9a: {  	s5 =	simm.s32 $_size__tile_overlayer_lowered;
	s6 =	simm.s32 $_tile_overlayer_lowered  }
0x9b: {  	s22 =	simm.s32 $0x1BFF;
	s21 =	sshll.u32 s6, $0x1;
	s3 =	sadd.s32 s4, s19  }
0x9c: {  	s7 =	simm.s32 $0x0;
	s20 =	sshll.u32 s5, $0x1;
	s5 =	sadd.s32 s21, s3  }
0x9d: {  	[timem:s7], [sflag:s22] =	dma.local [hbm:s5], s20  }
0x9e: {  	_ =	swait.ge [sflag:s22], s20  }
0x9f: {  	s4 =	ssub.s32 $0x0, s20;
	[sflag:s22] =	ssyncset.done $0x0  }
0xa0: {  	[sflag:s22] =	ssyncadd.s32 s4;
	_ =	sdelay $0x1  }
0xa1: {  	s23 =	simm.s32 $0x1B8B  }
0xa2: {  	_ =	swait.ge [sflag:s23], $0x1  }
0xa3: {  	[sflag:s23] =	ssyncset.done $0x0  }
0xa4: {  	s25 =	simm.s32 $0x1B8E;
	s24 =	sld [smem:$0x3FFE];
	[sflag:s23] =	ssyncadd.s32 $0xFFFFFFFF  }
0xa5: {  	s26 =	simm.s32 $execute0_lowered;
	[smem:$0x3FD2] =	sst s25  }
0xa6: {  	s5 =	sshll.u32 s26, $0x1;
	_ =	strace $0x80000046;
	[dreg:$0x1] =	wrdreg $0xFFFFFFFF  }
0xa7: {  	s28 =	simm.s32 $_size_execute0_lowered;
	s3 =	sadd.s32 s3, s5;
	[dreg:$0x0] =	wrdreg $0x0  }
0xa8: {  	s5 =	sshll.u32 s28, $0x1;
	[dreg:$0x2] =	wrdreg s3  }
0xa9: {  	[dreg:$0x3] =	wrdreg s5  }
0xaa: {  	[dreg:$0x4] =	wrdreg $0xC0  }
0xab: {  	_ =	task [dreg:s7], $0x5FFFF  }
0xac: {  	[dreg:$0x1] =	wrdreg $0xFFFFFFFF  }
0xad: {  	[dreg:$0x0] =	wrdreg $0x60  }
0xae: {  	[dreg:$0x2] =	wrdreg s2  }
0xaf: {  	[dreg:$0x3] =	wrdreg s24  }
0xb0: {  	[dreg:$0x4] =	wrdreg $0x98000  }
0xb1: {  	[dreg:$0x5] =	wrdreg $0x9  }
0xb2: {  	_ =	task.clear_ibuf [dreg:s7], $0x6FFFF;
	_ =	strace $0x90000046  }
0xb3: {  	s29 =	simm.s32 $0x9;
	_ =	strace $0x80000048  }
0xb4: {  	_ =	swait.ge [sflag:s29], $0x1  }
0xb5: {  	[sflag:s29] =	ssyncadd.s32 $0xFFFFFFFF  }
0xb6: {  	_ =	strace $0x90000048  }
0xb7: {  	_ =	sfence  }
0xb8: {  	s30 =	sld [smem:$0x0];
	_ =	sdelay $0x2  }
0xb9: {  	s31 =	sshll.u32 s1, $0xD;
	s1 =	sshrl.u32 s1, $0x2  }
0xba: {  	s3 =	sand.u32 $0x4000, s31;
	s1 =	sadd.s32 s1, s30  }
0xbb: {  	s0 =	sor.u32 s3, s0;
	s1 =	sshll.u32 s1, $0x11  }
0xbc: {  	s0 =	sor.u32 s1, s0  }
0xbd: {  	s0 =	sadd.s32 $0x8F2B, s0  }
0xbe: {  	[sflag:s0] =	ssyncadd.remote.s32 $0x1  }
0xbf: {  	_ =	sfence.sel $0xFFFF  }
0xc0: {  	[dreg:$0x0] =	wrdreg $0xFFFFFFFF;
	(pc) =	sbr.abs _section_cstart, $3  }
0xc1: {  	[dreg:$0x1] =	wrdreg $0xFFFFFFFF  }
0xc2: {  	_ =	task.clear_ibuf [dreg:s7], $0x2FFFF;
	_ =	strace $0x9FFFFFFF  }
0xc3: {  	(tm) =	ssettm $0x7FFFFFFF  }
tec
execute0_lowered:
.L_overlay_start_1:
0x0: {  	(tag) =	ssettag $0x1  }
0x1: {  	s2 =	rddreg [dreg:$0x0]  }
0x2: {  	s0 =	srdreg.scid;
	s4 =	rddreg [dreg:$0x1]  }
0x3: {  	s1 =	stileid.u32;
	s3 =	rddreg [dreg:$0x2]  }
0x4: {  	s31 =	simm.s32 $0x0;
	s5 =	sand.u32 $0x1, s0;
	s6 =	smul.u32 $0x3000, s1  }
0x5: {  	[smem:$0x7FF] =	sst s31;
	s9 =	sadd.s32 $0x19200, s4;
	s15 =	smul.u32 $0x50000, s1  }
0x6: {  	s20 =	sshll.u32 s1, $0x6;
	s0 =	smul.u32 $0x30000, s5;
	[dreg:$0x10] =	wrdreg s5  }
0x7: {  	s10 =	smul.u32 $0x140000, s5;
	s22 =	sor.u32 $0x1C03, s20;
	_ =	strace $0x80000047  }
0x8: {  	[dreg:$0x4] =	wrdreg s9;
	s5 =	sshrl.u32 s15, $0x2;
	s0 =	sadd.s32 s6, s0  }
0x9: {  	[dreg:$0xe] =	wrdreg s22;
	s19 =	sadd.s32 s5, s3;
	s0 =	sshrl.u32 s0, $0x3  }
0xa: {  	s21 =	rddreg [dreg:$0x4];
	s24 =	sshrl.u32 s19, $0x3;
	s0 =	sadd.s32 s0, s4  }
0xb: {  	[dreg:$0xf] =	wrdreg s24;
	s7 =	sadd.s32 $0x1200, s0  }
0xc: {  	s12 =	sadd.s32 $0xD200, s0;
	[dreg:$0x5] =	wrdreg s7  }
0xd: {  	s13 =	sadd.s32 $0x1380, s0;
	[dreg:$0x6] =	wrdreg s12  }
0xe: {  	s11 =	smul.u32 $0x14000, s1;
	s14 =	sadd.s32 $0xD380, s0;
	[dreg:$0x7] =	wrdreg s13  }
0xf: {  	s16 =	sadd.s32 $0x1500, s0;
	[dreg:$0x8] =	wrdreg s14  }
0x10: {  	s6 =	sadd.s32 s11, s10;
	s17 =	sadd.s32 $0xD500, s0;
	[dreg:$0x9] =	wrdreg s16  }
0x11: {  	s6 =	sshrl.u32 s6, $0x3;
	s18 =	sadd.s32 $0x1680, s0;
	[dreg:$0xa] =	wrdreg s17  }
0x12: {  	s4 =	sadd.s32 s6, s4;
	s0 =	sadd.s32 $0xD680, s0;
	[dreg:$0xb] =	wrdreg s18  }
0x13: {  	s23 =	sadd.s32 $0x1BA00, s4;
	[dreg:$0xc] =	wrdreg s0  }
0x14: {  	s6 =	simm.s32 $0x3;
	[dreg:$0xd] =	wrdreg s23  }
0x15: {  	[spmem:s24], [sflag:s22] =	dma.local [hbm:s21], $0x2800  }
0x16: {  	_ =	swait.ge [sflag:s6], $0x2800  }
0x17: {  	[sflag:s6] =	ssyncset.done $0x0  }
0x18: {  	[sflag:s6] =	ssyncadd.s32 $0xFFFFD800  }
0x19: {  	[bflag:$0x0] =	sbarrier.arrive $0xFFFF  }
0x1a: {  	s25 =	rddreg [dreg:$0x5]  }
0x1b: {  	[tilespmem:s31], [sflag:$0x3] =	stream.linear.gather [hbm4b:s25+s31], $0xA00, $0x38;
	[tilespmem:$0x1D800] =	vst v63  }
0x1c: {  	_ =	swait.ge [sflag:s6], $0xA00  }
0x1d: {  	[sflag:s6] =	ssyncset.done $0x0  }
0x1e: {  	s28 =	simm.s32 $0xC00;
	s26 =	rddreg [dreg:$0x6];
	[sflag:s6] =	ssyncadd.s32 $0xFFFFF600  }
0x1f: {  	[tilespmem:s28], [sflag:$0x3] =	stream.linear.gather [hbm4b:s26+s31], $0xA00, $0x38;
	[tilespmem:$0x1D800] =	vst v63  }
0x20: {  	_ =	swait.ge [sflag:s6], $0xA00  }
0x21: {  	[sflag:s6] =	ssyncset.done $0x0  }
0x22: {  	s9 =	simm.s32 $0x7D;
	s10 =	simm.s32 $0x1800;
	[sflag:s6] =	ssyncadd.s32 $0xFFFFF600  }
0x23: {  	[tilespmem:s10], [sflag:$0x1] =	stream.indirect.gather [hbm4b:s2+s9], $0x80, s31, s9, $0xb8;
	[tilespmem:$0x1D800] =	vst v63  }
0x24: {  	s30 =	simm.s32 $0x80;
	s12 =	simm.s32 $0x5800;
	s13 =	simm.s32 $0x1  }
0x25: {  	[tilespmem:s12], [sflag:$0x2] =	stream.indirect.gather [hbm4b:s2+s9], $0x80, s30, s9, $0xb8;
	[tilespmem:$0x1D800] =	vst v63  }
0x26: {  	_ =	swait.ge [sflag:s13], $0x3E80  }
0x27: {  	[sflag:s13] =	ssyncset.done $0x0  }
0x28: {  	s29 =	simm.s32 $0xC00;
	[sflag:s13] =	ssyncadd.s32 $0xFFFFC180  }
0x29: {  	[spmem:s3] =	stream.indirect.scatter.add.f32 [tilespmem:s10], [sflag:$0x3], $0x80, s29, s9, $0xb8;
	[tilespmem:$0x1D800] =	vst v63  }
0x2a: {  	_ =	swait.ge [sflag:s6], $0x3E80  }
0x2b: {  	[sflag:s6] =	ssyncset.done $0x0  }
0x2c: {  	s15 =	simm.s32 $0x2;
	s4 =	simm.s32 $0x100;
	[sflag:s6] =	ssyncadd.s32 $0xFFFFC180  }
0x2d: {  	[tilespmem:s10], [sflag:$0x1] =	stream.indirect.gather [hbm4b:s2+s9], $0x80, s4, s9, $0xb8;
	[tilespmem:$0x1D800] =	vst v63  }
0x2e: {  	_ =	swait.ge [sflag:s15], $0x3E80  }
0x2f: {  	[sflag:s15] =	ssyncset.done $0x0  }
0x30: {  	s5 =	simm.s32 $0xC80;
	[sflag:s15] =	ssyncadd.s32 $0xFFFFC180  }
0x31: {  	[spmem:s3] =	stream.indirect.scatter.add.f32 [tilespmem:s12], [sflag:$0x3], $0x80, s5, s9, $0xb8;
	[tilespmem:$0x1D800] =	vst v63  }
0x32: {  	_ =	swait.ge [sflag:s6], $0x3E80  }
0x33: {  	[sflag:s6] =	ssyncset.done $0x0  }
0x34: {  	s7 =	simm.s32 $0x180;
	[sflag:s6] =	ssyncadd.s32 $0xFFFFC180  }
0x35: {  	[tilespmem:s12], [sflag:$0x2] =	stream.indirect.gather [hbm4b:s2+s9], $0x80, s7, s9, $0xb8;
	[tilespmem:$0x1D800] =	vst v63  }
0x36: {  	_ =	swait.ge [sflag:s13], $0x3E80  }
0x37: {  	[sflag:s13] =	ssyncset.done $0x0  }
0x38: {  	s8 =	simm.s32 $0xD00;
	[sflag:s13] =	ssyncadd.s32 $0xFFFFC180  }
0x39: {  	[spmem:s3] =	stream.indirect.scatter.add.f32 [tilespmem:s10], [sflag:$0x3], $0x80, s8, s9, $0xb8;
	[tilespmem:$0x1D800] =	vst v63  }
0x3a: {  	_ =	swait.ge [sflag:s6], $0x3E80  }
0x3b: {  	[sflag:s6] =	ssyncset.done $0x0  }
0x3c: {  	s11 =	simm.s32 $0x200;
	[sflag:s6] =	ssyncadd.s32 $0xFFFFC180  }
0x3d: {  	[tilespmem:s10], [sflag:$0x1] =	stream.indirect.gather [hbm4b:s2+s9], $0x80, s11, s9, $0xb8;
	[tilespmem:$0x1D800] =	vst v63  }
0x3e: {  	_ =	swait.ge [sflag:s15], $0x3E80  }
0x3f: {  	[sflag:s15] =	ssyncset.done $0x0  }
0x40: {  	s14 =	simm.s32 $0xD80;
	[sflag:s15] =	ssyncadd.s32 $0xFFFFC180  }
0x41: {  	[spmem:s3] =	stream.indirect.scatter.add.f32 [tilespmem:s12], [sflag:$0x3], $0x80, s14, s9, $0xb8;
	[tilespmem:$0x1D800] =	vst v63  }
0x42: {  	_ =	swait.ge [sflag:s6], $0x3E80  }
0x43: {  	[sflag:s6] =	ssyncset.done $0x0  }
0x44: {  	s16 =	simm.s32 $0x280;
	[sflag:s6] =	ssyncadd.s32 $0xFFFFC180  }
0x45: {  	[tilespmem:s12], [sflag:$0x2] =	stream.indirect.gather [hbm4b:s2+s9], $0x80, s16, s9, $0xb8;
	[tilespmem:$0x1D800] =	vst v63  }
0x46: {  	_ =	swait.ge [sflag:s13], $0x3E80  }
0x47: {  	[sflag:s13] =	ssyncset.done $0x0  }
0x48: {  	s17 =	simm.s32 $0xE00;
	[sflag:s13] =	ssyncadd.s32 $0xFFFFC180  }
0x49: {  	[spmem:s3] =	stream.indirect.scatter.add.f32 [tilespmem:s10], [sflag:$0x3], $0x80, s17, s9, $0xb8;
	[tilespmem:$0x1D800] =	vst v63  }
0x4a: {  	_ =	swait.ge [sflag:s6], $0x3E80  }
0x4b: {  	[sflag:s6] =	ssyncset.done $0x0  }
0x4c: {  	s18 =	simm.s32 $0x300;
	[sflag:s6] =	ssyncadd.s32 $0xFFFFC180  }
0x4d: {  	[tilespmem:s10], [sflag:$0x1] =	stream.indirect.gather [hbm4b:s2+s9], $0x80, s18, s9, $0xb8;
	[tilespmem:$0x1D800] =	vst v63  }
0x4e: {  	_ =	swait.ge [sflag:s15], $0x3E80  }
0x4f: {  	[sflag:s15] =	ssyncset.done $0x0  }
0x50: {  	s19 =	simm.s32 $0xE80;
	[sflag:s15] =	ssyncadd.s32 $0xFFFFC180  }
0x51: {  	[spmem:s3] =	stream.indirect.scatter.add.f32 [tilespmem:s12], [sflag:$0x3], $0x80, s19, s9, $0xb8;
	[tilespmem:$0x1D800] =	vst v63  }
0x52: {  	_ =	swait.ge [sflag:s6], $0x3E80  }
0x53: {  	[sflag:s6] =	ssyncset.done $0x0  }
0x54: {  	s20 =	simm.s32 $0x380;
	[sflag:s6] =	ssyncadd.s32 $0xFFFFC180  }
0x55: {  	[tilespmem:s12], [sflag:$0x2] =	stream.indirect.gather [hbm4b:s2+s9], $0x80, s20, s9, $0xb8;
	[tilespmem:$0x1D800] =	vst v63  }
0x56: {  	_ =	swait.ge [sflag:s13], $0x3E80  }
0x57: {  	[sflag:s13] =	ssyncset.done $0x0  }
0x58: {  	s21 =	simm.s32 $0xF00;
	[sflag:s13] =	ssyncadd.s32 $0xFFFFC180  }
0x59: {  	[spmem:s3] =	stream.indirect.scatter.add.f32 [tilespmem:s10], [sflag:$0x3], $0x80, s21, s9, $0xb8;
	[tilespmem:$0x1D800] =	vst v63  }
0x5a: {  	_ =	swait.ge [sflag:s6], $0x3E80  }
0x5b: {  	[sflag:s6] =	ssyncset.done $0x0  }
0x5c: {  	s22 =	simm.s32 $0x400;
	[sflag:s6] =	ssyncadd.s32 $0xFFFFC180  }
0x5d: {  	[tilespmem:s10], [sflag:$0x1] =	stream.indirect.gather [hbm4b:s2+s9], $0x80, s22, s9, $0xb8;
	[tilespmem:$0x1D800] =	vst v63  }
0x5e: {  	_ =	swait.ge [sflag:s15], $0x3E80  }
0x5f: {  	[sflag:s15] =	ssyncset.done $0x0  }
0x60: {  	s23 =	simm.s32 $0xF80;
	[sflag:s15] =	ssyncadd.s32 $0xFFFFC180  }
0x61: {  	[spmem:s3] =	stream.indirect.scatter.add.f32 [tilespmem:s12], [sflag:$0x3], $0x80, s23, s9, $0xb8;
	[tilespmem:$0x1D800] =	vst v63  }
0x62: {  	_ =	swait.ge [sflag:s6], $0x3E80  }
0x63: {  	[sflag:s6] =	ssyncset.done $0x0  }
0x64: {  	s24 =	simm.s32 $0x480;
	[sflag:s6] =	ssyncadd.s32 $0xFFFFC180  }
0x65: {  	[tilespmem:s12], [sflag:$0x2] =	stream.indirect.gather [hbm4b:s2+s9], $0x80, s24, s9, $0xb8;
	[tilespmem:$0x1D800] =	vst v63  }
0x66: {  	_ =	swait.ge [sflag:s13], $0x3E80  }
0x67: {  	[sflag:s13] =	ssyncset.done $0x0  }
0x68: {  	s25 =	simm.s32 $0x1000;
	[sflag:s13] =	ssyncadd.s32 $0xFFFFC180  }
0x69: {  	[spmem:s3] =	stream.indirect.scatter.add.f32 [tilespmem:s10], [sflag:$0x3], $0x80, s25, s9, $0xb8;
	[tilespmem:$0x1D800] =	vst v63  }
0x6a: {  	_ =	swait.ge [sflag:s6], $0x3E80  }
0x6b: {  	[sflag:s6] =	ssyncset.done $0x0  }
0x6c: {  	s26 =	simm.s32 $0x500;
	[sflag:s6] =	ssyncadd.s32 $0xFFFFC180  }
0x6d: {  	[tilespmem:s10], [sflag:$0x1] =	stream.indirect.gather [hbm4b:s2+s9], $0x80, s26, s9, $0xb8;
	[tilespmem:$0x1D800] =	vst v63  }
0x6e: {  	_ =	swait.ge [sflag:s15], $0x3E80  }
0x6f: {  	[sflag:s15] =	ssyncset.done $0x0  }
0x70: {  	s28 =	simm.s32 $0x1080;
	[sflag:s15] =	ssyncadd.s32 $0xFFFFC180  }
0x71: {  	[spmem:s3] =	stream.indirect.scatter.add.f32 [tilespmem:s12], [sflag:$0x3], $0x80, s28, s9, $0xb8;
	[tilespmem:$0x1D800] =	vst v63  }
0x72: {  	_ =	swait.ge [sflag:s6], $0x3E80  }
0x73: {  	[sflag:s6] =	ssyncset.done $0x0  }
0x74: {  	s29 =	simm.s32 $0x580;
	[sflag:s6] =	ssyncadd.s32 $0xFFFFC180  }
0x75: {  	[tilespmem:s12], [sflag:$0x2] =	stream.indirect.gather [hbm4b:s2+s9], $0x80, s29, s9, $0xb8;
	[tilespmem:$0x1D800] =	vst v63  }
0x76: {  	_ =	swait.ge [sflag:s13], $0x3E80  }
0x77: {  	[sflag:s13] =	ssyncset.done $0x0  }
0x78: {  	s30 =	simm.s32 $0x1100;
	[sflag:s13] =	ssyncadd.s32 $0xFFFFC180  }
0x79: {  	[spmem:s3] =	stream.indirect.scatter.add.f32 [tilespmem:s10], [sflag:$0x3], $0x80, s30, s9, $0xb8;
	[tilespmem:$0x1D800] =	vst v63  }
0x7a: {  	_ =	swait.ge [sflag:s6], $0x3E80  }
0x7b: {  	[sflag:s6] =	ssyncset.done $0x0  }
0x7c: {  	s1 =	simm.s32 $0x600;
	[sflag:s6] =	ssyncadd.s32 $0xFFFFC180  }
0x7d: {  	[tilespmem:s10], [sflag:$0x1] =	stream.indirect.gather [hbm4b:s2+s9], $0x80, s1, s9, $0xb8;
	[tilespmem:$0x1D800] =	vst v63  }
0x7e: {  	_ =	swait.ge [sflag:s15], $0x3E80  }
0x7f: {  	[sflag:s15] =	ssyncset.done $0x0  }
0x80: {  	s4 =	simm.s32 $0x1180;
	[sflag:s15] =	ssyncadd.s32 $0xFFFFC180  }
0x81: {  	[spmem:s3] =	stream.indirect.scatter.add.f32 [tilespmem:s12], [sflag:$0x3], $0x80, s4, s9, $0xb8;
	[tilespmem:$0x1D800] =	vst v63  }
0x82: {  	_ =	swait.ge [sflag:s6], $0x3E80  }
0x83: {  	[sflag:s6] =	ssyncset.done $0x0  }
0x84: {  	s5 =	simm.s32 $0x680;
	[sflag:s6] =	ssyncadd.s32 $0xFFFFC180  }
0x85: {  	[tilespmem:s12], [sflag:$0x2] =	stream.indirect.gather [hbm4b:s2+s9], $0x80, s5, s9, $0xb8;
	[tilespmem:$0x1D800] =	vst v63  }
0x86: {  	_ =	swait.ge [sflag:s13], $0x3E80  }
0x87: {  	[sflag:s13] =	ssyncset.done $0x0  }
0x88: {  	s7 =	simm.s32 $0x1200;
	[sflag:s13] =	ssyncadd.s32 $0xFFFFC180  }
0x89: {  	[spmem:s3] =	stream.indirect.scatter.add.f32 [tilespmem:s10], [sflag:$0x3], $0x80, s7, s9, $0xb8;
	[tilespmem:$0x1D800] =	vst v63  }
0x8a: {  	_ =	swait.ge [sflag:s6], $0x3E80  }
0x8b: {  	[sflag:s6] =	ssyncset.done $0x0  }
0x8c: {  	s8 =	simm.s32 $0x700;
	[sflag:s6] =	ssyncadd.s32 $0xFFFFC180  }
0x8d: {  	[tilespmem:s10], [sflag:$0x1] =	stream.indirect.gather [hbm4b:s2+s9], $0x80, s8, s9, $0xb8;
	[tilespmem:$0x1D800] =	vst v63  }
0x8e: {  	_ =	swait.ge [sflag:s15], $0x3E80  }
0x8f: {  	[sflag:s15] =	ssyncset.done $0x0  }
0x90: {  	s11 =	simm.s32 $0x1280;
	[sflag:s15] =	ssyncadd.s32 $0xFFFFC180  }
0x91: {  	[spmem:s3] =	stream.indirect.scatter.add.f32 [tilespmem:s12], [sflag:$0x3], $0x80, s11, s9, $0xb8;
	[tilespmem:$0x1D800] =	vst v63  }
0x92: {  	_ =	swait.ge [sflag:s6], $0x3E80  }
0x93: {  	[sflag:s6] =	ssyncset.done $0x0  }
0x94: {  	s14 =	simm.s32 $0x780;
	[sflag:s6] =	ssyncadd.s32 $0xFFFFC180  }
0x95: {  	[tilespmem:s12], [sflag:$0x2] =	stream.indirect.gather [hbm4b:s2+s9], $0x80, s14, s9, $0xb8;
	[tilespmem:$0x1D800] =	vst v63  }
0x96: {  	_ =	swait.ge [sflag:s13], $0x3E80  }
0x97: {  	[sflag:s13] =	ssyncset.done $0x0  }
0x98: {  	s16 =	simm.s32 $0x1300;
	[sflag:s13] =	ssyncadd.s32 $0xFFFFC180  }
0x99: {  	[spmem:s3] =	stream.indirect.scatter.add.f32 [tilespmem:s10], [sflag:$0x3], $0x80, s16, s9, $0xb8;
	[tilespmem:$0x1D800] =	vst v63  }
0x9a: {  	_ =	swait.ge [sflag:s6], $0x3E80  }
0x9b: {  	[sflag:s6] =	ssyncset.done $0x0  }
0x9c: {  	s17 =	simm.s32 $0x800;
	[sflag:s6] =	ssyncadd.s32 $0xFFFFC180  }
0x9d: {  	[tilespmem:s10], [sflag:$0x1] =	stream.indirect.gather [hbm4b:s2+s9], $0x80, s17, s9, $0xb8;
	[tilespmem:$0x1D800] =	vst v63  }
0x9e: {  	_ =	swait.ge [sflag:s15], $0x3E80  }
0x9f: {  	[sflag:s15] =	ssyncset.done $0x0  }
0xa0: {  	s18 =	simm.s32 $0x1380;
	[sflag:s15] =	ssyncadd.s32 $0xFFFFC180  }
0xa1: {  	[spmem:s3] =	stream.indirect.scatter.add.f32 [tilespmem:s12], [sflag:$0x3], $0x80, s18, s9, $0xb8;
	[tilespmem:$0x1D800] =	vst v63  }
0xa2: {  	_ =	swait.ge [sflag:s6], $0x3E80  }
0xa3: {  	[sflag:s6] =	ssyncset.done $0x0  }
0xa4: {  	s19 =	simm.s32 $0x880;
	[sflag:s6] =	ssyncadd.s32 $0xFFFFC180  }
0xa5: {  	[tilespmem:s12], [sflag:$0x2] =	stream.indirect.gather [hbm4b:s2+s9], $0x80, s19, s9, $0xb8;
	[tilespmem:$0x1D800] =	vst v63  }
0xa6: {  	_ =	swait.ge [sflag:s13], $0x3E80  }
0xa7: {  	[sflag:s13] =	ssyncset.done $0x0  }
0xa8: {  	s20 =	simm.s32 $0x1400;
	[sflag:s13] =	ssyncadd.s32 $0xFFFFC180  }
0xa9: {  	[spmem:s3] =	stream.indirect.scatter.add.f32 [tilespmem:s10], [sflag:$0x3], $0x80, s20, s9, $0xb8;
	[tilespmem:$0x1D800] =	vst v63  }
0xaa: {  	_ =	swait.ge [sflag:s6], $0x3E80  }
0xab: {  	[sflag:s6] =	ssyncset.done $0x0  }
0xac: {  	s21 =	simm.s32 $0x900;
	[sflag:s6] =	ssyncadd.s32 $0xFFFFC180  }
0xad: {  	[tilespmem:s10], [sflag:$0x1] =	stream.indirect.gather [hbm4b:s2+s9], $0x80, s21, s9, $0xb8;
	[tilespmem:$0x1D800] =	vst v63  }
0xae: {  	_ =	swait.ge [sflag:s15], $0x3E80  }
0xaf: {  	[sflag:s15] =	ssyncset.done $0x0  }
0xb0: {  	s22 =	simm.s32 $0x1480;
	[sflag:s15] =	ssyncadd.s32 $0xFFFFC180  }
0xb1: {  	[spmem:s3] =	stream.indirect.scatter.add.f32 [tilespmem:s12], [sflag:$0x3], $0x80, s22, s9, $0xb8;
	[tilespmem:$0x1D800] =	vst v63  }
0xb2: {  	_ =	swait.ge [sflag:s6], $0x3E80  }
0xb3: {  	[sflag:s6] =	ssyncset.done $0x0  }
0xb4: {  	s23 =	simm.s32 $0x980;
	[sflag:s6] =	ssyncadd.s32 $0xFFFFC180  }
0xb5: {  	[tilespmem:s12], [sflag:$0x2] =	stream.indirect.gather [hbm4b:s2+s9], $0x80, s23, s9, $0xb8;
	[tilespmem:$0x1D800] =	vst v63  }
0xb6: {  	_ =	swait.ge [sflag:s13], $0x3E80  }
0xb7: {  	[sflag:s13] =	ssyncset.done $0x0  }
0xb8: {  	s24 =	simm.s32 $0x1500;
	[sflag:s13] =	ssyncadd.s32 $0xFFFFC180  }
0xb9: {  	[spmem:s3] =	stream.indirect.scatter.add.f32 [tilespmem:s10], [sflag:$0x3], $0x80, s24, s9, $0xb8;
	[tilespmem:$0x1D800] =	vst v63  }
0xba: {  	_ =	swait.ge [sflag:s6], $0x3E80  }
0xbb: {  	[sflag:s6] =	ssyncset.done $0x0  }
0xbc: {  	[sflag:s6] =	ssyncadd.s32 $0xFFFFC180  }
0xbd: {  	_ =	swait.ge [sflag:s15], $0x3E80  }
0xbe: {  	[sflag:s15] =	ssyncset.done $0x0  }
0xbf: {  	s25 =	simm.s32 $0x1580;
	[sflag:s15] =	ssyncadd.s32 $0xFFFFC180  }
0xc0: {  	[spmem:s3] =	stream.indirect.scatter.add.f32 [tilespmem:s12], [sflag:$0x3], $0x80, s25, s9, $0xb8;
	[tilespmem:$0x1D800] =	vst v63  }
0xc1: {  	_ =	swait.ge [sflag:s6], $0x3E80  }
0xc2: {  	[sflag:s6] =	ssyncset.done $0x0  }
0xc3: {  	s26 =	rddreg [dreg:$0x7];
	[sflag:s6] =	ssyncadd.s32 $0xFFFFC180  }
0xc4: {  	[tilespmem:s31], [sflag:$0x3] =	stream.linear.gather [hbm4b:s26+s31], $0xA00, $0x38;
	[tilespmem:$0x1D800] =	vst v63  }
0xc5: {  	_ =	swait.ge [sflag:s6], $0xA00  }
0xc6: {  	[sflag:s6] =	ssyncset.done $0x0  }
0xc7: {  	s29 =	simm.s32 $0xC00;
	s28 =	rddreg [dreg:$0x8];
	[sflag:s6] =	ssyncadd.s32 $0xFFFFF600  }
0xc8: {  	[tilespmem:s29], [sflag:$0x3] =	stream.linear.gather [hbm4b:s28+s31], $0xA00, $0x38;
	[tilespmem:$0x1D800] =	vst v63  }
0xc9: {  	_ =	swait.ge [sflag:s6], $0xA00  }
0xca: {  	[sflag:s6] =	ssyncset.done $0x0  }
0xcb: {  	[sflag:s6] =	ssyncadd.s32 $0xFFFFF600  }
0xcc: {  	[tilespmem:s10], [sflag:$0x1] =	stream.indirect.gather [hbm4b:s2+s9], $0x80, s31, s9, $0xb8;
	[tilespmem:$0x1D800] =	vst v63  }
0xcd: {  	s30 =	simm.s32 $0x80  }
0xce: {  	[tilespmem:s12], [sflag:$0x2] =	stream.indirect.gather [hbm4b:s2+s9], $0x80, s30, s9, $0xb8;
	[tilespmem:$0x1D800] =	vst v63  }
0xcf: {  	_ =	swait.ge [sflag:s13], $0x3E80  }
0xd0: {  	[sflag:s13] =	ssyncset.done $0x0  }
0xd1: {  	[sflag:s13] =	ssyncadd.s32 $0xFFFFC180  }
0xd2: {  	[spmem:s3] =	stream.indirect.scatter.add.f32 [tilespmem:s10], [sflag:$0x3], $0x80, s29, s9, $0xb8;
	[tilespmem:$0x1D800] =	vst v63  }
0xd3: {  	_ =	swait.ge [sflag:s6], $0x3E80  }
0xd4: {  	[sflag:s6] =	ssyncset.done $0x0  }
0xd5: {  	s4 =	simm.s32 $0x100;
	[sflag:s6] =	ssyncadd.s32 $0xFFFFC180  }
0xd6: {  	[tilespmem:s10], [sflag:$0x1] =	stream.indirect.gather [hbm4b:s2+s9], $0x80, s4, s9, $0xb8;
	[tilespmem:$0x1D800] =	vst v63  }
0xd7: {  	_ =	swait.ge [sflag:s15], $0x3E80  }
0xd8: {  	[sflag:s15] =	ssyncset.done $0x0  }
0xd9: {  	s5 =	simm.s32 $0xC80;
	[sflag:s15] =	ssyncadd.s32 $0xFFFFC180  }
0xda: {  	[spmem:s3] =	stream.indirect.scatter.add.f32 [tilespmem:s12], [sflag:$0x3], $0x80, s5, s9, $0xb8;
	[tilespmem:$0x1D800] =	vst v63  }
0xdb: {  	_ =	swait.ge [sflag:s6], $0x3E80  }
0xdc: {  	[sflag:s6] =	ssyncset.done $0x0  }
0xdd: {  	s7 =	simm.s32 $0x180;
	[sflag:s6] =	ssyncadd.s32 $0xFFFFC180  }
0xde: {  	[tilespmem:s12], [sflag:$0x2] =	stream.indirect.gather [hbm4b:s2+s9], $0x80, s7, s9, $0xb8;
	[tilespmem:$0x1D800] =	vst v63  }
0xdf: {  	_ =	swait.ge [sflag:s13], $0x3E80  }
0xe0: {  	[sflag:s13] =	ssyncset.done $0x0  }
0xe1: {  	s8 =	simm.s32 $0xD00;
	[sflag:s13] =	ssyncadd.s32 $0xFFFFC180  }
0xe2: {  	[spmem:s3] =	stream.indirect.scatter.add.f32 [tilespmem:s10], [sflag:$0x3], $0x80, s8, s9, $0xb8;
	[tilespmem:$0x1D800] =	vst v63  }
0xe3: {  	_ =	swait.ge [sflag:s6], $0x3E80  }
0xe4: {  	[sflag:s6] =	ssyncset.done $0x0  }
0xe5: {  	s11 =	simm.s32 $0x200;
	[sflag:s6] =	ssyncadd.s32 $0xFFFFC180  }
0xe6: {  	[tilespmem:s10], [sflag:$0x1] =	stream.indirect.gather [hbm4b:s2+s9], $0x80, s11, s9, $0xb8;
	[tilespmem:$0x1D800] =	vst v63  }
0xe7: {  	_ =	swait.ge [sflag:s15], $0x3E80  }
0xe8: {  	[sflag:s15] =	ssyncset.done $0x0  }
0xe9: {  	s14 =	simm.s32 $0xD80;
	[sflag:s15] =	ssyncadd.s32 $0xFFFFC180  }
0xea: {  	[spmem:s3] =	stream.indirect.scatter.add.f32 [tilespmem:s12], [sflag:$0x3], $0x80, s14, s9, $0xb8;
	[tilespmem:$0x1D800] =	vst v63  }
0xeb: {  	_ =	swait.ge [sflag:s6], $0x3E80  }
0xec: {  	[sflag:s6] =	ssyncset.done $0x0  }
0xed: {  	s16 =	simm.s32 $0x280;
	[sflag:s6] =	ssyncadd.s32 $0xFFFFC180  }
0xee: {  	[tilespmem:s12], [sflag:$0x2] =	stream.indirect.gather [hbm4b:s2+s9], $0x80, s16, s9, $0xb8;
	[tilespmem:$0x1D800] =	vst v63  }
0xef: {  	_ =	swait.ge [sflag:s13], $0x3E80  }
0xf0: {  	[sflag:s13] =	ssyncset.done $0x0  }
0xf1: {  	s17 =	simm.s32 $0xE00;
	[sflag:s13] =	ssyncadd.s32 $0xFFFFC180  }
0xf2: {  	[spmem:s3] =	stream.indirect.scatter.add.f32 [tilespmem:s10], [sflag:$0x3], $0x80, s17, s9, $0xb8;
	[tilespmem:$0x1D800] =	vst v63  }
0xf3: {  	_ =	swait.ge [sflag:s6], $0x3E80  }
0xf4: {  	[sflag:s6] =	ssyncset.done $0x0  }
0xf5: {  	s18 =	simm.s32 $0x300;
	[sflag:s6] =	ssyncadd.s32 $0xFFFFC180  }
0xf6: {  	[tilespmem:s10], [sflag:$0x1] =	stream.indirect.gather [hbm4b:s2+s9], $0x80, s18, s9, $0xb8;
	[tilespmem:$0x1D800] =	vst v63  }
0xf7: {  	_ =	swait.ge [sflag:s15], $0x3E80  }
0xf8: {  	[sflag:s15] =	ssyncset.done $0x0  }
0xf9: {  	s19 =	simm.s32 $0xE80;
	[sflag:s15] =	ssyncadd.s32 $0xFFFFC180  }
0xfa: {  	[spmem:s3] =	stream.indirect.scatter.add.f32 [tilespmem:s12], [sflag:$0x3], $0x80, s19, s9, $0xb8;
	[tilespmem:$0x1D800] =	vst v63  }
0xfb: {  	_ =	swait.ge [sflag:s6], $0x3E80  }
0xfc: {  	[sflag:s6] =	ssyncset.done $0x0  }
0xfd: {  	s20 =	simm.s32 $0x380;
	[sflag:s6] =	ssyncadd.s32 $0xFFFFC180  }
0xfe: {  	[tilespmem:s12], [sflag:$0x2] =	stream.indirect.gather [hbm4b:s2+s9], $0x80, s20, s9, $0xb8;
	[tilespmem:$0x1D800] =	vst v63  }
0xff: {  	_ =	swait.ge [sflag:s13], $0x3E80  }
0x100: {  	[sflag:s13] =	ssyncset.done $0x0  }
0x101: {  	s21 =	simm.s32 $0xF00;
	[sflag:s13] =	ssyncadd.s32 $0xFFFFC180  }
0x102: {  	[spmem:s3] =	stream.indirect.scatter.add.f32 [tilespmem:s10], [sflag:$0x3], $0x80, s21, s9, $0xb8;
	[tilespmem:$0x1D800] =	vst v63  }
0x103: {  	_ =	swait.ge [sflag:s6], $0x3E80  }
0x104: {  	[sflag:s6] =	ssyncset.done $0x0  }
0x105: {  	s22 =	simm.s32 $0x400;
	[sflag:s6] =	ssyncadd.s32 $0xFFFFC180  }
0x106: {  	[tilespmem:s10], [sflag:$0x1] =	stream.indirect.gather [hbm4b:s2+s9], $0x80, s22, s9, $0xb8;
	[tilespmem:$0x1D800] =	vst v63  }
0x107: {  	_ =	swait.ge [sflag:s15], $0x3E80  }
0x108: {  	[sflag:s15] =	ssyncset.done $0x0  }
0x109: {  	s23 =	simm.s32 $0xF80;
	[sflag:s15] =	ssyncadd.s32 $0xFFFFC180  }
0x10a: {  	[spmem:s3] =	stream.indirect.scatter.add.f32 [tilespmem:s12], [sflag:$0x3], $0x80, s23, s9, $0xb8;
	[tilespmem:$0x1D800] =	vst v63  }
0x10b: {  	_ =	swait.ge [sflag:s6], $0x3E80  }
0x10c: {  	[sflag:s6] =	ssyncset.done $0x0  }
0x10d: {  	s24 =	simm.s32 $0x480;
	[sflag:s6] =	ssyncadd.s32 $0xFFFFC180  }
0x10e: {  	[tilespmem:s12], [sflag:$0x2] =	stream.indirect.gather [hbm4b:s2+s9], $0x80, s24, s9, $0xb8;
	[tilespmem:$0x1D800] =	vst v63  }
0x10f: {  	_ =	swait.ge [sflag:s13], $0x3E80  }
0x110: {  	[sflag:s13] =	ssyncset.done $0x0  }
0x111: {  	s25 =	simm.s32 $0x1000;
	[sflag:s13] =	ssyncadd.s32 $0xFFFFC180  }
0x112: {  	[spmem:s3] =	stream.indirect.scatter.add.f32 [tilespmem:s10], [sflag:$0x3], $0x80, s25, s9, $0xb8;
	[tilespmem:$0x1D800] =	vst v63  }
0x113: {  	_ =	swait.ge [sflag:s6], $0x3E80  }
0x114: {  	[sflag:s6] =	ssyncset.done $0x0  }
0x115: {  	s26 =	simm.s32 $0x500;
	[sflag:s6] =	ssyncadd.s32 $0xFFFFC180  }
0x116: {  	[tilespmem:s10], [sflag:$0x1] =	stream.indirect.gather [hbm4b:s2+s9], $0x80, s26, s9, $0xb8;
	[tilespmem:$0x1D800] =	vst v63  }
0x117: {  	_ =	swait.ge [sflag:s15], $0x3E80  }
0x118: {  	[sflag:s15] =	ssyncset.done $0x0  }
0x119: {  	s28 =	simm.s32 $0x1080;
	[sflag:s15] =	ssyncadd.s32 $0xFFFFC180  }
0x11a: {  	[spmem:s3] =	stream.indirect.scatter.add.f32 [tilespmem:s12], [sflag:$0x3], $0x80, s28, s9, $0xb8;
	[tilespmem:$0x1D800] =	vst v63  }
0x11b: {  	_ =	swait.ge [sflag:s6], $0x3E80  }
0x11c: {  	[sflag:s6] =	ssyncset.done $0x0  }
0x11d: {  	s29 =	simm.s32 $0x580;
	[sflag:s6] =	ssyncadd.s32 $0xFFFFC180  }
0x11e: {  	[tilespmem:s12], [sflag:$0x2] =	stream.indirect.gather [hbm4b:s2+s9], $0x80, s29, s9, $0xb8;
	[tilespmem:$0x1D800] =	vst v63  }
0x11f: {  	_ =	swait.ge [sflag:s13], $0x3E80  }
0x120: {  	[sflag:s13] =	ssyncset.done $0x0  }
0x121: {  	s30 =	simm.s32 $0x1100;
	[sflag:s13] =	ssyncadd.s32 $0xFFFFC180  }
0x122: {  	[spmem:s3] =	stream.indirect.scatter.add.f32 [tilespmem:s10], [sflag:$0x3], $0x80, s30, s9, $0xb8;
	[tilespmem:$0x1D800] =	vst v63  }
0x123: {  	_ =	swait.ge [sflag:s6], $0x3E80  }
0x124: {  	[sflag:s6] =	ssyncset.done $0x0  }
0x125: {  	s0 =	simm.s32 $0x600;
	[sflag:s6] =	ssyncadd.s32 $0xFFFFC180  }
0x126: {  	[tilespmem:s10], [sflag:$0x1] =	stream.indirect.gather [hbm4b:s2+s9], $0x80, s0, s9, $0xb8;
	[tilespmem:$0x1D800] =	vst v63  }
0x127: {  	_ =	swait.ge [sflag:s15], $0x3E80  }
0x128: {  	[sflag:s15] =	ssyncset.done $0x0  }
0x129: {  	s0 =	simm.s32 $0x1180;
	[sflag:s15] =	ssyncadd.s32 $0xFFFFC180  }
0x12a: {  	[spmem:s3] =	stream.indirect.scatter.add.f32 [tilespmem:s12], [sflag:$0x3], $0x80, s0, s9, $0xb8;
	[tilespmem:$0x1D800] =	vst v63  }
0x12b: {  	_ =	swait.ge [sflag:s6], $0x3E80  }
0x12c: {  	[sflag:s6] =	ssyncset.done $0x0  }
0x12d: {  	s0 =	simm.s32 $0x680;
	[sflag:s6] =	ssyncadd.s32 $0xFFFFC180  }
0x12e: {  	[tilespmem:s12], [sflag:$0x2] =	stream.indirect.gather [hbm4b:s2+s9], $0x80, s0, s9, $0xb8;
	[tilespmem:$0x1D800] =	vst v63  }
0x12f: {  	_ =	swait.ge [sflag:s13], $0x3E80  }
0x130: {  	[sflag:s13] =	ssyncset.done $0x0  }
0x131: {  	s0 =	simm.s32 $0x1200;
	[sflag:s13] =	ssyncadd.s32 $0xFFFFC180  }
0x132: {  	[spmem:s3] =	stream.indirect.scatter.add.f32 [tilespmem:s10], [sflag:$0x3], $0x80, s0, s9, $0xb8;
	[tilespmem:$0x1D800] =	vst v63  }
0x133: {  	_ =	swait.ge [sflag:s6], $0x3E80  }
0x134: {  	[sflag:s6] =	ssyncset.done $0x0  }
0x135: {  	s0 =	simm.s32 $0x700;
	[sflag:s6] =	ssyncadd.s32 $0xFFFFC180  }
0x136: {  	[tilespmem:s10], [sflag:$0x1] =	stream.indirect.gather [hbm4b:s2+s9], $0x80, s0, s9, $0xb8;
	[tilespmem:$0x1D800] =	vst v63  }
0x137: {  	_ =	swait.ge [sflag:s15], $0x3E80  }
0x138: {  	[sflag:s15] =	ssyncset.done $0x0  }
0x139: {  	s0 =	simm.s32 $0x1280;
	[sflag:s15] =	ssyncadd.s32 $0xFFFFC180  }
0x13a: {  	[spmem:s3] =	stream.indirect.scatter.add.f32 [tilespmem:s12], [sflag:$0x3], $0x80, s0, s9, $0xb8;
	[tilespmem:$0x1D800] =	vst v63  }
0x13b: {  	_ =	swait.ge [sflag:s6], $0x3E80  }
0x13c: {  	[sflag:s6] =	ssyncset.done $0x0  }
0x13d: {  	s0 =	simm.s32 $0x780;
	[sflag:s6] =	ssyncadd.s32 $0xFFFFC180  }
0x13e: {  	[tilespmem:s12], [sflag:$0x2] =	stream.indirect.gather [hbm4b:s2+s9], $0x80, s0, s9, $0xb8;
	[tilespmem:$0x1D800] =	vst v63  }
0x13f: {  	_ =	swait.ge [sflag:s13], $0x3E80  }
0x140: {  	[sflag:s13] =	ssyncset.done $0x0  }
0x141: {  	s0 =	simm.s32 $0x1300;
	[sflag:s13] =	ssyncadd.s32 $0xFFFFC180  }
0x142: {  	[spmem:s3] =	stream.indirect.scatter.add.f32 [tilespmem:s10], [sflag:$0x3], $0x80, s0, s9, $0xb8;
	[tilespmem:$0x1D800] =	vst v63  }
0x143: {  	_ =	swait.ge [sflag:s6], $0x3E80  }
0x144: {  	[sflag:s6] =	ssyncset.done $0x0  }
0x145: {  	s0 =	simm.s32 $0x800;
	[sflag:s6] =	ssyncadd.s32 $0xFFFFC180  }
0x146: {  	[tilespmem:s10], [sflag:$0x1] =	stream.indirect.gather [hbm4b:s2+s9], $0x80, s0, s9, $0xb8;
	[tilespmem:$0x1D800] =	vst v63  }
0x147: {  	_ =	swait.ge [sflag:s15], $0x3E80  }
0x148: {  	[sflag:s15] =	ssyncset.done $0x0  }
0x149: {  	s0 =	simm.s32 $0x1380;
	[sflag:s15] =	ssyncadd.s32 $0xFFFFC180  }
0x14a: {  	[spmem:s3] =	stream.indirect.scatter.add.f32 [tilespmem:s12], [sflag:$0x3], $0x80, s0, s9, $0xb8;
	[tilespmem:$0x1D800] =	vst v63  }
0x14b: {  	_ =	swait.ge [sflag:s6], $0x3E80  }
0x14c: {  	[sflag:s6] =	ssyncset.done $0x0  }
0x14d: {  	s0 =	simm.s32 $0x880;
	[sflag:s6] =	ssyncadd.s32 $0xFFFFC180  }
0x14e: {  	[tilespmem:s12], [sflag:$0x2] =	stream.indirect.gather [hbm4b:s2+s9], $0x80, s0, s9, $0xb8;
	[tilespmem:$0x1D800] =	vst v63  }
0x14f: {  	_ =	swait.ge [sflag:s13], $0x3E80  }
0x150: {  	[sflag:s13] =	ssyncset.done $0x0  }
0x151: {  	s0 =	simm.s32 $0x1400;
	[sflag:s13] =	ssyncadd.s32 $0xFFFFC180  }
0x152: {  	[spmem:s3] =	stream.indirect.scatter.add.f32 [tilespmem:s10], [sflag:$0x3], $0x80, s0, s9, $0xb8;
	[tilespmem:$0x1D800] =	vst v63  }
0x153: {  	_ =	swait.ge [sflag:s6], $0x3E80  }
0x154: {  	[sflag:s6] =	ssyncset.done $0x0  }
0x155: {  	s0 =	simm.s32 $0x900;
	[sflag:s6] =	ssyncadd.s32 $0xFFFFC180  }
0x156: {  	[tilespmem:s10], [sflag:$0x1] =	stream.indirect.gather [hbm4b:s2+s9], $0x80, s0, s9, $0xb8;
	[tilespmem:$0x1D800] =	vst v63  }
0x157: {  	_ =	swait.ge [sflag:s15], $0x3E80  }
0x158: {  	[sflag:s15] =	ssyncset.done $0x0  }
0x159: {  	s0 =	simm.s32 $0x1480;
	[sflag:s15] =	ssyncadd.s32 $0xFFFFC180  }
0x15a: {  	[spmem:s3] =	stream.indirect.scatter.add.f32 [tilespmem:s12], [sflag:$0x3], $0x80, s0, s9, $0xb8;
	[tilespmem:$0x1D800] =	vst v63  }
0x15b: {  	_ =	swait.ge [sflag:s6], $0x3E80  }
0x15c: {  	[sflag:s6] =	ssyncset.done $0x0  }
0x15d: {  	s0 =	simm.s32 $0x980;
	[sflag:s6] =	ssyncadd.s32 $0xFFFFC180  }
0x15e: {  	[tilespmem:s12], [sflag:$0x2] =	stream.indirect.gather [hbm4b:s2+s9], $0x80, s0, s9, $0xb8;
	[tilespmem:$0x1D800] =	vst v63  }
0x15f: {  	_ =	swait.ge [sflag:s13], $0x3E80  }
0x160: {  	[sflag:s13] =	ssyncset.done $0x0  }
0x161: {  	s0 =	simm.s32 $0x1500;
	[sflag:s13] =	ssyncadd.s32 $0xFFFFC180  }
0x162: {  	[spmem:s3] =	stream.indirect.scatter.add.f32 [tilespmem:s10], [sflag:$0x3], $0x80, s0, s9, $0xb8;
	[tilespmem:$0x1D800] =	vst v63  }
0x163: {  	_ =	swait.ge [sflag:s6], $0x3E80  }
0x164: {  	[sflag:s6] =	ssyncset.done $0x0  }
0x165: {  	[sflag:s6] =	ssyncadd.s32 $0xFFFFC180  }
0x166: {  	_ =	swait.ge [sflag:s15], $0x3E80  }
0x167: {  	[sflag:s15] =	ssyncset.done $0x0  }
0x168: {  	s0 =	simm.s32 $0x1580;
	[sflag:s15] =	ssyncadd.s32 $0xFFFFC180  }
0x169: {  	[spmem:s3] =	stream.indirect.scatter.add.f32 [tilespmem:s12], [sflag:$0x3], $0x80, s0, s9, $0xb8;
	[tilespmem:$0x1D800] =	vst v63  }
0x16a: {  	_ =	swait.ge [sflag:s6], $0x3E80  }
0x16b: {  	[sflag:s6] =	ssyncset.done $0x0  }
0x16c: {  	s0 =	rddreg [dreg:$0x9];
	[sflag:s6] =	ssyncadd.s32 $0xFFFFC180  }
0x16d: {  	[tilespmem:s31], [sflag:$0x3] =	stream.linear.gather [hbm4b:s0+s31], $0xA00, $0x38;
	[tilespmem:$0x1D800] =	vst v63  }
0x16e: {  	_ =	swait.ge [sflag:s6], $0xA00  }
0x16f: {  	[sflag:s6] =	ssyncset.done $0x0  }
0x170: {  	s0 =	simm.s32 $0xC00;
	s1 =	rddreg [dreg:$0xa];
	[sflag:s6] =	ssyncadd.s32 $0xFFFFF600  }
0x171: {  	[tilespmem:s0], [sflag:$0x3] =	stream.linear.gather [hbm4b:s1+s31], $0xA00, $0x38;
	[tilespmem:$0x1D800] =	vst v63  }
0x172: {  	_ =	swait.ge [sflag:s6], $0xA00  }
0x173: {  	[sflag:s6] =	ssyncset.done $0x0  }
0x174: {  	[sflag:s6] =	ssyncadd.s32 $0xFFFFF600  }
0x175: {  	[tilespmem:s10], [sflag:$0x1] =	stream.indirect.gather [hbm4b:s2+s9], $0x80, s31, s9, $0xb8;
	[tilespmem:$0x1D800] =	vst v63  }
0x176: {  	s1 =	simm.s32 $0x80  }
0x177: {  	[tilespmem:s12], [sflag:$0x2] =	stream.indirect.gather [hbm4b:s2+s9], $0x80, s1, s9, $0xb8;
	[tilespmem:$0x1D800] =	vst v63  }
0x178: {  	_ =	swait.ge [sflag:s13], $0x3E80  }
0x179: {  	[sflag:s13] =	ssyncset.done $0x0  }
0x17a: {  	[sflag:s13] =	ssyncadd.s32 $0xFFFFC180  }
0x17b: {  	[spmem:s3] =	stream.indirect.scatter.add.f32 [tilespmem:s10], [sflag:$0x3], $0x80, s0, s9, $0xb8;
	[tilespmem:$0x1D800] =	vst v63  }
0x17c: {  	_ =	swait.ge [sflag:s6], $0x3E80  }
0x17d: {  	[sflag:s6] =	ssyncset.done $0x0  }
0x17e: {  	[sflag:s6] =	ssyncadd.s32 $0xFFFFC180  }
0x17f: {  	[tilespmem:s10], [sflag:$0x1] =	stream.indirect.gather [hbm4b:s2+s9], $0x80, s4, s9, $0xb8;
	[tilespmem:$0x1D800] =	vst v63  }
0x180: {  	_ =	swait.ge [sflag:s15], $0x3E80  }
0x181: {  	[sflag:s15] =	ssyncset.done $0x0  }
0x182: {  	[sflag:s15] =	ssyncadd.s32 $0xFFFFC180  }
0x183: {  	[spmem:s3] =	stream.indirect.scatter.add.f32 [tilespmem:s12], [sflag:$0x3], $0x80, s5, s9, $0xb8;
	[tilespmem:$0x1D800] =	vst v63  }
0x184: {  	_ =	swait.ge [sflag:s6], $0x3E80  }
0x185: {  	[sflag:s6] =	ssyncset.done $0x0  }
0x186: {  	[sflag:s6] =	ssyncadd.s32 $0xFFFFC180  }
0x187: {  	[tilespmem:s12], [sflag:$0x2] =	stream.indirect.gather [hbm4b:s2+s9], $0x80, s7, s9, $0xb8;
	[tilespmem:$0x1D800] =	vst v63  }
0x188: {  	_ =	swait.ge [sflag:s13], $0x3E80  }
0x189: {  	[sflag:s13] =	ssyncset.done $0x0  }
0x18a: {  	[sflag:s13] =	ssyncadd.s32 $0xFFFFC180  }
0x18b: {  	[spmem:s3] =	stream.indirect.scatter.add.f32 [tilespmem:s10], [sflag:$0x3], $0x80, s8, s9, $0xb8;
	[tilespmem:$0x1D800] =	vst v63  }
0x18c: {  	_ =	swait.ge [sflag:s6], $0x3E80  }
0x18d: {  	[sflag:s6] =	ssyncset.done $0x0  }
0x18e: {  	[sflag:s6] =	ssyncadd.s32 $0xFFFFC180  }
0x18f: {  	[tilespmem:s10], [sflag:$0x1] =	stream.indirect.gather [hbm4b:s2+s9], $0x80, s11, s9, $0xb8;
	[tilespmem:$0x1D800] =	vst v63  }
0x190: {  	_ =	swait.ge [sflag:s15], $0x3E80  }
0x191: {  	[sflag:s15] =	ssyncset.done $0x0  }
0x192: {  	[sflag:s15] =	ssyncadd.s32 $0xFFFFC180  }
0x193: {  	[spmem:s3] =	stream.indirect.scatter.add.f32 [tilespmem:s12], [sflag:$0x3], $0x80, s14, s9, $0xb8;
	[tilespmem:$0x1D800] =	vst v63  }
0x194: {  	_ =	swait.ge [sflag:s6], $0x3E80  }
0x195: {  	[sflag:s6] =	ssyncset.done $0x0  }
0x196: {  	[sflag:s6] =	ssyncadd.s32 $0xFFFFC180  }
0x197: {  	[tilespmem:s12], [sflag:$0x2] =	stream.indirect.gather [hbm4b:s2+s9], $0x80, s16, s9, $0xb8;
	[tilespmem:$0x1D800] =	vst v63  }
0x198: {  	_ =	swait.ge [sflag:s13], $0x3E80  }
0x199: {  	[sflag:s13] =	ssyncset.done $0x0  }
0x19a: {  	[sflag:s13] =	ssyncadd.s32 $0xFFFFC180  }
0x19b: {  	[spmem:s3] =	stream.indirect.scatter.add.f32 [tilespmem:s10], [sflag:$0x3], $0x80, s17, s9, $0xb8;
	[tilespmem:$0x1D800] =	vst v63  }
0x19c: {  	_ =	swait.ge [sflag:s6], $0x3E80  }
0x19d: {  	[sflag:s6] =	ssyncset.done $0x0  }
0x19e: {  	[sflag:s6] =	ssyncadd.s32 $0xFFFFC180  }
0x19f: {  	[tilespmem:s10], [sflag:$0x1] =	stream.indirect.gather [hbm4b:s2+s9], $0x80, s18, s9, $0xb8;
	[tilespmem:$0x1D800] =	vst v63  }
0x1a0: {  	_ =	swait.ge [sflag:s15], $0x3E80  }
0x1a1: {  	[sflag:s15] =	ssyncset.done $0x0  }
0x1a2: {  	[sflag:s15] =	ssyncadd.s32 $0xFFFFC180  }
0x1a3: {  	[spmem:s3] =	stream.indirect.scatter.add.f32 [tilespmem:s12], [sflag:$0x3], $0x80, s19, s9, $0xb8;
	[tilespmem:$0x1D800] =	vst v63  }
0x1a4: {  	_ =	swait.ge [sflag:s6], $0x3E80  }
0x1a5: {  	[sflag:s6] =	ssyncset.done $0x0  }
0x1a6: {  	[sflag:s6] =	ssyncadd.s32 $0xFFFFC180  }
0x1a7: {  	[tilespmem:s12], [sflag:$0x2] =	stream.indirect.gather [hbm4b:s2+s9], $0x80, s20, s9, $0xb8;
	[tilespmem:$0x1D800] =	vst v63  }
0x1a8: {  	_ =	swait.ge [sflag:s13], $0x3E80  }
0x1a9: {  	[sflag:s13] =	ssyncset.done $0x0  }
0x1aa: {  	[sflag:s13] =	ssyncadd.s32 $0xFFFFC180  }
0x1ab: {  	[spmem:s3] =	stream.indirect.scatter.add.f32 [tilespmem:s10], [sflag:$0x3], $0x80, s21, s9, $0xb8;
	[tilespmem:$0x1D800] =	vst v63  }
0x1ac: {  	_ =	swait.ge [sflag:s6], $0x3E80  }
0x1ad: {  	[sflag:s6] =	ssyncset.done $0x0  }
0x1ae: {  	[sflag:s6] =	ssyncadd.s32 $0xFFFFC180  }
0x1af: {  	[tilespmem:s10], [sflag:$0x1] =	stream.indirect.gather [hbm4b:s2+s9], $0x80, s22, s9, $0xb8;
	[tilespmem:$0x1D800] =	vst v63  }
0x1b0: {  	_ =	swait.ge [sflag:s15], $0x3E80  }
0x1b1: {  	[sflag:s15] =	ssyncset.done $0x0  }
0x1b2: {  	[sflag:s15] =	ssyncadd.s32 $0xFFFFC180  }
0x1b3: {  	[spmem:s3] =	stream.indirect.scatter.add.f32 [tilespmem:s12], [sflag:$0x3], $0x80, s23, s9, $0xb8;
	[tilespmem:$0x1D800] =	vst v63  }
0x1b4: {  	_ =	swait.ge [sflag:s6], $0x3E80  }
0x1b5: {  	[sflag:s6] =	ssyncset.done $0x0  }
0x1b6: {  	[sflag:s6] =	ssyncadd.s32 $0xFFFFC180  }
0x1b7: {  	[tilespmem:s12], [sflag:$0x2] =	stream.indirect.gather [hbm4b:s2+s9], $0x80, s24, s9, $0xb8;
	[tilespmem:$0x1D800] =	vst v63  }
0x1b8: {  	_ =	swait.ge [sflag:s13], $0x3E80  }
0x1b9: {  	[sflag:s13] =	ssyncset.done $0x0  }
0x1ba: {  	[sflag:s13] =	ssyncadd.s32 $0xFFFFC180  }
0x1bb: {  	[spmem:s3] =	stream.indirect.scatter.add.f32 [tilespmem:s10], [sflag:$0x3], $0x80, s25, s9, $0xb8;
	[tilespmem:$0x1D800] =	vst v63  }
0x1bc: {  	_ =	swait.ge [sflag:s6], $0x3E80  }
0x1bd: {  	[sflag:s6] =	ssyncset.done $0x0  }
0x1be: {  	[sflag:s6] =	ssyncadd.s32 $0xFFFFC180  }
0x1bf: {  	[tilespmem:s10], [sflag:$0x1] =	stream.indirect.gather [hbm4b:s2+s9], $0x80, s26, s9, $0xb8;
	[tilespmem:$0x1D800] =	vst v63  }
0x1c0: {  	_ =	swait.ge [sflag:s15], $0x3E80  }
0x1c1: {  	[sflag:s15] =	ssyncset.done $0x0  }
0x1c2: {  	[sflag:s15] =	ssyncadd.s32 $0xFFFFC180  }
0x1c3: {  	[spmem:s3] =	stream.indirect.scatter.add.f32 [tilespmem:s12], [sflag:$0x3], $0x80, s28, s9, $0xb8;
	[tilespmem:$0x1D800] =	vst v63  }
0x1c4: {  	_ =	swait.ge [sflag:s6], $0x3E80  }
0x1c5: {  	[sflag:s6] =	ssyncset.done $0x0  }
0x1c6: {  	[sflag:s6] =	ssyncadd.s32 $0xFFFFC180  }
0x1c7: {  	[tilespmem:s12], [sflag:$0x2] =	stream.indirect.gather [hbm4b:s2+s9], $0x80, s29, s9, $0xb8;
	[tilespmem:$0x1D800] =	vst v63  }
0x1c8: {  	_ =	swait.ge [sflag:s13], $0x3E80  }
0x1c9: {  	[sflag:s13] =	ssyncset.done $0x0  }
0x1ca: {  	[sflag:s13] =	ssyncadd.s32 $0xFFFFC180  }
0x1cb: {  	[spmem:s3] =	stream.indirect.scatter.add.f32 [tilespmem:s10], [sflag:$0x3], $0x80, s30, s9, $0xb8;
	[tilespmem:$0x1D800] =	vst v63  }
0x1cc: {  	_ =	swait.ge [sflag:s6], $0x3E80  }
0x1cd: {  	[sflag:s6] =	ssyncset.done $0x0  }
0x1ce: {  	s1 =	simm.s32 $0x600;
	[sflag:s6] =	ssyncadd.s32 $0xFFFFC180  }
0x1cf: {  	[tilespmem:s10], [sflag:$0x1] =	stream.indirect.gather [hbm4b:s2+s9], $0x80, s1, s9, $0xb8;
	[tilespmem:$0x1D800] =	vst v63  }
0x1d0: {  	_ =	swait.ge [sflag:s15], $0x3E80  }
0x1d1: {  	[sflag:s15] =	ssyncset.done $0x0  }
0x1d2: {  	s1 =	simm.s32 $0x1180;
	[sflag:s15] =	ssyncadd.s32 $0xFFFFC180  }
0x1d3: {  	[spmem:s3] =	stream.indirect.scatter.add.f32 [tilespmem:s12], [sflag:$0x3], $0x80, s1, s9, $0xb8;
	[tilespmem:$0x1D800] =	vst v63  }
0x1d4: {  	_ =	swait.ge [sflag:s6], $0x3E80  }
0x1d5: {  	[sflag:s6] =	ssyncset.done $0x0  }
0x1d6: {  	s1 =	simm.s32 $0x680;
	[sflag:s6] =	ssyncadd.s32 $0xFFFFC180  }
0x1d7: {  	[tilespmem:s12], [sflag:$0x2] =	stream.indirect.gather [hbm4b:s2+s9], $0x80, s1, s9, $0xb8;
	[tilespmem:$0x1D800] =	vst v63  }
0x1d8: {  	_ =	swait.ge [sflag:s13], $0x3E80  }
0x1d9: {  	[sflag:s13] =	ssyncset.done $0x0  }
0x1da: {  	s1 =	simm.s32 $0x1200;
	[sflag:s13] =	ssyncadd.s32 $0xFFFFC180  }
0x1db: {  	[spmem:s3] =	stream.indirect.scatter.add.f32 [tilespmem:s10], [sflag:$0x3], $0x80, s1, s9, $0xb8;
	[tilespmem:$0x1D800] =	vst v63  }
0x1dc: {  	_ =	swait.ge [sflag:s6], $0x3E80  }
0x1dd: {  	[sflag:s6] =	ssyncset.done $0x0  }
0x1de: {  	s1 =	simm.s32 $0x700;
	[sflag:s6] =	ssyncadd.s32 $0xFFFFC180  }
0x1df: {  	[tilespmem:s10], [sflag:$0x1] =	stream.indirect.gather [hbm4b:s2+s9], $0x80, s1, s9, $0xb8;
	[tilespmem:$0x1D800] =	vst v63  }
0x1e0: {  	_ =	swait.ge [sflag:s15], $0x3E80  }
0x1e1: {  	[sflag:s15] =	ssyncset.done $0x0  }
0x1e2: {  	s1 =	simm.s32 $0x1280;
	[sflag:s15] =	ssyncadd.s32 $0xFFFFC180  }
0x1e3: {  	[spmem:s3] =	stream.indirect.scatter.add.f32 [tilespmem:s12], [sflag:$0x3], $0x80, s1, s9, $0xb8;
	[tilespmem:$0x1D800] =	vst v63  }
0x1e4: {  	_ =	swait.ge [sflag:s6], $0x3E80  }
0x1e5: {  	[sflag:s6] =	ssyncset.done $0x0  }
0x1e6: {  	s1 =	simm.s32 $0x780;
	[sflag:s6] =	ssyncadd.s32 $0xFFFFC180  }
0x1e7: {  	[tilespmem:s12], [sflag:$0x2] =	stream.indirect.gather [hbm4b:s2+s9], $0x80, s1, s9, $0xb8;
	[tilespmem:$0x1D800] =	vst v63  }
0x1e8: {  	_ =	swait.ge [sflag:s13], $0x3E80  }
0x1e9: {  	[sflag:s13] =	ssyncset.done $0x0  }
0x1ea: {  	s1 =	simm.s32 $0x1300;
	[sflag:s13] =	ssyncadd.s32 $0xFFFFC180  }
0x1eb: {  	[spmem:s3] =	stream.indirect.scatter.add.f32 [tilespmem:s10], [sflag:$0x3], $0x80, s1, s9, $0xb8;
	[tilespmem:$0x1D800] =	vst v63  }
0x1ec: {  	_ =	swait.ge [sflag:s6], $0x3E80  }
0x1ed: {  	[sflag:s6] =	ssyncset.done $0x0  }
0x1ee: {  	s1 =	simm.s32 $0x800;
	[sflag:s6] =	ssyncadd.s32 $0xFFFFC180  }
0x1ef: {  	[tilespmem:s10], [sflag:$0x1] =	stream.indirect.gather [hbm4b:s2+s9], $0x80, s1, s9, $0xb8;
	[tilespmem:$0x1D800] =	vst v63  }
0x1f0: {  	_ =	swait.ge [sflag:s15], $0x3E80  }
0x1f1: {  	[sflag:s15] =	ssyncset.done $0x0  }
0x1f2: {  	s1 =	simm.s32 $0x1380;
	[sflag:s15] =	ssyncadd.s32 $0xFFFFC180  }
0x1f3: {  	[spmem:s3] =	stream.indirect.scatter.add.f32 [tilespmem:s12], [sflag:$0x3], $0x80, s1, s9, $0xb8;
	[tilespmem:$0x1D800] =	vst v63  }
0x1f4: {  	_ =	swait.ge [sflag:s6], $0x3E80  }
0x1f5: {  	[sflag:s6] =	ssyncset.done $0x0  }
0x1f6: {  	s1 =	simm.s32 $0x880;
	[sflag:s6] =	ssyncadd.s32 $0xFFFFC180  }
0x1f7: {  	[tilespmem:s12], [sflag:$0x2] =	stream.indirect.gather [hbm4b:s2+s9], $0x80, s1, s9, $0xb8;
	[tilespmem:$0x1D800] =	vst v63  }
0x1f8: {  	_ =	swait.ge [sflag:s13], $0x3E80  }
0x1f9: {  	[sflag:s13] =	ssyncset.done $0x0  }
0x1fa: {  	s1 =	simm.s32 $0x1400;
	[sflag:s13] =	ssyncadd.s32 $0xFFFFC180  }
0x1fb: {  	[spmem:s3] =	stream.indirect.scatter.add.f32 [tilespmem:s10], [sflag:$0x3], $0x80, s1, s9, $0xb8;
	[tilespmem:$0x1D800] =	vst v63  }
0x1fc: {  	_ =	swait.ge [sflag:s6], $0x3E80  }
0x1fd: {  	[sflag:s6] =	ssyncset.done $0x0  }
0x1fe: {  	s1 =	simm.s32 $0x900;
	[sflag:s6] =	ssyncadd.s32 $0xFFFFC180  }
0x1ff: {  	[tilespmem:s10], [sflag:$0x1] =	stream.indirect.gather [hbm4b:s2+s9], $0x80, s1, s9, $0xb8;
	[tilespmem:$0x1D800] =	vst v63  }
0x200: {  	_ =	swait.ge [sflag:s15], $0x3E80  }
0x201: {  	[sflag:s15] =	ssyncset.done $0x0  }
0x202: {  	s1 =	simm.s32 $0x1480;
	[sflag:s15] =	ssyncadd.s32 $0xFFFFC180  }
0x203: {  	[spmem:s3] =	stream.indirect.scatter.add.f32 [tilespmem:s12], [sflag:$0x3], $0x80, s1, s9, $0xb8;
	[tilespmem:$0x1D800] =	vst v63  }
0x204: {  	_ =	swait.ge [sflag:s6], $0x3E80  }
0x205: {  	[sflag:s6] =	ssyncset.done $0x0  }
0x206: {  	s1 =	simm.s32 $0x980;
	[sflag:s6] =	ssyncadd.s32 $0xFFFFC180  }
0x207: {  	[tilespmem:s12], [sflag:$0x2] =	stream.indirect.gather [hbm4b:s2+s9], $0x80, s1, s9, $0xb8;
	[tilespmem:$0x1D800] =	vst v63  }
0x208: {  	_ =	swait.ge [sflag:s13], $0x3E80  }
0x209: {  	[sflag:s13] =	ssyncset.done $0x0  }
0x20a: {  	s1 =	simm.s32 $0x1500;
	[sflag:s13] =	ssyncadd.s32 $0xFFFFC180  }
0x20b: {  	[spmem:s3] =	stream.indirect.scatter.add.f32 [tilespmem:s10], [sflag:$0x3], $0x80, s1, s9, $0xb8;
	[tilespmem:$0x1D800] =	vst v63  }
0x20c: {  	_ =	swait.ge [sflag:s6], $0x3E80  }
0x20d: {  	[sflag:s6] =	ssyncset.done $0x0  }
0x20e: {  	[sflag:s6] =	ssyncadd.s32 $0xFFFFC180  }
0x20f: {  	_ =	swait.ge [sflag:s15], $0x3E80  }
0x210: {  	[sflag:s15] =	ssyncset.done $0x0  }
0x211: {  	s1 =	simm.s32 $0x1580;
	[sflag:s15] =	ssyncadd.s32 $0xFFFFC180  }
0x212: {  	[spmem:s3] =	stream.indirect.scatter.add.f32 [tilespmem:s12], [sflag:$0x3], $0x80, s1, s9, $0xb8;
	[tilespmem:$0x1D800] =	vst v63  }
0x213: {  	_ =	swait.ge [sflag:s6], $0x3E80  }
0x214: {  	[sflag:s6] =	ssyncset.done $0x0  }
0x215: {  	s1 =	rddreg [dreg:$0xb];
	[sflag:s6] =	ssyncadd.s32 $0xFFFFC180  }
0x216: {  	[tilespmem:s31], [sflag:$0x3] =	stream.linear.gather [hbm4b:s1+s31], $0xA00, $0x38;
	[tilespmem:$0x1D800] =	vst v63  }
0x217: {  	_ =	swait.ge [sflag:s6], $0xA00  }
0x218: {  	[sflag:s6] =	ssyncset.done $0x0  }
0x219: {  	s0 =	simm.s32 $0xC00;
	s1 =	rddreg [dreg:$0xc];
	[sflag:s6] =	ssyncadd.s32 $0xFFFFF600  }
0x21a: {  	[tilespmem:s0], [sflag:$0x3] =	stream.linear.gather [hbm4b:s1+s31], $0xA00, $0x38;
	[tilespmem:$0x1D800] =	vst v63  }
0x21b: {  	_ =	swait.ge [sflag:s6], $0xA00  }
0x21c: {  	[sflag:s6] =	ssyncset.done $0x0  }
0x21d: {  	[sflag:s6] =	ssyncadd.s32 $0xFFFFF600  }
0x21e: {  	[tilespmem:s10], [sflag:$0x1] =	stream.indirect.gather [hbm4b:s2+s9], $0x80, s31, s9, $0xb8;
	[tilespmem:$0x1D800] =	vst v63  }
0x21f: {  	s31 =	simm.s32 $0x80  }
0x220: {  	[tilespmem:s12], [sflag:$0x2] =	stream.indirect.gather [hbm4b:s2+s9], $0x80, s31, s9, $0xb8;
	[tilespmem:$0x1D800] =	vst v63  }
0x221: {  	_ =	swait.ge [sflag:s13], $0x3E80  }
0x222: {  	[sflag:s13] =	ssyncset.done $0x0  }
0x223: {  	[sflag:s13] =	ssyncadd.s32 $0xFFFFC180  }
0x224: {  	[spmem:s3] =	stream.indirect.scatter.add.f32 [tilespmem:s10], [sflag:$0x3], $0x80, s0, s9, $0xb8;
	[tilespmem:$0x1D800] =	vst v63  }
0x225: {  	_ =	swait.ge [sflag:s6], $0x3E80  }
0x226: {  	[sflag:s6] =	ssyncset.done $0x0  }
0x227: {  	s4 =	simm.s32 $0x100;
	[sflag:s6] =	ssyncadd.s32 $0xFFFFC180  }
0x228: {  	[tilespmem:s10], [sflag:$0x1] =	stream.indirect.gather [hbm4b:s2+s9], $0x80, s4, s9, $0xb8;
	[tilespmem:$0x1D800] =	vst v63  }
0x229: {  	_ =	swait.ge [sflag:s15], $0x3E80  }
0x22a: {  	[sflag:s15] =	ssyncset.done $0x0  }
0x22b: {  	s5 =	simm.s32 $0xC80;
	[sflag:s15] =	ssyncadd.s32 $0xFFFFC180  }
0x22c: {  	[spmem:s3] =	stream.indirect.scatter.add.f32 [tilespmem:s12], [sflag:$0x3], $0x80, s5, s9, $0xb8;
	[tilespmem:$0x1D800] =	vst v63  }
0x22d: {  	_ =	swait.ge [sflag:s6], $0x3E80  }
0x22e: {  	[sflag:s6] =	ssyncset.done $0x0  }
0x22f: {  	s7 =	simm.s32 $0x180;
	[sflag:s6] =	ssyncadd.s32 $0xFFFFC180  }
0x230: {  	[tilespmem:s12], [sflag:$0x2] =	stream.indirect.gather [hbm4b:s2+s9], $0x80, s7, s9, $0xb8;
	[tilespmem:$0x1D800] =	vst v63  }
0x231: {  	_ =	swait.ge [sflag:s13], $0x3E80  }
0x232: {  	[sflag:s13] =	ssyncset.done $0x0  }
0x233: {  	s8 =	simm.s32 $0xD00;
	[sflag:s13] =	ssyncadd.s32 $0xFFFFC180  }
0x234: {  	[spmem:s3] =	stream.indirect.scatter.add.f32 [tilespmem:s10], [sflag:$0x3], $0x80, s8, s9, $0xb8;
	[tilespmem:$0x1D800] =	vst v63  }
0x235: {  	_ =	swait.ge [sflag:s6], $0x3E80  }
0x236: {  	[sflag:s6] =	ssyncset.done $0x0  }
0x237: {  	s11 =	simm.s32 $0x200;
	[sflag:s6] =	ssyncadd.s32 $0xFFFFC180  }
0x238: {  	[tilespmem:s10], [sflag:$0x1] =	stream.indirect.gather [hbm4b:s2+s9], $0x80, s11, s9, $0xb8;
	[tilespmem:$0x1D800] =	vst v63  }
0x239: {  	_ =	swait.ge [sflag:s15], $0x3E80  }
0x23a: {  	[sflag:s15] =	ssyncset.done $0x0  }
0x23b: {  	s14 =	simm.s32 $0xD80;
	[sflag:s15] =	ssyncadd.s32 $0xFFFFC180  }
0x23c: {  	[spmem:s3] =	stream.indirect.scatter.add.f32 [tilespmem:s12], [sflag:$0x3], $0x80, s14, s9, $0xb8;
	[tilespmem:$0x1D800] =	vst v63  }
0x23d: {  	_ =	swait.ge [sflag:s6], $0x3E80  }
0x23e: {  	[sflag:s6] =	ssyncset.done $0x0  }
0x23f: {  	s16 =	simm.s32 $0x280;
	[sflag:s6] =	ssyncadd.s32 $0xFFFFC180  }
0x240: {  	[tilespmem:s12], [sflag:$0x2] =	stream.indirect.gather [hbm4b:s2+s9], $0x80, s16, s9, $0xb8;
	[tilespmem:$0x1D800] =	vst v63  }
0x241: {  	_ =	swait.ge [sflag:s13], $0x3E80  }
0x242: {  	[sflag:s13] =	ssyncset.done $0x0  }
0x243: {  	s17 =	simm.s32 $0xE00;
	[sflag:s13] =	ssyncadd.s32 $0xFFFFC180  }
0x244: {  	[spmem:s3] =	stream.indirect.scatter.add.f32 [tilespmem:s10], [sflag:$0x3], $0x80, s17, s9, $0xb8;
	[tilespmem:$0x1D800] =	vst v63  }
0x245: {  	_ =	swait.ge [sflag:s6], $0x3E80  }
0x246: {  	[sflag:s6] =	ssyncset.done $0x0  }
0x247: {  	s18 =	simm.s32 $0x300;
	[sflag:s6] =	ssyncadd.s32 $0xFFFFC180  }
0x248: {  	[tilespmem:s10], [sflag:$0x1] =	stream.indirect.gather [hbm4b:s2+s9], $0x80, s18, s9, $0xb8;
	[tilespmem:$0x1D800] =	vst v63  }
0x249: {  	_ =	swait.ge [sflag:s15], $0x3E80  }
0x24a: {  	[sflag:s15] =	ssyncset.done $0x0  }
0x24b: {  	s19 =	simm.s32 $0xE80;
	[sflag:s15] =	ssyncadd.s32 $0xFFFFC180  }
0x24c: {  	[spmem:s3] =	stream.indirect.scatter.add.f32 [tilespmem:s12], [sflag:$0x3], $0x80, s19, s9, $0xb8;
	[tilespmem:$0x1D800] =	vst v63  }
0x24d: {  	_ =	swait.ge [sflag:s6], $0x3E80  }
0x24e: {  	[sflag:s6] =	ssyncset.done $0x0  }
0x24f: {  	s20 =	simm.s32 $0x380;
	[sflag:s6] =	ssyncadd.s32 $0xFFFFC180  }
0x250: {  	[tilespmem:s12], [sflag:$0x2] =	stream.indirect.gather [hbm4b:s2+s9], $0x80, s20, s9, $0xb8;
	[tilespmem:$0x1D800] =	vst v63  }
0x251: {  	_ =	swait.ge [sflag:s13], $0x3E80  }
0x252: {  	[sflag:s13] =	ssyncset.done $0x0  }
0x253: {  	s21 =	simm.s32 $0xF00;
	[sflag:s13] =	ssyncadd.s32 $0xFFFFC180  }
0x254: {  	[spmem:s3] =	stream.indirect.scatter.add.f32 [tilespmem:s10], [sflag:$0x3], $0x80, s21, s9, $0xb8;
	[tilespmem:$0x1D800] =	vst v63  }
0x255: {  	_ =	swait.ge [sflag:s6], $0x3E80  }
0x256: {  	[sflag:s6] =	ssyncset.done $0x0  }
0x257: {  	s22 =	simm.s32 $0x400;
	[sflag:s6] =	ssyncadd.s32 $0xFFFFC180  }
0x258: {  	[tilespmem:s10], [sflag:$0x1] =	stream.indirect.gather [hbm4b:s2+s9], $0x80, s22, s9, $0xb8;
	[tilespmem:$0x1D800] =	vst v63  }
0x259: {  	_ =	swait.ge [sflag:s15], $0x3E80  }
0x25a: {  	[sflag:s15] =	ssyncset.done $0x0  }
0x25b: {  	s23 =	simm.s32 $0xF80;
	[sflag:s15] =	ssyncadd.s32 $0xFFFFC180  }
0x25c: {  	[spmem:s3] =	stream.indirect.scatter.add.f32 [tilespmem:s12], [sflag:$0x3], $0x80, s23, s9, $0xb8;
	[tilespmem:$0x1D800] =	vst v63  }
0x25d: {  	_ =	swait.ge [sflag:s6], $0x3E80  }
0x25e: {  	[sflag:s6] =	ssyncset.done $0x0  }
0x25f: {  	s24 =	simm.s32 $0x480;
	[sflag:s6] =	ssyncadd.s32 $0xFFFFC180  }
0x260: {  	[tilespmem:s12], [sflag:$0x2] =	stream.indirect.gather [hbm4b:s2+s9], $0x80, s24, s9, $0xb8;
	[tilespmem:$0x1D800] =	vst v63  }
0x261: {  	_ =	swait.ge [sflag:s13], $0x3E80  }
0x262: {  	[sflag:s13] =	ssyncset.done $0x0  }
0x263: {  	s25 =	simm.s32 $0x1000;
	[sflag:s13] =	ssyncadd.s32 $0xFFFFC180  }
0x264: {  	[spmem:s3] =	stream.indirect.scatter.add.f32 [tilespmem:s10], [sflag:$0x3], $0x80, s25, s9, $0xb8;
	[tilespmem:$0x1D800] =	vst v63  }
0x265: {  	_ =	swait.ge [sflag:s6], $0x3E80  }
0x266: {  	[sflag:s6] =	ssyncset.done $0x0  }
0x267: {  	s26 =	simm.s32 $0x500;
	[sflag:s6] =	ssyncadd.s32 $0xFFFFC180  }
0x268: {  	[tilespmem:s10], [sflag:$0x1] =	stream.indirect.gather [hbm4b:s2+s9], $0x80, s26, s9, $0xb8;
	[tilespmem:$0x1D800] =	vst v63  }
0x269: {  	_ =	swait.ge [sflag:s15], $0x3E80  }
0x26a: {  	[sflag:s15] =	ssyncset.done $0x0  }
0x26b: {  	s28 =	simm.s32 $0x1080;
	[sflag:s15] =	ssyncadd.s32 $0xFFFFC180  }
0x26c: {  	[spmem:s3] =	stream.indirect.scatter.add.f32 [tilespmem:s12], [sflag:$0x3], $0x80, s28, s9, $0xb8;
	[tilespmem:$0x1D800] =	vst v63  }
0x26d: {  	_ =	swait.ge [sflag:s6], $0x3E80  }
0x26e: {  	[sflag:s6] =	ssyncset.done $0x0  }
0x26f: {  	s29 =	simm.s32 $0x580;
	[sflag:s6] =	ssyncadd.s32 $0xFFFFC180  }
0x270: {  	[tilespmem:s12], [sflag:$0x2] =	stream.indirect.gather [hbm4b:s2+s9], $0x80, s29, s9, $0xb8;
	[tilespmem:$0x1D800] =	vst v63  }
0x271: {  	_ =	swait.ge [sflag:s13], $0x3E80  }
0x272: {  	[sflag:s13] =	ssyncset.done $0x0  }
0x273: {  	s30 =	simm.s32 $0x1100;
	[sflag:s13] =	ssyncadd.s32 $0xFFFFC180  }
0x274: {  	[spmem:s3] =	stream.indirect.scatter.add.f32 [tilespmem:s10], [sflag:$0x3], $0x80, s30, s9, $0xb8;
	[tilespmem:$0x1D800] =	vst v63  }
0x275: {  	_ =	swait.ge [sflag:s6], $0x3E80  }
0x276: {  	[sflag:s6] =	ssyncset.done $0x0  }
0x277: {  	s1 =	simm.s32 $0x600;
	[sflag:s6] =	ssyncadd.s32 $0xFFFFC180  }
0x278: {  	[tilespmem:s10], [sflag:$0x1] =	stream.indirect.gather [hbm4b:s2+s9], $0x80, s1, s9, $0xb8;
	[tilespmem:$0x1D800] =	vst v63  }
0x279: {  	_ =	swait.ge [sflag:s15], $0x3E80  }
0x27a: {  	[sflag:s15] =	ssyncset.done $0x0  }
0x27b: {  	s4 =	simm.s32 $0x1180;
	[sflag:s15] =	ssyncadd.s32 $0xFFFFC180  }
0x27c: {  	[spmem:s3] =	stream.indirect.scatter.add.f32 [tilespmem:s12], [sflag:$0x3], $0x80, s4, s9, $0xb8;
	[tilespmem:$0x1D800] =	vst v63  }
0x27d: {  	_ =	swait.ge [sflag:s6], $0x3E80  }
0x27e: {  	[sflag:s6] =	ssyncset.done $0x0  }
0x27f: {  	s5 =	simm.s32 $0x680;
	[sflag:s6] =	ssyncadd.s32 $0xFFFFC180  }
0x280: {  	[tilespmem:s12], [sflag:$0x2] =	stream.indirect.gather [hbm4b:s2+s9], $0x80, s5, s9, $0xb8;
	[tilespmem:$0x1D800] =	vst v63  }
0x281: {  	_ =	swait.ge [sflag:s13], $0x3E80  }
0x282: {  	[sflag:s13] =	ssyncset.done $0x0  }
0x283: {  	s7 =	simm.s32 $0x1200;
	[sflag:s13] =	ssyncadd.s32 $0xFFFFC180  }
0x284: {  	[spmem:s3] =	stream.indirect.scatter.add.f32 [tilespmem:s10], [sflag:$0x3], $0x80, s7, s9, $0xb8;
	[tilespmem:$0x1D800] =	vst v63  }
0x285: {  	_ =	swait.ge [sflag:s6], $0x3E80  }
0x286: {  	[sflag:s6] =	ssyncset.done $0x0  }
0x287: {  	s8 =	simm.s32 $0x700;
	[sflag:s6] =	ssyncadd.s32 $0xFFFFC180  }
0x288: {  	[tilespmem:s10], [sflag:$0x1] =	stream.indirect.gather [hbm4b:s2+s9], $0x80, s8, s9, $0xb8;
	[tilespmem:$0x1D800] =	vst v63  }
0x289: {  	_ =	swait.ge [sflag:s15], $0x3E80  }
0x28a: {  	[sflag:s15] =	ssyncset.done $0x0  }
0x28b: {  	s11 =	simm.s32 $0x1280;
	[sflag:s15] =	ssyncadd.s32 $0xFFFFC180  }
0x28c: {  	[spmem:s3] =	stream.indirect.scatter.add.f32 [tilespmem:s12], [sflag:$0x3], $0x80, s11, s9, $0xb8;
	[tilespmem:$0x1D800] =	vst v63  }
0x28d: {  	_ =	swait.ge [sflag:s6], $0x3E80  }
0x28e: {  	[sflag:s6] =	ssyncset.done $0x0  }
0x28f: {  	s14 =	simm.s32 $0x780;
	[sflag:s6] =	ssyncadd.s32 $0xFFFFC180  }
0x290: {  	[tilespmem:s12], [sflag:$0x2] =	stream.indirect.gather [hbm4b:s2+s9], $0x80, s14, s9, $0xb8;
	[tilespmem:$0x1D800] =	vst v63  }
0x291: {  	_ =	swait.ge [sflag:s13], $0x3E80  }
0x292: {  	[sflag:s13] =	ssyncset.done $0x0  }
0x293: {  	s16 =	simm.s32 $0x1300;
	[sflag:s13] =	ssyncadd.s32 $0xFFFFC180  }
0x294: {  	[spmem:s3] =	stream.indirect.scatter.add.f32 [tilespmem:s10], [sflag:$0x3], $0x80, s16, s9, $0xb8;
	[tilespmem:$0x1D800] =	vst v63  }
0x295: {  	_ =	swait.ge [sflag:s6], $0x3E80  }
0x296: {  	[sflag:s6] =	ssyncset.done $0x0  }
0x297: {  	s17 =	simm.s32 $0x800;
	[sflag:s6] =	ssyncadd.s32 $0xFFFFC180  }
0x298: {  	[tilespmem:s10], [sflag:$0x1] =	stream.indirect.gather [hbm4b:s2+s9], $0x80, s17, s9, $0xb8;
	[tilespmem:$0x1D800] =	vst v63  }
0x299: {  	_ =	swait.ge [sflag:s15], $0x3E80  }
0x29a: {  	[sflag:s15] =	ssyncset.done $0x0  }
0x29b: {  	s18 =	simm.s32 $0x1380;
	[sflag:s15] =	ssyncadd.s32 $0xFFFFC180  }
0x29c: {  	[spmem:s3] =	stream.indirect.scatter.add.f32 [tilespmem:s12], [sflag:$0x3], $0x80, s18, s9, $0xb8;
	[tilespmem:$0x1D800] =	vst v63  }
0x29d: {  	_ =	swait.ge [sflag:s6], $0x3E80  }
0x29e: {  	[sflag:s6] =	ssyncset.done $0x0  }
0x29f: {  	s19 =	simm.s32 $0x880;
	[sflag:s6] =	ssyncadd.s32 $0xFFFFC180  }
0x2a0: {  	[tilespmem:s12], [sflag:$0x2] =	stream.indirect.gather [hbm4b:s2+s9], $0x80, s19, s9, $0xb8;
	[tilespmem:$0x1D800] =	vst v63  }
0x2a1: {  	_ =	swait.ge [sflag:s13], $0x3E80  }
0x2a2: {  	[sflag:s13] =	ssyncset.done $0x0  }
0x2a3: {  	s20 =	simm.s32 $0x1400;
	[sflag:s13] =	ssyncadd.s32 $0xFFFFC180  }
0x2a4: {  	[spmem:s3] =	stream.indirect.scatter.add.f32 [tilespmem:s10], [sflag:$0x3], $0x80, s20, s9, $0xb8;
	[tilespmem:$0x1D800] =	vst v63  }
0x2a5: {  	_ =	swait.ge [sflag:s6], $0x3E80  }
0x2a6: {  	[sflag:s6] =	ssyncset.done $0x0  }
0x2a7: {  	s21 =	simm.s32 $0x900;
	[sflag:s6] =	ssyncadd.s32 $0xFFFFC180  }
0x2a8: {  	[tilespmem:s10], [sflag:$0x1] =	stream.indirect.gather [hbm4b:s2+s9], $0x80, s21, s9, $0xb8;
	[tilespmem:$0x1D800] =	vst v63  }
0x2a9: {  	_ =	swait.ge [sflag:s15], $0x3E80  }
0x2aa: {  	[sflag:s15] =	ssyncset.done $0x0  }
0x2ab: {  	s22 =	simm.s32 $0x1480;
	[sflag:s15] =	ssyncadd.s32 $0xFFFFC180  }
0x2ac: {  	[spmem:s3] =	stream.indirect.scatter.add.f32 [tilespmem:s12], [sflag:$0x3], $0x80, s22, s9, $0xb8;
	[tilespmem:$0x1D800] =	vst v63  }
0x2ad: {  	_ =	swait.ge [sflag:s6], $0x3E80  }
0x2ae: {  	[sflag:s6] =	ssyncset.done $0x0  }
0x2af: {  	s23 =	simm.s32 $0x980;
	[sflag:s6] =	ssyncadd.s32 $0xFFFFC180  }
0x2b0: {  	[tilespmem:s12], [sflag:$0x2] =	stream.indirect.gather [hbm4b:s2+s9], $0x80, s23, s9, $0xb8;
	[tilespmem:$0x1D800] =	vst v63  }
0x2b1: {  	_ =	swait.ge [sflag:s13], $0x3E80  }
0x2b2: {  	[sflag:s13] =	ssyncset.done $0x0  }
0x2b3: {  	s24 =	simm.s32 $0x1500;
	[sflag:s13] =	ssyncadd.s32 $0xFFFFC180  }
0x2b4: {  	[spmem:s3] =	stream.indirect.scatter.add.f32 [tilespmem:s10], [sflag:$0x3], $0x80, s24, s9, $0xb8;
	[tilespmem:$0x1D800] =	vst v63  }
0x2b5: {  	_ =	swait.ge [sflag:s6], $0x3E80  }
0x2b6: {  	[sflag:s6] =	ssyncset.done $0x0  }
0x2b7: {  	[sflag:s6] =	ssyncadd.s32 $0xFFFFC180  }
0x2b8: {  	_ =	swait.ge [sflag:s15], $0x3E80  }
0x2b9: {  	[sflag:s15] =	ssyncset.done $0x0  }
0x2ba: {  	s25 =	simm.s32 $0x1580;
	[sflag:s15] =	ssyncadd.s32 $0xFFFFC180  }
0x2bb: {  	[spmem:s3] =	stream.indirect.scatter.add.f32 [tilespmem:s12], [sflag:$0x3], $0x80, s25, s9, $0xb8;
	[tilespmem:$0x1D800] =	vst v63  }
0x2bc: {  	_ =	swait.ge [sflag:s6], $0x3E80  }
0x2bd: {  	[sflag:s6] =	ssyncset.done $0x0  }
0x2be: {  	[sflag:s6] =	ssyncadd.s32 $0xFFFFC180  }
0x2bf: {  	[bflag:$0x0] =	sbarrier.arrive $0xFFFF  }
0x2c0: {  	s26 =	rddreg [dreg:$0x10]  }
0x2c1: {  	s0 =	ssub.s32 $0x2, s26  }
0x2c2: {  	s29 =	sshrl.u32 s0, $0x1  }
0x2c3: {  	s1 =	ssub.s32 s0, s29  }
0x2c4: {  	s1 =	smax.u32 s1, $0x1  }
0x2c5: {  	p0 =	sne.s32 s1, $0x1  }
.Ltmp0:
0x2c6: {  	s28 =	rddreg [dreg:$0xd];
	(pc) =	sbr.rel @!p0 .LBB2_3-.Ltmp0, $4  }
0x2c7: {  	s30 =	rddreg [dreg:$0xe]  }
0x2c8: {  	s31 =	rddreg [dreg:$0xf]  }
0x2c9: {  	[hbm:s28], [sflag:s30] =	dma.local [spmem:s31], $0x2800  }
0x2ca: {  	_ =	swait.ge [sflag:s6], $0x2800;
	s5 =	sadd.s32 $0xFFFFFFFF, s1  }
0x2cb: {  	s1 =	simm.s32 $0x0  }
.LBB2_2:
0x2cc: {  	s0 =	rddreg [dreg:$0x4]  }
0x2cd: {  	[sflag:s6] =	ssyncset.done $0x0;
	s4 =	rddreg [dreg:$0xe]  }
0x2ce: {  	s7 =	rddreg [dreg:$0xf];
	[sflag:s6] =	ssyncadd.s32 $0xFFFFD800  }
0x2cf: {  	[spmem:s7], [sflag:s4] =	dma.local [hbm:s0], $0x2800  }
0x2d0: {  	_ =	swait.ge [sflag:s6], $0x2800  }
0x2d1: {  	[sflag:s6] =	ssyncset.done $0x0  }
0x2d2: {  	[sflag:s6] =	ssyncadd.s32 $0xFFFFD800  }
0x2d3: {  	[bflag:$0x0] =	sbarrier.arrive $0xFFFF  }
0x2d4: {  	s28 =	rddreg [dreg:$0x5]  }
0x2d5: {  	[tilespmem:s1], [sflag:$0x3] =	stream.linear.gather [hbm4b:s28+s1], $0xA00, $0x38;
	[tilespmem:$0x1D800] =	vst v63  }
0x2d6: {  	_ =	swait.ge [sflag:s6], $0xA00  }
0x2d7: {  	[sflag:s6] =	ssyncset.done $0x0  }
0x2d8: {  	s4 =	simm.s32 $0xC00;
	s29 =	rddreg [dreg:$0x6];
	[sflag:s6] =	ssyncadd.s32 $0xFFFFF600  }
0x2d9: {  	[tilespmem:s4], [sflag:$0x3] =	stream.linear.gather [hbm4b:s29+s1], $0xA00, $0x38;
	[tilespmem:$0x1D800] =	vst v63  }
0x2da: {  	_ =	swait.ge [sflag:s6], $0xA00  }
0x2db: {  	[sflag:s6] =	ssyncset.done $0x0  }
0x2dc: {  	[sflag:s6] =	ssyncadd.s32 $0xFFFFF600  }
0x2dd: {  	[tilespmem:s10], [sflag:$0x1] =	stream.indirect.gather [hbm4b:s2+s9], $0x80, s1, s9, $0xb8;
	[tilespmem:$0x1D800] =	vst v63  }
0x2de: {  	s30 =	simm.s32 $0x80  }
0x2df: {  	[tilespmem:s12], [sflag:$0x2] =	stream.indirect.gather [hbm4b:s2+s9], $0x80, s30, s9, $0xb8;
	[tilespmem:$0x1D800] =	vst v63  }
0x2e0: {  	_ =	swait.ge [sflag:s13], $0x3E80  }
0x2e1: {  	[sflag:s13] =	ssyncset.done $0x0  }
0x2e2: {  	[sflag:s13] =	ssyncadd.s32 $0xFFFFC180  }
0x2e3: {  	[spmem:s3] =	stream.indirect.scatter.add.f32 [tilespmem:s10], [sflag:$0x3], $0x80, s4, s9, $0xb8;
	[tilespmem:$0x1D800] =	vst v63  }
0x2e4: {  	_ =	swait.ge [sflag:s6], $0x3E80  }
0x2e5: {  	[sflag:s6] =	ssyncset.done $0x0  }
0x2e6: {  	s31 =	simm.s32 $0x100;
	[sflag:s6] =	ssyncadd.s32 $0xFFFFC180  }
0x2e7: {  	[tilespmem:s10], [sflag:$0x1] =	stream.indirect.gather [hbm4b:s2+s9], $0x80, s31, s9, $0xb8;
	[tilespmem:$0x1D800] =	vst v63  }
0x2e8: {  	_ =	swait.ge [sflag:s15], $0x3E80  }
0x2e9: {  	[sflag:s15] =	ssyncset.done $0x0  }
0x2ea: {  	s7 =	simm.s32 $0xC80;
	[sflag:s15] =	ssyncadd.s32 $0xFFFFC180  }
0x2eb: {  	[spmem:s3] =	stream.indirect.scatter.add.f32 [tilespmem:s12], [sflag:$0x3], $0x80, s7, s9, $0xb8;
	[tilespmem:$0x1D800] =	vst v63  }
0x2ec: {  	_ =	swait.ge [sflag:s6], $0x3E80  }
0x2ed: {  	[sflag:s6] =	ssyncset.done $0x0  }
0x2ee: {  	s8 =	simm.s32 $0x180;
	[sflag:s6] =	ssyncadd.s32 $0xFFFFC180  }
0x2ef: {  	[tilespmem:s12], [sflag:$0x2] =	stream.indirect.gather [hbm4b:s2+s9], $0x80, s8, s9, $0xb8;
	[tilespmem:$0x1D800] =	vst v63  }
0x2f0: {  	_ =	swait.ge [sflag:s13], $0x3E80  }
0x2f1: {  	[sflag:s13] =	ssyncset.done $0x0  }
0x2f2: {  	s11 =	simm.s32 $0xD00;
	[sflag:s13] =	ssyncadd.s32 $0xFFFFC180  }
0x2f3: {  	[spmem:s3] =	stream.indirect.scatter.add.f32 [tilespmem:s10], [sflag:$0x3], $0x80, s11, s9, $0xb8;
	[tilespmem:$0x1D800] =	vst v63  }
0x2f4: {  	_ =	swait.ge [sflag:s6], $0x3E80  }
0x2f5: {  	[sflag:s6] =	ssyncset.done $0x0  }
0x2f6: {  	s14 =	simm.s32 $0x200;
	[sflag:s6] =	ssyncadd.s32 $0xFFFFC180  }
0x2f7: {  	[tilespmem:s10], [sflag:$0x1] =	stream.indirect.gather [hbm4b:s2+s9], $0x80, s14, s9, $0xb8;
	[tilespmem:$0x1D800] =	vst v63  }
0x2f8: {  	_ =	swait.ge [sflag:s15], $0x3E80  }
0x2f9: {  	[sflag:s15] =	ssyncset.done $0x0  }
0x2fa: {  	s16 =	simm.s32 $0xD80;
	[sflag:s15] =	ssyncadd.s32 $0xFFFFC180  }
0x2fb: {  	[spmem:s3] =	stream.indirect.scatter.add.f32 [tilespmem:s12], [sflag:$0x3], $0x80, s16, s9, $0xb8;
	[tilespmem:$0x1D800] =	vst v63  }
0x2fc: {  	_ =	swait.ge [sflag:s6], $0x3E80  }
0x2fd: {  	[sflag:s6] =	ssyncset.done $0x0  }
0x2fe: {  	s17 =	simm.s32 $0x280;
	[sflag:s6] =	ssyncadd.s32 $0xFFFFC180  }
0x2ff: {  	[tilespmem:s12], [sflag:$0x2] =	stream.indirect.gather [hbm4b:s2+s9], $0x80, s17, s9, $0xb8;
	[tilespmem:$0x1D800] =	vst v63  }
0x300: {  	_ =	swait.ge [sflag:s13], $0x3E80  }
0x301: {  	[sflag:s13] =	ssyncset.done $0x0  }
0x302: {  	s18 =	simm.s32 $0xE00;
	[sflag:s13] =	ssyncadd.s32 $0xFFFFC180  }
0x303: {  	[spmem:s3] =	stream.indirect.scatter.add.f32 [tilespmem:s10], [sflag:$0x3], $0x80, s18, s9, $0xb8;
	[tilespmem:$0x1D800] =	vst v63  }
0x304: {  	_ =	swait.ge [sflag:s6], $0x3E80  }
0x305: {  	[sflag:s6] =	ssyncset.done $0x0  }
0x306: {  	s19 =	simm.s32 $0x300;
	[sflag:s6] =	ssyncadd.s32 $0xFFFFC180  }
0x307: {  	[tilespmem:s10], [sflag:$0x1] =	stream.indirect.gather [hbm4b:s2+s9], $0x80, s19, s9, $0xb8;
	[tilespmem:$0x1D800] =	vst v63  }
0x308: {  	_ =	swait.ge [sflag:s15], $0x3E80  }
0x309: {  	[sflag:s15] =	ssyncset.done $0x0  }
0x30a: {  	s20 =	simm.s32 $0xE80;
	[sflag:s15] =	ssyncadd.s32 $0xFFFFC180  }
0x30b: {  	[spmem:s3] =	stream.indirect.scatter.add.f32 [tilespmem:s12], [sflag:$0x3], $0x80, s20, s9, $0xb8;
	[tilespmem:$0x1D800] =	vst v63  }
0x30c: {  	_ =	swait.ge [sflag:s6], $0x3E80  }
0x30d: {  	[sflag:s6] =	ssyncset.done $0x0  }
0x30e: {  	s21 =	simm.s32 $0x380;
	[sflag:s6] =	ssyncadd.s32 $0xFFFFC180  }
0x30f: {  	[tilespmem:s12], [sflag:$0x2] =	stream.indirect.gather [hbm4b:s2+s9], $0x80, s21, s9, $0xb8;
	[tilespmem:$0x1D800] =	vst v63  }
0x310: {  	_ =	swait.ge [sflag:s13], $0x3E80  }
0x311: {  	[sflag:s13] =	ssyncset.done $0x0  }
0x312: {  	s22 =	simm.s32 $0xF00;
	[sflag:s13] =	ssyncadd.s32 $0xFFFFC180  }
0x313: {  	[spmem:s3] =	stream.indirect.scatter.add.f32 [tilespmem:s10], [sflag:$0x3], $0x80, s22, s9, $0xb8;
	[tilespmem:$0x1D800] =	vst v63  }
0x314: {  	_ =	swait.ge [sflag:s6], $0x3E80  }
0x315: {  	[sflag:s6] =	ssyncset.done $0x0  }
0x316: {  	s23 =	simm.s32 $0x400;
	[sflag:s6] =	ssyncadd.s32 $0xFFFFC180  }
0x317: {  	[tilespmem:s10], [sflag:$0x1] =	stream.indirect.gather [hbm4b:s2+s9], $0x80, s23, s9, $0xb8;
	[tilespmem:$0x1D800] =	vst v63  }
0x318: {  	_ =	swait.ge [sflag:s15], $0x3E80  }
0x319: {  	[sflag:s15] =	ssyncset.done $0x0  }
0x31a: {  	s24 =	simm.s32 $0xF80;
	[sflag:s15] =	ssyncadd.s32 $0xFFFFC180  }
0x31b: {  	[spmem:s3] =	stream.indirect.scatter.add.f32 [tilespmem:s12], [sflag:$0x3], $0x80, s24, s9, $0xb8;
	[tilespmem:$0x1D800] =	vst v63  }
0x31c: {  	_ =	swait.ge [sflag:s6], $0x3E80  }
0x31d: {  	[sflag:s6] =	ssyncset.done $0x0  }
0x31e: {  	s25 =	simm.s32 $0x480;
	[sflag:s6] =	ssyncadd.s32 $0xFFFFC180  }
0x31f: {  	[tilespmem:s12], [sflag:$0x2] =	stream.indirect.gather [hbm4b:s2+s9], $0x80, s25, s9, $0xb8;
	[tilespmem:$0x1D800] =	vst v63  }
0x320: {  	_ =	swait.ge [sflag:s13], $0x3E80  }
0x321: {  	[sflag:s13] =	ssyncset.done $0x0  }
0x322: {  	s26 =	simm.s32 $0x1000;
	[sflag:s13] =	ssyncadd.s32 $0xFFFFC180  }
0x323: {  	[spmem:s3] =	stream.indirect.scatter.add.f32 [tilespmem:s10], [sflag:$0x3], $0x80, s26, s9, $0xb8;
	[tilespmem:$0x1D800] =	vst v63  }
0x324: {  	_ =	swait.ge [sflag:s6], $0x3E80  }
0x325: {  	[sflag:s6] =	ssyncset.done $0x0  }
0x326: {  	s28 =	simm.s32 $0x500;
	[sflag:s6] =	ssyncadd.s32 $0xFFFFC180  }
0x327: {  	[tilespmem:s10], [sflag:$0x1] =	stream.indirect.gather [hbm4b:s2+s9], $0x80, s28, s9, $0xb8;
	[tilespmem:$0x1D800] =	vst v63  }
0x328: {  	_ =	swait.ge [sflag:s15], $0x3E80  }
0x329: {  	[sflag:s15] =	ssyncset.done $0x0  }
0x32a: {  	s29 =	simm.s32 $0x1080;
	[sflag:s15] =	ssyncadd.s32 $0xFFFFC180  }
0x32b: {  	[spmem:s3] =	stream.indirect.scatter.add.f32 [tilespmem:s12], [sflag:$0x3], $0x80, s29, s9, $0xb8;
	[tilespmem:$0x1D800] =	vst v63  }
0x32c: {  	_ =	swait.ge [sflag:s6], $0x3E80  }
0x32d: {  	[sflag:s6] =	ssyncset.done $0x0  }
0x32e: {  	s30 =	simm.s32 $0x580;
	[sflag:s6] =	ssyncadd.s32 $0xFFFFC180  }
0x32f: {  	[tilespmem:s12], [sflag:$0x2] =	stream.indirect.gather [hbm4b:s2+s9], $0x80, s30, s9, $0xb8;
	[tilespmem:$0x1D800] =	vst v63  }
0x330: {  	_ =	swait.ge [sflag:s13], $0x3E80  }
0x331: {  	[sflag:s13] =	ssyncset.done $0x0  }
0x332: {  	s7 =	simm.s32 $0x1100;
	[sflag:s13] =	ssyncadd.s32 $0xFFFFC180  }
0x333: {  	[spmem:s3] =	stream.indirect.scatter.add.f32 [tilespmem:s10], [sflag:$0x3], $0x80, s7, s9, $0xb8;
	[tilespmem:$0x1D800] =	vst v63  }
0x334: {  	_ =	swait.ge [sflag:s6], $0x3E80  }
0x335: {  	[sflag:s6] =	ssyncset.done $0x0  }
0x336: {  	s8 =	simm.s32 $0x600;
	[sflag:s6] =	ssyncadd.s32 $0xFFFFC180  }
0x337: {  	[tilespmem:s10], [sflag:$0x1] =	stream.indirect.gather [hbm4b:s2+s9], $0x80, s8, s9, $0xb8;
	[tilespmem:$0x1D800] =	vst v63  }
0x338: {  	_ =	swait.ge [sflag:s15], $0x3E80  }
0x339: {  	[sflag:s15] =	ssyncset.done $0x0  }
0x33a: {  	s11 =	simm.s32 $0x1180;
	[sflag:s15] =	ssyncadd.s32 $0xFFFFC180  }
0x33b: {  	[spmem:s3] =	stream.indirect.scatter.add.f32 [tilespmem:s12], [sflag:$0x3], $0x80, s11, s9, $0xb8;
	[tilespmem:$0x1D800] =	vst v63  }
0x33c: {  	_ =	swait.ge [sflag:s6], $0x3E80  }
0x33d: {  	[sflag:s6] =	ssyncset.done $0x0  }
0x33e: {  	s14 =	simm.s32 $0x680;
	[sflag:s6] =	ssyncadd.s32 $0xFFFFC180  }
0x33f: {  	[tilespmem:s12], [sflag:$0x2] =	stream.indirect.gather [hbm4b:s2+s9], $0x80, s14, s9, $0xb8;
	[tilespmem:$0x1D800] =	vst v63  }
0x340: {  	_ =	swait.ge [sflag:s13], $0x3E80  }
0x341: {  	[sflag:s13] =	ssyncset.done $0x0  }
0x342: {  	s16 =	simm.s32 $0x1200;
	[sflag:s13] =	ssyncadd.s32 $0xFFFFC180  }
0x343: {  	[spmem:s3] =	stream.indirect.scatter.add.f32 [tilespmem:s10], [sflag:$0x3], $0x80, s16, s9, $0xb8;
	[tilespmem:$0x1D800] =	vst v63  }
0x344: {  	_ =	swait.ge [sflag:s6], $0x3E80  }
0x345: {  	[sflag:s6] =	ssyncset.done $0x0  }
0x346: {  	s17 =	simm.s32 $0x700;
	[sflag:s6] =	ssyncadd.s32 $0xFFFFC180  }
0x347: {  	[tilespmem:s10], [sflag:$0x1] =	stream.indirect.gather [hbm4b:s2+s9], $0x80, s17, s9, $0xb8;
	[tilespmem:$0x1D800] =	vst v63  }
0x348: {  	_ =	swait.ge [sflag:s15], $0x3E80  }
0x349: {  	[sflag:s15] =	ssyncset.done $0x0  }
0x34a: {  	s18 =	simm.s32 $0x1280;
	[sflag:s15] =	ssyncadd.s32 $0xFFFFC180  }
0x34b: {  	[spmem:s3] =	stream.indirect.scatter.add.f32 [tilespmem:s12], [sflag:$0x3], $0x80, s18, s9, $0xb8;
	[tilespmem:$0x1D800] =	vst v63  }
0x34c: {  	_ =	swait.ge [sflag:s6], $0x3E80  }
0x34d: {  	[sflag:s6] =	ssyncset.done $0x0  }
0x34e: {  	s19 =	simm.s32 $0x780;
	[sflag:s6] =	ssyncadd.s32 $0xFFFFC180  }
0x34f: {  	[tilespmem:s12], [sflag:$0x2] =	stream.indirect.gather [hbm4b:s2+s9], $0x80, s19, s9, $0xb8;
	[tilespmem:$0x1D800] =	vst v63  }
0x350: {  	_ =	swait.ge [sflag:s13], $0x3E80  }
0x351: {  	[sflag:s13] =	ssyncset.done $0x0  }
0x352: {  	s20 =	simm.s32 $0x1300;
	[sflag:s13] =	ssyncadd.s32 $0xFFFFC180  }
0x353: {  	[spmem:s3] =	stream.indirect.scatter.add.f32 [tilespmem:s10], [sflag:$0x3], $0x80, s20, s9, $0xb8;
	[tilespmem:$0x1D800] =	vst v63  }
0x354: {  	_ =	swait.ge [sflag:s6], $0x3E80  }
0x355: {  	[sflag:s6] =	ssyncset.done $0x0  }
0x356: {  	s21 =	simm.s32 $0x800;
	[sflag:s6] =	ssyncadd.s32 $0xFFFFC180  }
0x357: {  	[tilespmem:s10], [sflag:$0x1] =	stream.indirect.gather [hbm4b:s2+s9], $0x80, s21, s9, $0xb8;
	[tilespmem:$0x1D800] =	vst v63  }
0x358: {  	_ =	swait.ge [sflag:s15], $0x3E80  }
0x359: {  	[sflag:s15] =	ssyncset.done $0x0  }
0x35a: {  	s22 =	simm.s32 $0x1380;
	[sflag:s15] =	ssyncadd.s32 $0xFFFFC180  }
0x35b: {  	[spmem:s3] =	stream.indirect.scatter.add.f32 [tilespmem:s12], [sflag:$0x3], $0x80, s22, s9, $0xb8;
	[tilespmem:$0x1D800] =	vst v63  }
0x35c: {  	_ =	swait.ge [sflag:s6], $0x3E80  }
0x35d: {  	[sflag:s6] =	ssyncset.done $0x0  }
0x35e: {  	s23 =	simm.s32 $0x880;
	[sflag:s6] =	ssyncadd.s32 $0xFFFFC180  }
0x35f: {  	[tilespmem:s12], [sflag:$0x2] =	stream.indirect.gather [hbm4b:s2+s9], $0x80, s23, s9, $0xb8;
	[tilespmem:$0x1D800] =	vst v63  }
0x360: {  	_ =	swait.ge [sflag:s13], $0x3E80  }
0x361: {  	[sflag:s13] =	ssyncset.done $0x0  }
0x362: {  	s24 =	simm.s32 $0x1400;
	[sflag:s13] =	ssyncadd.s32 $0xFFFFC180  }
0x363: {  	[spmem:s3] =	stream.indirect.scatter.add.f32 [tilespmem:s10], [sflag:$0x3], $0x80, s24, s9, $0xb8;
	[tilespmem:$0x1D800] =	vst v63  }
0x364: {  	_ =	swait.ge [sflag:s6], $0x3E80  }
0x365: {  	[sflag:s6] =	ssyncset.done $0x0  }
0x366: {  	s25 =	simm.s32 $0x900;
	[sflag:s6] =	ssyncadd.s32 $0xFFFFC180  }
0x367: {  	[tilespmem:s10], [sflag:$0x1] =	stream.indirect.gather [hbm4b:s2+s9], $0x80, s25, s9, $0xb8;
	[tilespmem:$0x1D800] =	vst v63  }
0x368: {  	_ =	swait.ge [sflag:s15], $0x3E80  }
0x369: {  	[sflag:s15] =	ssyncset.done $0x0  }
0x36a: {  	s26 =	simm.s32 $0x1480;
	[sflag:s15] =	ssyncadd.s32 $0xFFFFC180  }
0x36b: {  	[spmem:s3] =	stream.indirect.scatter.add.f32 [tilespmem:s12], [sflag:$0x3], $0x80, s26, s9, $0xb8;
	[tilespmem:$0x1D800] =	vst v63  }
0x36c: {  	_ =	swait.ge [sflag:s6], $0x3E80  }
0x36d: {  	[sflag:s6] =	ssyncset.done $0x0  }
0x36e: {  	s28 =	simm.s32 $0x980;
	[sflag:s6] =	ssyncadd.s32 $0xFFFFC180  }
0x36f: {  	[tilespmem:s12], [sflag:$0x2] =	stream.indirect.gather [hbm4b:s2+s9], $0x80, s28, s9, $0xb8;
	[tilespmem:$0x1D800] =	vst v63  }
0x370: {  	_ =	swait.ge [sflag:s13], $0x3E80  }
0x371: {  	[sflag:s13] =	ssyncset.done $0x0  }
0x372: {  	s29 =	simm.s32 $0x1500;
	[sflag:s13] =	ssyncadd.s32 $0xFFFFC180  }
0x373: {  	[spmem:s3] =	stream.indirect.scatter.add.f32 [tilespmem:s10], [sflag:$0x3], $0x80, s29, s9, $0xb8;
	[tilespmem:$0x1D800] =	vst v63  }
0x374: {  	_ =	swait.ge [sflag:s6], $0x3E80  }
0x375: {  	[sflag:s6] =	ssyncset.done $0x0  }
0x376: {  	[sflag:s6] =	ssyncadd.s32 $0xFFFFC180  }
0x377: {  	_ =	swait.ge [sflag:s15], $0x3E80  }
0x378: {  	[sflag:s15] =	ssyncset.done $0x0  }
0x379: {  	s30 =	simm.s32 $0x1580;
	[sflag:s15] =	ssyncadd.s32 $0xFFFFC180  }
0x37a: {  	[spmem:s3] =	stream.indirect.scatter.add.f32 [tilespmem:s12], [sflag:$0x3], $0x80, s30, s9, $0xb8;
	[tilespmem:$0x1D800] =	vst v63  }
0x37b: {  	_ =	swait.ge [sflag:s6], $0x3E80  }
0x37c: {  	[sflag:s6] =	ssyncset.done $0x0  }
0x37d: {  	s0 =	rddreg [dreg:$0x7];
	[sflag:s6] =	ssyncadd.s32 $0xFFFFC180  }
0x37e: {  	[tilespmem:s1], [sflag:$0x3] =	stream.linear.gather [hbm4b:s0+s1], $0xA00, $0x38;
	[tilespmem:$0x1D800] =	vst v63  }
0x37f: {  	_ =	swait.ge [sflag:s6], $0xA00  }
0x380: {  	[sflag:s6] =	ssyncset.done $0x0  }
0x381: {  	s0 =	rddreg [dreg:$0x8];
	[sflag:s6] =	ssyncadd.s32 $0xFFFFF600  }
0x382: {  	[tilespmem:s4], [sflag:$0x3] =	stream.linear.gather [hbm4b:s0+s1], $0xA00, $0x38;
	[tilespmem:$0x1D800] =	vst v63  }
0x383: {  	_ =	swait.ge [sflag:s6], $0xA00  }
0x384: {  	[sflag:s6] =	ssyncset.done $0x0  }
0x385: {  	[sflag:s6] =	ssyncadd.s32 $0xFFFFF600  }
0x386: {  	[tilespmem:s10], [sflag:$0x1] =	stream.indirect.gather [hbm4b:s2+s9], $0x80, s1, s9, $0xb8;
	[tilespmem:$0x1D800] =	vst v63  }
0x387: {  	s0 =	simm.s32 $0x80  }
0x388: {  	[tilespmem:s12], [sflag:$0x2] =	stream.indirect.gather [hbm4b:s2+s9], $0x80, s0, s9, $0xb8;
	[tilespmem:$0x1D800] =	vst v63  }
0x389: {  	_ =	swait.ge [sflag:s13], $0x3E80  }
0x38a: {  	[sflag:s13] =	ssyncset.done $0x0  }
0x38b: {  	[sflag:s13] =	ssyncadd.s32 $0xFFFFC180  }
0x38c: {  	[spmem:s3] =	stream.indirect.scatter.add.f32 [tilespmem:s10], [sflag:$0x3], $0x80, s4, s9, $0xb8;
	[tilespmem:$0x1D800] =	vst v63  }
0x38d: {  	_ =	swait.ge [sflag:s6], $0x3E80  }
0x38e: {  	[sflag:s6] =	ssyncset.done $0x0  }
0x38f: {  	s0 =	simm.s32 $0x100;
	[sflag:s6] =	ssyncadd.s32 $0xFFFFC180  }
0x390: {  	[tilespmem:s10], [sflag:$0x1] =	stream.indirect.gather [hbm4b:s2+s9], $0x80, s0, s9, $0xb8;
	[tilespmem:$0x1D800] =	vst v63  }
0x391: {  	_ =	swait.ge [sflag:s15], $0x3E80  }
0x392: {  	[sflag:s15] =	ssyncset.done $0x0  }
0x393: {  	s0 =	simm.s32 $0xC80;
	[sflag:s15] =	ssyncadd.s32 $0xFFFFC180  }
0x394: {  	[spmem:s3] =	stream.indirect.scatter.add.f32 [tilespmem:s12], [sflag:$0x3], $0x80, s0, s9, $0xb8;
	[tilespmem:$0x1D800] =	vst v63  }
0x395: {  	_ =	swait.ge [sflag:s6], $0x3E80  }
0x396: {  	[sflag:s6] =	ssyncset.done $0x0  }
0x397: {  	s0 =	simm.s32 $0x180;
	[sflag:s6] =	ssyncadd.s32 $0xFFFFC180  }
0x398: {  	[tilespmem:s12], [sflag:$0x2] =	stream.indirect.gather [hbm4b:s2+s9], $0x80, s0, s9, $0xb8;
	[tilespmem:$0x1D800] =	vst v63  }
0x399: {  	_ =	swait.ge [sflag:s13], $0x3E80  }
0x39a: {  	[sflag:s13] =	ssyncset.done $0x0  }
0x39b: {  	s0 =	simm.s32 $0xD00;
	[sflag:s13] =	ssyncadd.s32 $0xFFFFC180  }
0x39c: {  	[spmem:s3] =	stream.indirect.scatter.add.f32 [tilespmem:s10], [sflag:$0x3], $0x80, s0, s9, $0xb8;
	[tilespmem:$0x1D800] =	vst v63  }
0x39d: {  	_ =	swait.ge [sflag:s6], $0x3E80  }
0x39e: {  	[sflag:s6] =	ssyncset.done $0x0  }
0x39f: {  	s0 =	simm.s32 $0x200;
	[sflag:s6] =	ssyncadd.s32 $0xFFFFC180  }
0x3a0: {  	[tilespmem:s10], [sflag:$0x1] =	stream.indirect.gather [hbm4b:s2+s9], $0x80, s0, s9, $0xb8;
	[tilespmem:$0x1D800] =	vst v63  }
0x3a1: {  	_ =	swait.ge [sflag:s15], $0x3E80  }
0x3a2: {  	[sflag:s15] =	ssyncset.done $0x0  }
0x3a3: {  	s0 =	simm.s32 $0xD80;
	[sflag:s15] =	ssyncadd.s32 $0xFFFFC180  }
0x3a4: {  	[spmem:s3] =	stream.indirect.scatter.add.f32 [tilespmem:s12], [sflag:$0x3], $0x80, s0, s9, $0xb8;
	[tilespmem:$0x1D800] =	vst v63  }
0x3a5: {  	_ =	swait.ge [sflag:s6], $0x3E80  }
0x3a6: {  	[sflag:s6] =	ssyncset.done $0x0  }
0x3a7: {  	s0 =	simm.s32 $0x280;
	[sflag:s6] =	ssyncadd.s32 $0xFFFFC180  }
0x3a8: {  	[tilespmem:s12], [sflag:$0x2] =	stream.indirect.gather [hbm4b:s2+s9], $0x80, s0, s9, $0xb8;
	[tilespmem:$0x1D800] =	vst v63  }
0x3a9: {  	_ =	swait.ge [sflag:s13], $0x3E80  }
0x3aa: {  	[sflag:s13] =	ssyncset.done $0x0  }
0x3ab: {  	s0 =	simm.s32 $0xE00;
	[sflag:s13] =	ssyncadd.s32 $0xFFFFC180  }
0x3ac: {  	[spmem:s3] =	stream.indirect.scatter.add.f32 [tilespmem:s10], [sflag:$0x3], $0x80, s0, s9, $0xb8;
	[tilespmem:$0x1D800] =	vst v63  }
0x3ad: {  	_ =	swait.ge [sflag:s6], $0x3E80  }
0x3ae: {  	[sflag:s6] =	ssyncset.done $0x0  }
0x3af: {  	s0 =	simm.s32 $0x300;
	[sflag:s6] =	ssyncadd.s32 $0xFFFFC180  }
0x3b0: {  	[tilespmem:s10], [sflag:$0x1] =	stream.indirect.gather [hbm4b:s2+s9], $0x80, s0, s9, $0xb8;
	[tilespmem:$0x1D800] =	vst v63  }
0x3b1: {  	_ =	swait.ge [sflag:s15], $0x3E80  }
0x3b2: {  	[sflag:s15] =	ssyncset.done $0x0  }
0x3b3: {  	s0 =	simm.s32 $0xE80;
	[sflag:s15] =	ssyncadd.s32 $0xFFFFC180  }
0x3b4: {  	[spmem:s3] =	stream.indirect.scatter.add.f32 [tilespmem:s12], [sflag:$0x3], $0x80, s0, s9, $0xb8;
	[tilespmem:$0x1D800] =	vst v63  }
0x3b5: {  	_ =	swait.ge [sflag:s6], $0x3E80  }
0x3b6: {  	[sflag:s6] =	ssyncset.done $0x0  }
0x3b7: {  	s0 =	simm.s32 $0x380;
	[sflag:s6] =	ssyncadd.s32 $0xFFFFC180  }
0x3b8: {  	[tilespmem:s12], [sflag:$0x2] =	stream.indirect.gather [hbm4b:s2+s9], $0x80, s0, s9, $0xb8;
	[tilespmem:$0x1D800] =	vst v63  }
0x3b9: {  	_ =	swait.ge [sflag:s13], $0x3E80  }
0x3ba: {  	[sflag:s13] =	ssyncset.done $0x0  }
0x3bb: {  	s0 =	simm.s32 $0xF00;
	[sflag:s13] =	ssyncadd.s32 $0xFFFFC180  }
0x3bc: {  	[spmem:s3] =	stream.indirect.scatter.add.f32 [tilespmem:s10], [sflag:$0x3], $0x80, s0, s9, $0xb8;
	[tilespmem:$0x1D800] =	vst v63  }
0x3bd: {  	_ =	swait.ge [sflag:s6], $0x3E80  }
0x3be: {  	[sflag:s6] =	ssyncset.done $0x0  }
0x3bf: {  	s0 =	simm.s32 $0x400;
	[sflag:s6] =	ssyncadd.s32 $0xFFFFC180  }
0x3c0: {  	[tilespmem:s10], [sflag:$0x1] =	stream.indirect.gather [hbm4b:s2+s9], $0x80, s0, s9, $0xb8;
	[tilespmem:$0x1D800] =	vst v63  }
0x3c1: {  	_ =	swait.ge [sflag:s15], $0x3E80  }
0x3c2: {  	[sflag:s15] =	ssyncset.done $0x0  }
0x3c3: {  	s0 =	simm.s32 $0xF80;
	[sflag:s15] =	ssyncadd.s32 $0xFFFFC180  }
0x3c4: {  	[spmem:s3] =	stream.indirect.scatter.add.f32 [tilespmem:s12], [sflag:$0x3], $0x80, s0, s9, $0xb8;
	[tilespmem:$0x1D800] =	vst v63  }
0x3c5: {  	_ =	swait.ge [sflag:s6], $0x3E80  }
0x3c6: {  	[sflag:s6] =	ssyncset.done $0x0  }
0x3c7: {  	s0 =	simm.s32 $0x480;
	[sflag:s6] =	ssyncadd.s32 $0xFFFFC180  }
0x3c8: {  	[tilespmem:s12], [sflag:$0x2] =	stream.indirect.gather [hbm4b:s2+s9], $0x80, s0, s9, $0xb8;
	[tilespmem:$0x1D800] =	vst v63  }
0x3c9: {  	_ =	swait.ge [sflag:s13], $0x3E80  }
0x3ca: {  	[sflag:s13] =	ssyncset.done $0x0  }
0x3cb: {  	s0 =	simm.s32 $0x1000;
	[sflag:s13] =	ssyncadd.s32 $0xFFFFC180  }
0x3cc: {  	[spmem:s3] =	stream.indirect.scatter.add.f32 [tilespmem:s10], [sflag:$0x3], $0x80, s0, s9, $0xb8;
	[tilespmem:$0x1D800] =	vst v63  }
0x3cd: {  	_ =	swait.ge [sflag:s6], $0x3E80  }
0x3ce: {  	[sflag:s6] =	ssyncset.done $0x0  }
0x3cf: {  	s31 =	simm.s32 $0x500;
	[sflag:s6] =	ssyncadd.s32 $0xFFFFC180  }
0x3d0: {  	[tilespmem:s10], [sflag:$0x1] =	stream.indirect.gather [hbm4b:s2+s9], $0x80, s31, s9, $0xb8;
	[tilespmem:$0x1D800] =	vst v63  }
0x3d1: {  	_ =	swait.ge [sflag:s15], $0x3E80  }
0x3d2: {  	[sflag:s15] =	ssyncset.done $0x0  }
0x3d3: {  	s31 =	simm.s32 $0x1080;
	[sflag:s15] =	ssyncadd.s32 $0xFFFFC180  }
0x3d4: {  	[spmem:s3] =	stream.indirect.scatter.add.f32 [tilespmem:s12], [sflag:$0x3], $0x80, s31, s9, $0xb8;
	[tilespmem:$0x1D800] =	vst v63  }
0x3d5: {  	_ =	swait.ge [sflag:s6], $0x3E80  }
0x3d6: {  	[sflag:s6] =	ssyncset.done $0x0  }
0x3d7: {  	s31 =	simm.s32 $0x580;
	[sflag:s6] =	ssyncadd.s32 $0xFFFFC180  }
0x3d8: {  	[tilespmem:s12], [sflag:$0x2] =	stream.indirect.gather [hbm4b:s2+s9], $0x80, s31, s9, $0xb8;
	[tilespmem:$0x1D800] =	vst v63  }
0x3d9: {  	_ =	swait.ge [sflag:s13], $0x3E80  }
0x3da: {  	[sflag:s13] =	ssyncset.done $0x0  }
0x3db: {  	s7 =	simm.s32 $0x1100;
	[sflag:s13] =	ssyncadd.s32 $0xFFFFC180  }
0x3dc: {  	[spmem:s3] =	stream.indirect.scatter.add.f32 [tilespmem:s10], [sflag:$0x3], $0x80, s7, s9, $0xb8;
	[tilespmem:$0x1D800] =	vst v63  }
0x3dd: {  	_ =	swait.ge [sflag:s6], $0x3E80  }
0x3de: {  	[sflag:s6] =	ssyncset.done $0x0  }
0x3df: {  	s8 =	simm.s32 $0x600;
	[sflag:s6] =	ssyncadd.s32 $0xFFFFC180  }
0x3e0: {  	[tilespmem:s10], [sflag:$0x1] =	stream.indirect.gather [hbm4b:s2+s9], $0x80, s8, s9, $0xb8;
	[tilespmem:$0x1D800] =	vst v63  }
0x3e1: {  	_ =	swait.ge [sflag:s15], $0x3E80  }
0x3e2: {  	[sflag:s15] =	ssyncset.done $0x0  }
0x3e3: {  	s11 =	simm.s32 $0x1180;
	[sflag:s15] =	ssyncadd.s32 $0xFFFFC180  }
0x3e4: {  	[spmem:s3] =	stream.indirect.scatter.add.f32 [tilespmem:s12], [sflag:$0x3], $0x80, s11, s9, $0xb8;
	[tilespmem:$0x1D800] =	vst v63  }
0x3e5: {  	_ =	swait.ge [sflag:s6], $0x3E80  }
0x3e6: {  	[sflag:s6] =	ssyncset.done $0x0  }
0x3e7: {  	s14 =	simm.s32 $0x680;
	[sflag:s6] =	ssyncadd.s32 $0xFFFFC180  }
0x3e8: {  	[tilespmem:s12], [sflag:$0x2] =	stream.indirect.gather [hbm4b:s2+s9], $0x80, s14, s9, $0xb8;
	[tilespmem:$0x1D800] =	vst v63  }
0x3e9: {  	_ =	swait.ge [sflag:s13], $0x3E80  }
0x3ea: {  	[sflag:s13] =	ssyncset.done $0x0  }
0x3eb: {  	s16 =	simm.s32 $0x1200;
	[sflag:s13] =	ssyncadd.s32 $0xFFFFC180  }
0x3ec: {  	[spmem:s3] =	stream.indirect.scatter.add.f32 [tilespmem:s10], [sflag:$0x3], $0x80, s16, s9, $0xb8;
	[tilespmem:$0x1D800] =	vst v63  }
0x3ed: {  	_ =	swait.ge [sflag:s6], $0x3E80  }
0x3ee: {  	[sflag:s6] =	ssyncset.done $0x0  }
0x3ef: {  	s17 =	simm.s32 $0x700;
	[sflag:s6] =	ssyncadd.s32 $0xFFFFC180  }
0x3f0: {  	[tilespmem:s10], [sflag:$0x1] =	stream.indirect.gather [hbm4b:s2+s9], $0x80, s17, s9, $0xb8;
	[tilespmem:$0x1D800] =	vst v63  }
0x3f1: {  	_ =	swait.ge [sflag:s15], $0x3E80  }
0x3f2: {  	[sflag:s15] =	ssyncset.done $0x0  }
0x3f3: {  	s18 =	simm.s32 $0x1280;
	[sflag:s15] =	ssyncadd.s32 $0xFFFFC180  }
0x3f4: {  	[spmem:s3] =	stream.indirect.scatter.add.f32 [tilespmem:s12], [sflag:$0x3], $0x80, s18, s9, $0xb8;
	[tilespmem:$0x1D800] =	vst v63  }
0x3f5: {  	_ =	swait.ge [sflag:s6], $0x3E80  }
0x3f6: {  	[sflag:s6] =	ssyncset.done $0x0  }
0x3f7: {  	s19 =	simm.s32 $0x780;
	[sflag:s6] =	ssyncadd.s32 $0xFFFFC180  }
0x3f8: {  	[tilespmem:s12], [sflag:$0x2] =	stream.indirect.gather [hbm4b:s2+s9], $0x80, s19, s9, $0xb8;
	[tilespmem:$0x1D800] =	vst v63  }
0x3f9: {  	_ =	swait.ge [sflag:s13], $0x3E80  }
0x3fa: {  	[sflag:s13] =	ssyncset.done $0x0  }
0x3fb: {  	s20 =	simm.s32 $0x1300;
	[sflag:s13] =	ssyncadd.s32 $0xFFFFC180  }
0x3fc: {  	[spmem:s3] =	stream.indirect.scatter.add.f32 [tilespmem:s10], [sflag:$0x3], $0x80, s20, s9, $0xb8;
	[tilespmem:$0x1D800] =	vst v63  }
0x3fd: {  	_ =	swait.ge [sflag:s6], $0x3E80  }
0x3fe: {  	[sflag:s6] =	ssyncset.done $0x0  }
0x3ff: {  	s21 =	simm.s32 $0x800;
	[sflag:s6] =	ssyncadd.s32 $0xFFFFC180  }
0x400: {  	[tilespmem:s10], [sflag:$0x1] =	stream.indirect.gather [hbm4b:s2+s9], $0x80, s21, s9, $0xb8;
	[tilespmem:$0x1D800] =	vst v63  }
0x401: {  	_ =	swait.ge [sflag:s15], $0x3E80  }
0x402: {  	[sflag:s15] =	ssyncset.done $0x0  }
0x403: {  	s22 =	simm.s32 $0x1380;
	[sflag:s15] =	ssyncadd.s32 $0xFFFFC180  }
0x404: {  	[spmem:s3] =	stream.indirect.scatter.add.f32 [tilespmem:s12], [sflag:$0x3], $0x80, s22, s9, $0xb8;
	[tilespmem:$0x1D800] =	vst v63  }
0x405: {  	_ =	swait.ge [sflag:s6], $0x3E80  }
0x406: {  	[sflag:s6] =	ssyncset.done $0x0  }
0x407: {  	s23 =	simm.s32 $0x880;
	[sflag:s6] =	ssyncadd.s32 $0xFFFFC180  }
0x408: {  	[tilespmem:s12], [sflag:$0x2] =	stream.indirect.gather [hbm4b:s2+s9], $0x80, s23, s9, $0xb8;
	[tilespmem:$0x1D800] =	vst v63  }
0x409: {  	_ =	swait.ge [sflag:s13], $0x3E80  }
0x40a: {  	[sflag:s13] =	ssyncset.done $0x0  }
0x40b: {  	s24 =	simm.s32 $0x1400;
	[sflag:s13] =	ssyncadd.s32 $0xFFFFC180  }
0x40c: {  	[spmem:s3] =	stream.indirect.scatter.add.f32 [tilespmem:s10], [sflag:$0x3], $0x80, s24, s9, $0xb8;
	[tilespmem:$0x1D800] =	vst v63  }
0x40d: {  	_ =	swait.ge [sflag:s6], $0x3E80  }
0x40e: {  	[sflag:s6] =	ssyncset.done $0x0  }
0x40f: {  	s25 =	simm.s32 $0x900;
	[sflag:s6] =	ssyncadd.s32 $0xFFFFC180  }
0x410: {  	[tilespmem:s10], [sflag:$0x1] =	stream.indirect.gather [hbm4b:s2+s9], $0x80, s25, s9, $0xb8;
	[tilespmem:$0x1D800] =	vst v63  }
0x411: {  	_ =	swait.ge [sflag:s15], $0x3E80  }
0x412: {  	[sflag:s15] =	ssyncset.done $0x0  }
0x413: {  	s26 =	simm.s32 $0x1480;
	[sflag:s15] =	ssyncadd.s32 $0xFFFFC180  }
0x414: {  	[spmem:s3] =	stream.indirect.scatter.add.f32 [tilespmem:s12], [sflag:$0x3], $0x80, s26, s9, $0xb8;
	[tilespmem:$0x1D800] =	vst v63  }
0x415: {  	_ =	swait.ge [sflag:s6], $0x3E80  }
0x416: {  	[sflag:s6] =	ssyncset.done $0x0  }
0x417: {  	s28 =	simm.s32 $0x980;
	[sflag:s6] =	ssyncadd.s32 $0xFFFFC180  }
0x418: {  	[tilespmem:s12], [sflag:$0x2] =	stream.indirect.gather [hbm4b:s2+s9], $0x80, s28, s9, $0xb8;
	[tilespmem:$0x1D800] =	vst v63  }
0x419: {  	_ =	swait.ge [sflag:s13], $0x3E80  }
0x41a: {  	[sflag:s13] =	ssyncset.done $0x0  }
0x41b: {  	s29 =	simm.s32 $0x1500;
	[sflag:s13] =	ssyncadd.s32 $0xFFFFC180  }
0x41c: {  	[spmem:s3] =	stream.indirect.scatter.add.f32 [tilespmem:s10], [sflag:$0x3], $0x80, s29, s9, $0xb8;
	[tilespmem:$0x1D800] =	vst v63  }
0x41d: {  	_ =	swait.ge [sflag:s6], $0x3E80  }
0x41e: {  	[sflag:s6] =	ssyncset.done $0x0  }
0x41f: {  	[sflag:s6] =	ssyncadd.s32 $0xFFFFC180  }
0x420: {  	_ =	swait.ge [sflag:s15], $0x3E80  }
0x421: {  	[sflag:s15] =	ssyncset.done $0x0  }
0x422: {  	s30 =	simm.s32 $0x1580;
	[sflag:s15] =	ssyncadd.s32 $0xFFFFC180  }
0x423: {  	[spmem:s3] =	stream.indirect.scatter.add.f32 [tilespmem:s12], [sflag:$0x3], $0x80, s30, s9, $0xb8;
	[tilespmem:$0x1D800] =	vst v63  }
0x424: {  	_ =	swait.ge [sflag:s6], $0x3E80  }
0x425: {  	[sflag:s6] =	ssyncset.done $0x0  }
0x426: {  	s30 =	rddreg [dreg:$0x9];
	[sflag:s6] =	ssyncadd.s32 $0xFFFFC180  }
0x427: {  	[tilespmem:s1], [sflag:$0x3] =	stream.linear.gather [hbm4b:s30+s1], $0xA00, $0x38;
	[tilespmem:$0x1D800] =	vst v63  }
0x428: {  	_ =	swait.ge [sflag:s6], $0xA00  }
0x429: {  	[sflag:s6] =	ssyncset.done $0x0  }
0x42a: {  	s30 =	rddreg [dreg:$0xa];
	[sflag:s6] =	ssyncadd.s32 $0xFFFFF600  }
0x42b: {  	[tilespmem:s4], [sflag:$0x3] =	stream.linear.gather [hbm4b:s30+s1], $0xA00, $0x38;
	[tilespmem:$0x1D800] =	vst v63  }
0x42c: {  	_ =	swait.ge [sflag:s6], $0xA00  }
0x42d: {  	[sflag:s6] =	ssyncset.done $0x0  }
0x42e: {  	[sflag:s6] =	ssyncadd.s32 $0xFFFFF600  }
0x42f: {  	[tilespmem:s10], [sflag:$0x1] =	stream.indirect.gather [hbm4b:s2+s9], $0x80, s1, s9, $0xb8;
	[tilespmem:$0x1D800] =	vst v63  }
0x430: {  	s30 =	simm.s32 $0x80  }
0x431: {  	[tilespmem:s12], [sflag:$0x2] =	stream.indirect.gather [hbm4b:s2+s9], $0x80, s30, s9, $0xb8;
	[tilespmem:$0x1D800] =	vst v63  }
0x432: {  	_ =	swait.ge [sflag:s13], $0x3E80  }
0x433: {  	[sflag:s13] =	ssyncset.done $0x0  }
0x434: {  	[sflag:s13] =	ssyncadd.s32 $0xFFFFC180  }
0x435: {  	[spmem:s3] =	stream.indirect.scatter.add.f32 [tilespmem:s10], [sflag:$0x3], $0x80, s4, s9, $0xb8;
	[tilespmem:$0x1D800] =	vst v63  }
0x436: {  	_ =	swait.ge [sflag:s6], $0x3E80  }
0x437: {  	[sflag:s6] =	ssyncset.done $0x0  }
0x438: {  	s30 =	simm.s32 $0x100;
	[sflag:s6] =	ssyncadd.s32 $0xFFFFC180  }
0x439: {  	[tilespmem:s10], [sflag:$0x1] =	stream.indirect.gather [hbm4b:s2+s9], $0x80, s30, s9, $0xb8;
	[tilespmem:$0x1D800] =	vst v63  }
0x43a: {  	_ =	swait.ge [sflag:s15], $0x3E80  }
0x43b: {  	[sflag:s15] =	ssyncset.done $0x0  }
0x43c: {  	s30 =	simm.s32 $0xC80;
	[sflag:s15] =	ssyncadd.s32 $0xFFFFC180  }
0x43d: {  	[spmem:s3] =	stream.indirect.scatter.add.f32 [tilespmem:s12], [sflag:$0x3], $0x80, s30, s9, $0xb8;
	[tilespmem:$0x1D800] =	vst v63  }
0x43e: {  	_ =	swait.ge [sflag:s6], $0x3E80  }
0x43f: {  	[sflag:s6] =	ssyncset.done $0x0  }
0x440: {  	s30 =	simm.s32 $0x180;
	[sflag:s6] =	ssyncadd.s32 $0xFFFFC180  }
0x441: {  	[tilespmem:s12], [sflag:$0x2] =	stream.indirect.gather [hbm4b:s2+s9], $0x80, s30, s9, $0xb8;
	[tilespmem:$0x1D800] =	vst v63  }
0x442: {  	_ =	swait.ge [sflag:s13], $0x3E80  }
0x443: {  	[sflag:s13] =	ssyncset.done $0x0  }
0x444: {  	s30 =	simm.s32 $0xD00;
	[sflag:s13] =	ssyncadd.s32 $0xFFFFC180  }
0x445: {  	[spmem:s3] =	stream.indirect.scatter.add.f32 [tilespmem:s10], [sflag:$0x3], $0x80, s30, s9, $0xb8;
	[tilespmem:$0x1D800] =	vst v63  }
0x446: {  	_ =	swait.ge [sflag:s6], $0x3E80  }
0x447: {  	[sflag:s6] =	ssyncset.done $0x0  }
0x448: {  	s30 =	simm.s32 $0x200;
	[sflag:s6] =	ssyncadd.s32 $0xFFFFC180  }
0x449: {  	[tilespmem:s10], [sflag:$0x1] =	stream.indirect.gather [hbm4b:s2+s9], $0x80, s30, s9, $0xb8;
	[tilespmem:$0x1D800] =	vst v63  }
0x44a: {  	_ =	swait.ge [sflag:s15], $0x3E80  }
0x44b: {  	[sflag:s15] =	ssyncset.done $0x0  }
0x44c: {  	s30 =	simm.s32 $0xD80;
	[sflag:s15] =	ssyncadd.s32 $0xFFFFC180  }
0x44d: {  	[spmem:s3] =	stream.indirect.scatter.add.f32 [tilespmem:s12], [sflag:$0x3], $0x80, s30, s9, $0xb8;
	[tilespmem:$0x1D800] =	vst v63  }
0x44e: {  	_ =	swait.ge [sflag:s6], $0x3E80  }
0x44f: {  	[sflag:s6] =	ssyncset.done $0x0  }
0x450: {  	s30 =	simm.s32 $0x280;
	[sflag:s6] =	ssyncadd.s32 $0xFFFFC180  }
0x451: {  	[tilespmem:s12], [sflag:$0x2] =	stream.indirect.gather [hbm4b:s2+s9], $0x80, s30, s9, $0xb8;
	[tilespmem:$0x1D800] =	vst v63  }
0x452: {  	_ =	swait.ge [sflag:s13], $0x3E80  }
0x453: {  	[sflag:s13] =	ssyncset.done $0x0  }
0x454: {  	s30 =	simm.s32 $0xE00;
	[sflag:s13] =	ssyncadd.s32 $0xFFFFC180  }
0x455: {  	[spmem:s3] =	stream.indirect.scatter.add.f32 [tilespmem:s10], [sflag:$0x3], $0x80, s30, s9, $0xb8;
	[tilespmem:$0x1D800] =	vst v63  }
0x456: {  	_ =	swait.ge [sflag:s6], $0x3E80  }
0x457: {  	[sflag:s6] =	ssyncset.done $0x0  }
0x458: {  	s30 =	simm.s32 $0x300;
	[sflag:s6] =	ssyncadd.s32 $0xFFFFC180  }
0x459: {  	[tilespmem:s10], [sflag:$0x1] =	stream.indirect.gather [hbm4b:s2+s9], $0x80, s30, s9, $0xb8;
	[tilespmem:$0x1D800] =	vst v63  }
0x45a: {  	_ =	swait.ge [sflag:s15], $0x3E80  }
0x45b: {  	[sflag:s15] =	ssyncset.done $0x0  }
0x45c: {  	s30 =	simm.s32 $0xE80;
	[sflag:s15] =	ssyncadd.s32 $0xFFFFC180  }
0x45d: {  	[spmem:s3] =	stream.indirect.scatter.add.f32 [tilespmem:s12], [sflag:$0x3], $0x80, s30, s9, $0xb8;
	[tilespmem:$0x1D800] =	vst v63  }
0x45e: {  	_ =	swait.ge [sflag:s6], $0x3E80  }
0x45f: {  	[sflag:s6] =	ssyncset.done $0x0  }
0x460: {  	s30 =	simm.s32 $0x380;
	[sflag:s6] =	ssyncadd.s32 $0xFFFFC180  }
0x461: {  	[tilespmem:s12], [sflag:$0x2] =	stream.indirect.gather [hbm4b:s2+s9], $0x80, s30, s9, $0xb8;
	[tilespmem:$0x1D800] =	vst v63  }
0x462: {  	_ =	swait.ge [sflag:s13], $0x3E80  }
0x463: {  	[sflag:s13] =	ssyncset.done $0x0  }
0x464: {  	s30 =	simm.s32 $0xF00;
	[sflag:s13] =	ssyncadd.s32 $0xFFFFC180  }
0x465: {  	[spmem:s3] =	stream.indirect.scatter.add.f32 [tilespmem:s10], [sflag:$0x3], $0x80, s30, s9, $0xb8;
	[tilespmem:$0x1D800] =	vst v63  }
0x466: {  	_ =	swait.ge [sflag:s6], $0x3E80  }
0x467: {  	[sflag:s6] =	ssyncset.done $0x0  }
0x468: {  	s30 =	simm.s32 $0x400;
	[sflag:s6] =	ssyncadd.s32 $0xFFFFC180  }
0x469: {  	[tilespmem:s10], [sflag:$0x1] =	stream.indirect.gather [hbm4b:s2+s9], $0x80, s30, s9, $0xb8;
	[tilespmem:$0x1D800] =	vst v63  }
0x46a: {  	_ =	swait.ge [sflag:s15], $0x3E80  }
0x46b: {  	[sflag:s15] =	ssyncset.done $0x0  }
0x46c: {  	s30 =	simm.s32 $0xF80;
	[sflag:s15] =	ssyncadd.s32 $0xFFFFC180  }
0x46d: {  	[spmem:s3] =	stream.indirect.scatter.add.f32 [tilespmem:s12], [sflag:$0x3], $0x80, s30, s9, $0xb8;
	[tilespmem:$0x1D800] =	vst v63  }
0x46e: {  	_ =	swait.ge [sflag:s6], $0x3E80  }
0x46f: {  	[sflag:s6] =	ssyncset.done $0x0  }
0x470: {  	s30 =	simm.s32 $0x480;
	[sflag:s6] =	ssyncadd.s32 $0xFFFFC180  }
0x471: {  	[tilespmem:s12], [sflag:$0x2] =	stream.indirect.gather [hbm4b:s2+s9], $0x80, s30, s9, $0xb8;
	[tilespmem:$0x1D800] =	vst v63  }
0x472: {  	_ =	swait.ge [sflag:s13], $0x3E80  }
0x473: {  	[sflag:s13] =	ssyncset.done $0x0  }
0x474: {  	s30 =	simm.s32 $0x1000;
	[sflag:s13] =	ssyncadd.s32 $0xFFFFC180  }
0x475: {  	[spmem:s3] =	stream.indirect.scatter.add.f32 [tilespmem:s10], [sflag:$0x3], $0x80, s30, s9, $0xb8;
	[tilespmem:$0x1D800] =	vst v63  }
0x476: {  	_ =	swait.ge [sflag:s6], $0x3E80  }
0x477: {  	[sflag:s6] =	ssyncset.done $0x0  }
0x478: {  	s30 =	simm.s32 $0x500;
	[sflag:s6] =	ssyncadd.s32 $0xFFFFC180  }
0x479: {  	[tilespmem:s10], [sflag:$0x1] =	stream.indirect.gather [hbm4b:s2+s9], $0x80, s30, s9, $0xb8;
	[tilespmem:$0x1D800] =	vst v63  }
0x47a: {  	_ =	swait.ge [sflag:s15], $0x3E80  }
0x47b: {  	[sflag:s15] =	ssyncset.done $0x0  }
0x47c: {  	s30 =	simm.s32 $0x1080;
	[sflag:s15] =	ssyncadd.s32 $0xFFFFC180  }
0x47d: {  	[spmem:s3] =	stream.indirect.scatter.add.f32 [tilespmem:s12], [sflag:$0x3], $0x80, s30, s9, $0xb8;
	[tilespmem:$0x1D800] =	vst v63  }
0x47e: {  	_ =	swait.ge [sflag:s6], $0x3E80  }
0x47f: {  	[sflag:s6] =	ssyncset.done $0x0  }
0x480: {  	s31 =	simm.s32 $0x580;
	[sflag:s6] =	ssyncadd.s32 $0xFFFFC180  }
0x481: {  	[tilespmem:s12], [sflag:$0x2] =	stream.indirect.gather [hbm4b:s2+s9], $0x80, s31, s9, $0xb8;
	[tilespmem:$0x1D800] =	vst v63  }
0x482: {  	_ =	swait.ge [sflag:s13], $0x3E80  }
0x483: {  	[sflag:s13] =	ssyncset.done $0x0  }
0x484: {  	s7 =	simm.s32 $0x1100;
	[sflag:s13] =	ssyncadd.s32 $0xFFFFC180  }
0x485: {  	[spmem:s3] =	stream.indirect.scatter.add.f32 [tilespmem:s10], [sflag:$0x3], $0x80, s7, s9, $0xb8;
	[tilespmem:$0x1D800] =	vst v63  }
0x486: {  	_ =	swait.ge [sflag:s6], $0x3E80  }
0x487: {  	[sflag:s6] =	ssyncset.done $0x0  }
0x488: {  	s8 =	simm.s32 $0x600;
	[sflag:s6] =	ssyncadd.s32 $0xFFFFC180  }
0x489: {  	[tilespmem:s10], [sflag:$0x1] =	stream.indirect.gather [hbm4b:s2+s9], $0x80, s8, s9, $0xb8;
	[tilespmem:$0x1D800] =	vst v63  }
0x48a: {  	_ =	swait.ge [sflag:s15], $0x3E80  }
0x48b: {  	[sflag:s15] =	ssyncset.done $0x0  }
0x48c: {  	s11 =	simm.s32 $0x1180;
	[sflag:s15] =	ssyncadd.s32 $0xFFFFC180  }
0x48d: {  	[spmem:s3] =	stream.indirect.scatter.add.f32 [tilespmem:s12], [sflag:$0x3], $0x80, s11, s9, $0xb8;
	[tilespmem:$0x1D800] =	vst v63  }
0x48e: {  	_ =	swait.ge [sflag:s6], $0x3E80  }
0x48f: {  	[sflag:s6] =	ssyncset.done $0x0  }
0x490: {  	s14 =	simm.s32 $0x680;
	[sflag:s6] =	ssyncadd.s32 $0xFFFFC180  }
0x491: {  	[tilespmem:s12], [sflag:$0x2] =	stream.indirect.gather [hbm4b:s2+s9], $0x80, s14, s9, $0xb8;
	[tilespmem:$0x1D800] =	vst v63  }
0x492: {  	_ =	swait.ge [sflag:s13], $0x3E80  }
0x493: {  	[sflag:s13] =	ssyncset.done $0x0  }
0x494: {  	s16 =	simm.s32 $0x1200;
	[sflag:s13] =	ssyncadd.s32 $0xFFFFC180  }
0x495: {  	[spmem:s3] =	stream.indirect.scatter.add.f32 [tilespmem:s10], [sflag:$0x3], $0x80, s16, s9, $0xb8;
	[tilespmem:$0x1D800] =	vst v63  }
0x496: {  	_ =	swait.ge [sflag:s6], $0x3E80  }
0x497: {  	[sflag:s6] =	ssyncset.done $0x0  }
0x498: {  	s17 =	simm.s32 $0x700;
	[sflag:s6] =	ssyncadd.s32 $0xFFFFC180  }
0x499: {  	[tilespmem:s10], [sflag:$0x1] =	stream.indirect.gather [hbm4b:s2+s9], $0x80, s17, s9, $0xb8;
	[tilespmem:$0x1D800] =	vst v63  }
0x49a: {  	_ =	swait.ge [sflag:s15], $0x3E80  }
0x49b: {  	[sflag:s15] =	ssyncset.done $0x0  }
0x49c: {  	s18 =	simm.s32 $0x1280;
	[sflag:s15] =	ssyncadd.s32 $0xFFFFC180  }
0x49d: {  	[spmem:s3] =	stream.indirect.scatter.add.f32 [tilespmem:s12], [sflag:$0x3], $0x80, s18, s9, $0xb8;
	[tilespmem:$0x1D800] =	vst v63  }
0x49e: {  	_ =	swait.ge [sflag:s6], $0x3E80  }
0x49f: {  	[sflag:s6] =	ssyncset.done $0x0  }
0x4a0: {  	s19 =	simm.s32 $0x780;
	[sflag:s6] =	ssyncadd.s32 $0xFFFFC180  }
0x4a1: {  	[tilespmem:s12], [sflag:$0x2] =	stream.indirect.gather [hbm4b:s2+s9], $0x80, s19, s9, $0xb8;
	[tilespmem:$0x1D800] =	vst v63  }
0x4a2: {  	_ =	swait.ge [sflag:s13], $0x3E80  }
0x4a3: {  	[sflag:s13] =	ssyncset.done $0x0  }
0x4a4: {  	s20 =	simm.s32 $0x1300;
	[sflag:s13] =	ssyncadd.s32 $0xFFFFC180  }
0x4a5: {  	[spmem:s3] =	stream.indirect.scatter.add.f32 [tilespmem:s10], [sflag:$0x3], $0x80, s20, s9, $0xb8;
	[tilespmem:$0x1D800] =	vst v63  }
0x4a6: {  	_ =	swait.ge [sflag:s6], $0x3E80  }
0x4a7: {  	[sflag:s6] =	ssyncset.done $0x0  }
0x4a8: {  	s21 =	simm.s32 $0x800;
	[sflag:s6] =	ssyncadd.s32 $0xFFFFC180  }
0x4a9: {  	[tilespmem:s10], [sflag:$0x1] =	stream.indirect.gather [hbm4b:s2+s9], $0x80, s21, s9, $0xb8;
	[tilespmem:$0x1D800] =	vst v63  }
0x4aa: {  	_ =	swait.ge [sflag:s15], $0x3E80  }
0x4ab: {  	[sflag:s15] =	ssyncset.done $0x0  }
0x4ac: {  	s22 =	simm.s32 $0x1380;
	[sflag:s15] =	ssyncadd.s32 $0xFFFFC180  }
0x4ad: {  	[spmem:s3] =	stream.indirect.scatter.add.f32 [tilespmem:s12], [sflag:$0x3], $0x80, s22, s9, $0xb8;
	[tilespmem:$0x1D800] =	vst v63  }
0x4ae: {  	_ =	swait.ge [sflag:s6], $0x3E80  }
0x4af: {  	[sflag:s6] =	ssyncset.done $0x0  }
0x4b0: {  	s23 =	simm.s32 $0x880;
	[sflag:s6] =	ssyncadd.s32 $0xFFFFC180  }
0x4b1: {  	[tilespmem:s12], [sflag:$0x2] =	stream.indirect.gather [hbm4b:s2+s9], $0x80, s23, s9, $0xb8;
	[tilespmem:$0x1D800] =	vst v63  }
0x4b2: {  	_ =	swait.ge [sflag:s13], $0x3E80  }
0x4b3: {  	[sflag:s13] =	ssyncset.done $0x0  }
0x4b4: {  	s24 =	simm.s32 $0x1400;
	[sflag:s13] =	ssyncadd.s32 $0xFFFFC180  }
0x4b5: {  	[spmem:s3] =	stream.indirect.scatter.add.f32 [tilespmem:s10], [sflag:$0x3], $0x80, s24, s9, $0xb8;
	[tilespmem:$0x1D800] =	vst v63  }
0x4b6: {  	_ =	swait.ge [sflag:s6], $0x3E80  }
0x4b7: {  	[sflag:s6] =	ssyncset.done $0x0  }
0x4b8: {  	s25 =	simm.s32 $0x900;
	[sflag:s6] =	ssyncadd.s32 $0xFFFFC180  }
0x4b9: {  	[tilespmem:s10], [sflag:$0x1] =	stream.indirect.gather [hbm4b:s2+s9], $0x80, s25, s9, $0xb8;
	[tilespmem:$0x1D800] =	vst v63  }
0x4ba: {  	_ =	swait.ge [sflag:s15], $0x3E80  }
0x4bb: {  	[sflag:s15] =	ssyncset.done $0x0  }
0x4bc: {  	s26 =	simm.s32 $0x1480;
	[sflag:s15] =	ssyncadd.s32 $0xFFFFC180  }
0x4bd: {  	[spmem:s3] =	stream.indirect.scatter.add.f32 [tilespmem:s12], [sflag:$0x3], $0x80, s26, s9, $0xb8;
	[tilespmem:$0x1D800] =	vst v63  }
0x4be: {  	_ =	swait.ge [sflag:s6], $0x3E80  }
0x4bf: {  	[sflag:s6] =	ssyncset.done $0x0  }
0x4c0: {  	s28 =	simm.s32 $0x980;
	[sflag:s6] =	ssyncadd.s32 $0xFFFFC180  }
0x4c1: {  	[tilespmem:s12], [sflag:$0x2] =	stream.indirect.gather [hbm4b:s2+s9], $0x80, s28, s9, $0xb8;
	[tilespmem:$0x1D800] =	vst v63  }
0x4c2: {  	_ =	swait.ge [sflag:s13], $0x3E80  }
0x4c3: {  	[sflag:s13] =	ssyncset.done $0x0  }
0x4c4: {  	s29 =	simm.s32 $0x1500;
	[sflag:s13] =	ssyncadd.s32 $0xFFFFC180  }
0x4c5: {  	[spmem:s3] =	stream.indirect.scatter.add.f32 [tilespmem:s10], [sflag:$0x3], $0x80, s29, s9, $0xb8;
	[tilespmem:$0x1D800] =	vst v63  }
0x4c6: {  	_ =	swait.ge [sflag:s6], $0x3E80  }
0x4c7: {  	[sflag:s6] =	ssyncset.done $0x0  }
0x4c8: {  	[sflag:s6] =	ssyncadd.s32 $0xFFFFC180  }
0x4c9: {  	_ =	swait.ge [sflag:s15], $0x3E80  }
0x4ca: {  	[sflag:s15] =	ssyncset.done $0x0  }
0x4cb: {  	s29 =	simm.s32 $0x1580;
	[sflag:s15] =	ssyncadd.s32 $0xFFFFC180  }
0x4cc: {  	[spmem:s3] =	stream.indirect.scatter.add.f32 [tilespmem:s12], [sflag:$0x3], $0x80, s29, s9, $0xb8;
	[tilespmem:$0x1D800] =	vst v63  }
0x4cd: {  	_ =	swait.ge [sflag:s6], $0x3E80  }
0x4ce: {  	[sflag:s6] =	ssyncset.done $0x0  }
0x4cf: {  	s0 =	rddreg [dreg:$0xb];
	[sflag:s6] =	ssyncadd.s32 $0xFFFFC180  }
0x4d0: {  	[tilespmem:s1], [sflag:$0x3] =	stream.linear.gather [hbm4b:s0+s1], $0xA00, $0x38;
	[tilespmem:$0x1D800] =	vst v63  }
0x4d1: {  	_ =	swait.ge [sflag:s6], $0xA00  }
0x4d2: {  	[sflag:s6] =	ssyncset.done $0x0  }
0x4d3: {  	s0 =	rddreg [dreg:$0xc];
	[sflag:s6] =	ssyncadd.s32 $0xFFFFF600  }
0x4d4: {  	[tilespmem:s4], [sflag:$0x3] =	stream.linear.gather [hbm4b:s0+s1], $0xA00, $0x38;
	[tilespmem:$0x1D800] =	vst v63  }
0x4d5: {  	_ =	swait.ge [sflag:s6], $0xA00  }
0x4d6: {  	[sflag:s6] =	ssyncset.done $0x0  }
0x4d7: {  	[sflag:s6] =	ssyncadd.s32 $0xFFFFF600  }
0x4d8: {  	[tilespmem:s10], [sflag:$0x1] =	stream.indirect.gather [hbm4b:s2+s9], $0x80, s1, s9, $0xb8;
	[tilespmem:$0x1D800] =	vst v63  }
0x4d9: {  	s0 =	simm.s32 $0x80  }
0x4da: {  	[tilespmem:s12], [sflag:$0x2] =	stream.indirect.gather [hbm4b:s2+s9], $0x80, s0, s9, $0xb8;
	[tilespmem:$0x1D800] =	vst v63  }
0x4db: {  	_ =	swait.ge [sflag:s13], $0x3E80  }
0x4dc: {  	[sflag:s13] =	ssyncset.done $0x0  }
0x4dd: {  	[sflag:s13] =	ssyncadd.s32 $0xFFFFC180  }
0x4de: {  	[spmem:s3] =	stream.indirect.scatter.add.f32 [tilespmem:s10], [sflag:$0x3], $0x80, s4, s9, $0xb8;
	[tilespmem:$0x1D800] =	vst v63  }
0x4df: {  	_ =	swait.ge [sflag:s6], $0x3E80  }
0x4e0: {  	[sflag:s6] =	ssyncset.done $0x0  }
0x4e1: {  	s4 =	simm.s32 $0x100;
	[sflag:s6] =	ssyncadd.s32 $0xFFFFC180  }
0x4e2: {  	[tilespmem:s10], [sflag:$0x1] =	stream.indirect.gather [hbm4b:s2+s9], $0x80, s4, s9, $0xb8;
	[tilespmem:$0x1D800] =	vst v63  }
0x4e3: {  	_ =	swait.ge [sflag:s15], $0x3E80  }
0x4e4: {  	[sflag:s15] =	ssyncset.done $0x0  }
0x4e5: {  	s4 =	simm.s32 $0xC80;
	[sflag:s15] =	ssyncadd.s32 $0xFFFFC180  }
0x4e6: {  	[spmem:s3] =	stream.indirect.scatter.add.f32 [tilespmem:s12], [sflag:$0x3], $0x80, s4, s9, $0xb8;
	[tilespmem:$0x1D800] =	vst v63  }
0x4e7: {  	_ =	swait.ge [sflag:s6], $0x3E80  }
0x4e8: {  	[sflag:s6] =	ssyncset.done $0x0  }
0x4e9: {  	s4 =	simm.s32 $0x180;
	[sflag:s6] =	ssyncadd.s32 $0xFFFFC180  }
0x4ea: {  	[tilespmem:s12], [sflag:$0x2] =	stream.indirect.gather [hbm4b:s2+s9], $0x80, s4, s9, $0xb8;
	[tilespmem:$0x1D800] =	vst v63  }
0x4eb: {  	_ =	swait.ge [sflag:s13], $0x3E80  }
0x4ec: {  	[sflag:s13] =	ssyncset.done $0x0  }
0x4ed: {  	s4 =	simm.s32 $0xD00;
	[sflag:s13] =	ssyncadd.s32 $0xFFFFC180  }
0x4ee: {  	[spmem:s3] =	stream.indirect.scatter.add.f32 [tilespmem:s10], [sflag:$0x3], $0x80, s4, s9, $0xb8;
	[tilespmem:$0x1D800] =	vst v63  }
0x4ef: {  	_ =	swait.ge [sflag:s6], $0x3E80  }
0x4f0: {  	[sflag:s6] =	ssyncset.done $0x0  }
0x4f1: {  	s4 =	simm.s32 $0x200;
	[sflag:s6] =	ssyncadd.s32 $0xFFFFC180  }
0x4f2: {  	[tilespmem:s10], [sflag:$0x1] =	stream.indirect.gather [hbm4b:s2+s9], $0x80, s4, s9, $0xb8;
	[tilespmem:$0x1D800] =	vst v63  }
0x4f3: {  	_ =	swait.ge [sflag:s15], $0x3E80  }
0x4f4: {  	[sflag:s15] =	ssyncset.done $0x0  }
0x4f5: {  	s4 =	simm.s32 $0xD80;
	[sflag:s15] =	ssyncadd.s32 $0xFFFFC180  }
0x4f6: {  	[spmem:s3] =	stream.indirect.scatter.add.f32 [tilespmem:s12], [sflag:$0x3], $0x80, s4, s9, $0xb8;
	[tilespmem:$0x1D800] =	vst v63  }
0x4f7: {  	_ =	swait.ge [sflag:s6], $0x3E80  }
0x4f8: {  	[sflag:s6] =	ssyncset.done $0x0  }
0x4f9: {  	s4 =	simm.s32 $0x280;
	[sflag:s6] =	ssyncadd.s32 $0xFFFFC180  }
0x4fa: {  	[tilespmem:s12], [sflag:$0x2] =	stream.indirect.gather [hbm4b:s2+s9], $0x80, s4, s9, $0xb8;
	[tilespmem:$0x1D800] =	vst v63  }
0x4fb: {  	_ =	swait.ge [sflag:s13], $0x3E80  }
0x4fc: {  	[sflag:s13] =	ssyncset.done $0x0  }
0x4fd: {  	s4 =	simm.s32 $0xE00;
	[sflag:s13] =	ssyncadd.s32 $0xFFFFC180  }
0x4fe: {  	[spmem:s3] =	stream.indirect.scatter.add.f32 [tilespmem:s10], [sflag:$0x3], $0x80, s4, s9, $0xb8;
	[tilespmem:$0x1D800] =	vst v63  }
0x4ff: {  	_ =	swait.ge [sflag:s6], $0x3E80  }
0x500: {  	[sflag:s6] =	ssyncset.done $0x0  }
0x501: {  	s4 =	simm.s32 $0x300;
	[sflag:s6] =	ssyncadd.s32 $0xFFFFC180  }
0x502: {  	[tilespmem:s10], [sflag:$0x1] =	stream.indirect.gather [hbm4b:s2+s9], $0x80, s4, s9, $0xb8;
	[tilespmem:$0x1D800] =	vst v63  }
0x503: {  	_ =	swait.ge [sflag:s15], $0x3E80  }
0x504: {  	[sflag:s15] =	ssyncset.done $0x0  }
0x505: {  	s4 =	simm.s32 $0xE80;
	[sflag:s15] =	ssyncadd.s32 $0xFFFFC180  }
0x506: {  	[spmem:s3] =	stream.indirect.scatter.add.f32 [tilespmem:s12], [sflag:$0x3], $0x80, s4, s9, $0xb8;
	[tilespmem:$0x1D800] =	vst v63  }
0x507: {  	_ =	swait.ge [sflag:s6], $0x3E80  }
0x508: {  	[sflag:s6] =	ssyncset.done $0x0  }
0x509: {  	s4 =	simm.s32 $0x380;
	[sflag:s6] =	ssyncadd.s32 $0xFFFFC180  }
0x50a: {  	[tilespmem:s12], [sflag:$0x2] =	stream.indirect.gather [hbm4b:s2+s9], $0x80, s4, s9, $0xb8;
	[tilespmem:$0x1D800] =	vst v63  }
0x50b: {  	_ =	swait.ge [sflag:s13], $0x3E80  }
0x50c: {  	[sflag:s13] =	ssyncset.done $0x0  }
0x50d: {  	s4 =	simm.s32 $0xF00;
	[sflag:s13] =	ssyncadd.s32 $0xFFFFC180  }
0x50e: {  	[spmem:s3] =	stream.indirect.scatter.add.f32 [tilespmem:s10], [sflag:$0x3], $0x80, s4, s9, $0xb8;
	[tilespmem:$0x1D800] =	vst v63  }
0x50f: {  	_ =	swait.ge [sflag:s6], $0x3E80  }
0x510: {  	[sflag:s6] =	ssyncset.done $0x0  }
0x511: {  	s4 =	simm.s32 $0x400;
	[sflag:s6] =	ssyncadd.s32 $0xFFFFC180  }
0x512: {  	[tilespmem:s10], [sflag:$0x1] =	stream.indirect.gather [hbm4b:s2+s9], $0x80, s4, s9, $0xb8;
	[tilespmem:$0x1D800] =	vst v63  }
0x513: {  	_ =	swait.ge [sflag:s15], $0x3E80  }
0x514: {  	[sflag:s15] =	ssyncset.done $0x0  }
0x515: {  	s4 =	simm.s32 $0xF80;
	[sflag:s15] =	ssyncadd.s32 $0xFFFFC180  }
0x516: {  	[spmem:s3] =	stream.indirect.scatter.add.f32 [tilespmem:s12], [sflag:$0x3], $0x80, s4, s9, $0xb8;
	[tilespmem:$0x1D800] =	vst v63  }
0x517: {  	_ =	swait.ge [sflag:s6], $0x3E80  }
0x518: {  	[sflag:s6] =	ssyncset.done $0x0  }
0x519: {  	s4 =	simm.s32 $0x480;
	[sflag:s6] =	ssyncadd.s32 $0xFFFFC180  }
0x51a: {  	[tilespmem:s12], [sflag:$0x2] =	stream.indirect.gather [hbm4b:s2+s9], $0x80, s4, s9, $0xb8;
	[tilespmem:$0x1D800] =	vst v63  }
0x51b: {  	_ =	swait.ge [sflag:s13], $0x3E80  }
0x51c: {  	[sflag:s13] =	ssyncset.done $0x0  }
0x51d: {  	s4 =	simm.s32 $0x1000;
	[sflag:s13] =	ssyncadd.s32 $0xFFFFC180  }
0x51e: {  	[spmem:s3] =	stream.indirect.scatter.add.f32 [tilespmem:s10], [sflag:$0x3], $0x80, s4, s9, $0xb8;
	[tilespmem:$0x1D800] =	vst v63  }
0x51f: {  	_ =	swait.ge [sflag:s6], $0x3E80  }
0x520: {  	[sflag:s6] =	ssyncset.done $0x0  }
0x521: {  	s4 =	simm.s32 $0x500;
	[sflag:s6] =	ssyncadd.s32 $0xFFFFC180  }
0x522: {  	[tilespmem:s10], [sflag:$0x1] =	stream.indirect.gather [hbm4b:s2+s9], $0x80, s4, s9, $0xb8;
	[tilespmem:$0x1D800] =	vst v63  }
0x523: {  	_ =	swait.ge [sflag:s15], $0x3E80  }
0x524: {  	[sflag:s15] =	ssyncset.done $0x0  }
0x525: {  	s4 =	simm.s32 $0x1080;
	[sflag:s15] =	ssyncadd.s32 $0xFFFFC180  }
0x526: {  	[spmem:s3] =	stream.indirect.scatter.add.f32 [tilespmem:s12], [sflag:$0x3], $0x80, s4, s9, $0xb8;
	[tilespmem:$0x1D800] =	vst v63  }
0x527: {  	_ =	swait.ge [sflag:s6], $0x3E80  }
0x528: {  	[sflag:s6] =	ssyncset.done $0x0  }
0x529: {  	s30 =	simm.s32 $0x580;
	[sflag:s6] =	ssyncadd.s32 $0xFFFFC180  }
0x52a: {  	[tilespmem:s12], [sflag:$0x2] =	stream.indirect.gather [hbm4b:s2+s9], $0x80, s30, s9, $0xb8;
	[tilespmem:$0x1D800] =	vst v63  }
0x52b: {  	_ =	swait.ge [sflag:s13], $0x3E80  }
0x52c: {  	[sflag:s13] =	ssyncset.done $0x0  }
0x52d: {  	s31 =	simm.s32 $0x1100;
	[sflag:s13] =	ssyncadd.s32 $0xFFFFC180  }
0x52e: {  	[spmem:s3] =	stream.indirect.scatter.add.f32 [tilespmem:s10], [sflag:$0x3], $0x80, s31, s9, $0xb8;
	[tilespmem:$0x1D800] =	vst v63  }
0x52f: {  	_ =	swait.ge [sflag:s6], $0x3E80  }
0x530: {  	[sflag:s6] =	ssyncset.done $0x0  }
0x531: {  	s7 =	simm.s32 $0x600;
	[sflag:s6] =	ssyncadd.s32 $0xFFFFC180  }
0x532: {  	[tilespmem:s10], [sflag:$0x1] =	stream.indirect.gather [hbm4b:s2+s9], $0x80, s7, s9, $0xb8;
	[tilespmem:$0x1D800] =	vst v63  }
0x533: {  	_ =	swait.ge [sflag:s15], $0x3E80  }
0x534: {  	[sflag:s15] =	ssyncset.done $0x0  }
0x535: {  	s8 =	simm.s32 $0x1180;
	[sflag:s15] =	ssyncadd.s32 $0xFFFFC180  }
0x536: {  	[spmem:s3] =	stream.indirect.scatter.add.f32 [tilespmem:s12], [sflag:$0x3], $0x80, s8, s9, $0xb8;
	[tilespmem:$0x1D800] =	vst v63  }
0x537: {  	_ =	swait.ge [sflag:s6], $0x3E80  }
0x538: {  	[sflag:s6] =	ssyncset.done $0x0  }
0x539: {  	s11 =	simm.s32 $0x680;
	[sflag:s6] =	ssyncadd.s32 $0xFFFFC180  }
0x53a: {  	[tilespmem:s12], [sflag:$0x2] =	stream.indirect.gather [hbm4b:s2+s9], $0x80, s11, s9, $0xb8;
	[tilespmem:$0x1D800] =	vst v63  }
0x53b: {  	_ =	swait.ge [sflag:s13], $0x3E80  }
0x53c: {  	[sflag:s13] =	ssyncset.done $0x0  }
0x53d: {  	s14 =	simm.s32 $0x1200;
	[sflag:s13] =	ssyncadd.s32 $0xFFFFC180  }
0x53e: {  	[spmem:s3] =	stream.indirect.scatter.add.f32 [tilespmem:s10], [sflag:$0x3], $0x80, s14, s9, $0xb8;
	[tilespmem:$0x1D800] =	vst v63  }
0x53f: {  	_ =	swait.ge [sflag:s6], $0x3E80  }
0x540: {  	[sflag:s6] =	ssyncset.done $0x0  }
0x541: {  	s16 =	simm.s32 $0x700;
	[sflag:s6] =	ssyncadd.s32 $0xFFFFC180  }
0x542: {  	[tilespmem:s10], [sflag:$0x1] =	stream.indirect.gather [hbm4b:s2+s9], $0x80, s16, s9, $0xb8;
	[tilespmem:$0x1D800] =	vst v63  }
0x543: {  	_ =	swait.ge [sflag:s15], $0x3E80  }
0x544: {  	[sflag:s15] =	ssyncset.done $0x0  }
0x545: {  	s17 =	simm.s32 $0x1280;
	[sflag:s15] =	ssyncadd.s32 $0xFFFFC180  }
0x546: {  	[spmem:s3] =	stream.indirect.scatter.add.f32 [tilespmem:s12], [sflag:$0x3], $0x80, s17, s9, $0xb8;
	[tilespmem:$0x1D800] =	vst v63  }
0x547: {  	_ =	swait.ge [sflag:s6], $0x3E80  }
0x548: {  	[sflag:s6] =	ssyncset.done $0x0  }
0x549: {  	s18 =	simm.s32 $0x780;
	[sflag:s6] =	ssyncadd.s32 $0xFFFFC180  }
0x54a: {  	[tilespmem:s12], [sflag:$0x2] =	stream.indirect.gather [hbm4b:s2+s9], $0x80, s18, s9, $0xb8;
	[tilespmem:$0x1D800] =	vst v63  }
0x54b: {  	_ =	swait.ge [sflag:s13], $0x3E80  }
0x54c: {  	[sflag:s13] =	ssyncset.done $0x0  }
0x54d: {  	s19 =	simm.s32 $0x1300;
	[sflag:s13] =	ssyncadd.s32 $0xFFFFC180  }
0x54e: {  	[spmem:s3] =	stream.indirect.scatter.add.f32 [tilespmem:s10], [sflag:$0x3], $0x80, s19, s9, $0xb8;
	[tilespmem:$0x1D800] =	vst v63  }
0x54f: {  	_ =	swait.ge [sflag:s6], $0x3E80  }
0x550: {  	[sflag:s6] =	ssyncset.done $0x0  }
0x551: {  	s20 =	simm.s32 $0x800;
	[sflag:s6] =	ssyncadd.s32 $0xFFFFC180  }
0x552: {  	[tilespmem:s10], [sflag:$0x1] =	stream.indirect.gather [hbm4b:s2+s9], $0x80, s20, s9, $0xb8;
	[tilespmem:$0x1D800] =	vst v63  }
0x553: {  	_ =	swait.ge [sflag:s15], $0x3E80  }
0x554: {  	[sflag:s15] =	ssyncset.done $0x0  }
0x555: {  	s21 =	simm.s32 $0x1380;
	[sflag:s15] =	ssyncadd.s32 $0xFFFFC180  }
0x556: {  	[spmem:s3] =	stream.indirect.scatter.add.f32 [tilespmem:s12], [sflag:$0x3], $0x80, s21, s9, $0xb8;
	[tilespmem:$0x1D800] =	vst v63  }
0x557: {  	_ =	swait.ge [sflag:s6], $0x3E80  }
0x558: {  	[sflag:s6] =	ssyncset.done $0x0  }
0x559: {  	s22 =	simm.s32 $0x880;
	[sflag:s6] =	ssyncadd.s32 $0xFFFFC180  }
0x55a: {  	[tilespmem:s12], [sflag:$0x2] =	stream.indirect.gather [hbm4b:s2+s9], $0x80, s22, s9, $0xb8;
	[tilespmem:$0x1D800] =	vst v63  }
0x55b: {  	_ =	swait.ge [sflag:s13], $0x3E80  }
0x55c: {  	[sflag:s13] =	ssyncset.done $0x0  }
0x55d: {  	s23 =	simm.s32 $0x1400;
	[sflag:s13] =	ssyncadd.s32 $0xFFFFC180  }
0x55e: {  	[spmem:s3] =	stream.indirect.scatter.add.f32 [tilespmem:s10], [sflag:$0x3], $0x80, s23, s9, $0xb8;
	[tilespmem:$0x1D800] =	vst v63  }
0x55f: {  	_ =	swait.ge [sflag:s6], $0x3E80  }
0x560: {  	[sflag:s6] =	ssyncset.done $0x0  }
0x561: {  	s24 =	simm.s32 $0x900;
	[sflag:s6] =	ssyncadd.s32 $0xFFFFC180  }
0x562: {  	[tilespmem:s10], [sflag:$0x1] =	stream.indirect.gather [hbm4b:s2+s9], $0x80, s24, s9, $0xb8;
	[tilespmem:$0x1D800] =	vst v63  }
0x563: {  	_ =	swait.ge [sflag:s15], $0x3E80  }
0x564: {  	[sflag:s15] =	ssyncset.done $0x0  }
0x565: {  	s25 =	simm.s32 $0x1480;
	[sflag:s15] =	ssyncadd.s32 $0xFFFFC180  }
0x566: {  	[spmem:s3] =	stream.indirect.scatter.add.f32 [tilespmem:s12], [sflag:$0x3], $0x80, s25, s9, $0xb8;
	[tilespmem:$0x1D800] =	vst v63  }
0x567: {  	_ =	swait.ge [sflag:s6], $0x3E80  }
0x568: {  	[sflag:s6] =	ssyncset.done $0x0  }
0x569: {  	s26 =	simm.s32 $0x980;
	[sflag:s6] =	ssyncadd.s32 $0xFFFFC180  }
0x56a: {  	[tilespmem:s12], [sflag:$0x2] =	stream.indirect.gather [hbm4b:s2+s9], $0x80, s26, s9, $0xb8;
	[tilespmem:$0x1D800] =	vst v63  }
0x56b: {  	_ =	swait.ge [sflag:s13], $0x3E80  }
0x56c: {  	[sflag:s13] =	ssyncset.done $0x0  }
0x56d: {  	s28 =	simm.s32 $0x1500;
	[sflag:s13] =	ssyncadd.s32 $0xFFFFC180  }
0x56e: {  	[spmem:s3] =	stream.indirect.scatter.add.f32 [tilespmem:s10], [sflag:$0x3], $0x80, s28, s9, $0xb8;
	[tilespmem:$0x1D800] =	vst v63  }
0x56f: {  	_ =	swait.ge [sflag:s6], $0x3E80  }
0x570: {  	[sflag:s6] =	ssyncset.done $0x0  }
0x571: {  	[sflag:s6] =	ssyncadd.s32 $0xFFFFC180  }
0x572: {  	_ =	swait.ge [sflag:s15], $0x3E80  }
0x573: {  	[sflag:s15] =	ssyncset.done $0x0  }
0x574: {  	s29 =	simm.s32 $0x1580;
	[sflag:s15] =	ssyncadd.s32 $0xFFFFC180  }
0x575: {  	[spmem:s3] =	stream.indirect.scatter.add.f32 [tilespmem:s12], [sflag:$0x3], $0x80, s29, s9, $0xb8;
	[tilespmem:$0x1D800] =	vst v63  }
0x576: {  	_ =	swait.ge [sflag:s6], $0x3E80  }
0x577: {  	[sflag:s6] =	ssyncset.done $0x0  }
0x578: {  	[sflag:s6] =	ssyncadd.s32 $0xFFFFC180  }
0x579: {  	p0 =	sne.s32 s5, $0x1;
	[bflag:$0x0] =	sbarrier.arrive $0xFFFF  }
.Ltmp1:
0x57a: {  	s29 =	rddreg [dreg:$0xd];
	(pc) =	sbr.rel @p0 .LBB2_2-.Ltmp1, $4  }
0x57b: {  	s30 =	rddreg [dreg:$0xf]  }
0x57c: {  	s31 =	rddreg [dreg:$0xe]  }
0x57d: {  	[hbm:s29], [sflag:s31] =	dma.local [spmem:s30], $0x2800  }
0x57e: {  	s5 =	sadd.s32 $0xFFFFFFFF, s5;
	_ =	swait.ge [sflag:s6], $0x2800  }
.LBB2_3:
0x57f: {  	[sflag:s6] =	ssyncset.done $0x0  }
0x580: {  	[sflag:s6] =	ssyncadd.s32 $0xFFFFD800  }
0x581: {  	_ =	sfence.sel $0x180000  }
0x582: {  	[bflag:$0x0] =	sbarrier.arrive $0xFFFF  }
0x583: {  	_ =	strace $0x90000047  }
0x584: {  	s0 =	stileid.u32;
	[bflag:$0x2] =	sbarrier.arrive $0xFFFF  }
0x585: {  	p0 =	sne.s32 s0, $0x0;
	s0 =	rddreg [dreg:$0x3]  }
0x586: {  	s0 =	sadd.s32 @!p0 $0x100000, s0  }
0x587: {  	[sflag:s0] =	ssyncadd.tile.s32 @!p0 $0x1;
	_ =	shalt  }
.Lfunc_end2:
_tile_overlayer_lowered:
.L_overlay_start_2:
0x588: {  	(tag) =	ssettag $0x2  }
0x589: {  	s0 =	rddreg [dreg:$0x0];
	s2 =	stileid.u32  }
0x58a: {  	s1 =	rddreg [dreg:$0x1];
	p0 =	sne.s32 s2, $0x0  }
0x58b: {  	s3 =	rddreg [dreg:$0x2];
	[bflag:$0x3] =	sbarrier.arrive $0xFFFF;
	s2 =	simm.s32 @!p0 $0x1C03  }
0x58c: {  	[timem:s3], [sflag:s2] =	dma.local @!p0 [hbm:s0], s1  }
0x58d: {  	s0 =	simm.s32 @!p0 $0x3  }
0x58e: {  	_ =	swait.ge @!p0 [sflag:s0], s1  }
0x58f: {  	s1 =	ssub.s32 @!p0 $0x0, s1;
	[sflag:s0] =	ssyncset.done @!p0 $0x0  }
0x590: {  	[sflag:s0] =	ssyncadd.s32 @!p0 s1  }
0x591: {  	[bflag:$0x3] =	sbarrier.arrive $0xFFFF  }
0x592: {  	_ =	shalt  }

</sc_bundles>
